<compile_context>
chip_gen: v7x
topology: tpu7x:2x2x1
jax: 0.10.2.dev20260603
libtpu: 0.0.44.dev20260713+nightly
codegen_flags: <defaults>
</compile_context>

<pallas_src>
import functools

import jax
import jax.numpy as jnp
from jax import lax
from jax.experimental import pallas as pl
from jax.experimental.pallas import tpu as pltpu
from jax.experimental.pallas import tpu_sc as plsc

_N = 10000
_E = 320000
_D_IN = 128
_H = 64
_G = 16
_OUT = 2

_NC = 2
_NS = 16
_NW = _NC * _NS
_CHUNK = 128
_NCHUNK = 80
_NROWS = _E // _CHUNK
_LASTN = _NROWS - (_NW - 1) * _NCHUNK
_NBUF = 3
_NP = 10240
_RPT = _NP // _NS
_DEGW = 8

_PREC = jax.lax.Precision.DEFAULT


def _rsqrt(x):
  r = lax.rsqrt(x)
  return r * (1.5 - 0.5 * x * r * r)



def _load_slab(idx_hbm, idx_v, w):
  @pl.when(w < _NW - 1)
  def _():
    pltpu.sync_copy(idx_hbm.at[pl.ds(w * _NCHUNK, _NCHUNK)], idx_v)

  @pl.when(w == _NW - 1)
  def _():
    pltpu.sync_copy(idx_hbm.at[pl.ds((_NW - 1) * _NCHUNK, _LASTN)],
                    idx_v.at[pl.ds(0, _LASTN)])


def _nchunks(w):
  return lax.select(w == _NW - 1, _LASTN, _NCHUNK)


def _deg_body(dst_hbm, ones_hbm, zeros_hbm, out_hbm, idx_v, ones_v, acc):
  c = lax.axis_index("c")
  s = lax.axis_index("s")
  w = s * _NC + c
  pltpu.sync_copy(ones_hbm, ones_v)
  pltpu.sync_copy(zeros_hbm, acc.at[pl.ds(s * _RPT, _RPT)])
  plsc.subcore_barrier()
  _load_slab(dst_hbm, idx_v, w)

  def step(i, carry):
    pltpu.sync_copy(ones_v, acc.at[idx_v.at[i]], add=True)
    return carry

  lax.fori_loop(0, _nchunks(w), step, 0)
  plsc.subcore_barrier()
  pltpu.sync_copy(acc.at[pl.ds(s * _RPT, _RPT)],
                  out_hbm.at[c, pl.ds(s * _RPT, _RPT)])


def _msg_body(h_hbm, src_hbm, dst_hbm, zeros_hbm, out_hbm,
              sidx_v, didx_v, r0, r1, r2, h_sh, acc, g0, g1, g2):
  c = lax.axis_index("c")
  s = lax.axis_index("s")
  w = s * _NC + c
  rows = (r0, r1, r2)
  gsems = (g0, g1, g2)
  pltpu.sync_copy(zeros_hbm, acc.at[pl.ds(s * _RPT, _RPT)])

  @pl.when(s < _NS - 1)
  def _():
    pltpu.sync_copy(h_hbm.at[pl.ds(s * _RPT, _RPT)],
                    h_sh.at[pl.ds(s * _RPT, _RPT)])

  @pl.when(s == _NS - 1)
  def _():
    pltpu.sync_copy(h_hbm.at[pl.ds((_NS - 1) * _RPT, _N - (_NS - 1) * _RPT)],
                    h_sh.at[pl.ds((_NS - 1) * _RPT, _N - (_NS - 1) * _RPT)])

  plsc.subcore_barrier()
  _load_slab(src_hbm, sidx_v, w)
  _load_slab(dst_hbm, didx_v, w)

  nch = _nchunks(w)

  for b in range(_NBUF):
    pltpu.async_copy(h_sh.at[sidx_v.at[b]], rows[b], gsems[b])

  def step(k, carry):
    for b in range(_NBUF):
      i = k * _NBUF + b

      @pl.when(i < nch)
      def _():
        pltpu.make_async_copy(h_sh.at[sidx_v.at[i]], rows[b], gsems[b]).wait()
        pltpu.sync_copy(rows[b], acc.at[didx_v.at[i]], add=True)

        @pl.when(i + _NBUF < nch)
        def _():
          pltpu.async_copy(h_sh.at[sidx_v.at[i + _NBUF]], rows[b], gsems[b])

    return carry

  lax.fori_loop(0, (nch + _NBUF - 1) // _NBUF, step, 0)
  plsc.subcore_barrier()
  pltpu.sync_copy(acc.at[pl.ds(s * _RPT, _RPT)],
                  out_hbm.at[c, pl.ds(s * _RPT, _RPT)])


@functools.cache
def _sc_mesh():
  return plsc.VectorSubcoreMesh(core_axis_name="c", subcore_axis_name="s",
                                num_cores=_NC, num_subcores=_NS)


@functools.cache
def _deg_call():
  return pl.kernel(
      _deg_body,
      out_type=jax.ShapeDtypeStruct((_NC, _NP, _DEGW), jnp.float32),
      mesh=_sc_mesh(),
      compiler_params=pltpu.CompilerParams(use_tc_tiling_on_sc=False),
      scratch_types=[
          pltpu.VMEM((_NCHUNK, _CHUNK), jnp.int32),
          pltpu.VMEM((_CHUNK, _DEGW), jnp.float32),
          pltpu.VMEM_SHARED((_NP, _DEGW), jnp.float32),
      ],
  )


@functools.cache
def _msg_call():
  return pl.kernel(
      _msg_body,
      out_type=jax.ShapeDtypeStruct((_NC, _NP, _H), jnp.float32),
      mesh=_sc_mesh(),
      compiler_params=pltpu.CompilerParams(use_tc_tiling_on_sc=False),
      scratch_types=[
          pltpu.VMEM((_NCHUNK, _CHUNK), jnp.int32),
          pltpu.VMEM((_NCHUNK, _CHUNK), jnp.int32),
          pltpu.VMEM((_CHUNK, _H), jnp.float32),
          pltpu.VMEM((_CHUNK, _H), jnp.float32),
          pltpu.VMEM((_CHUNK, _H), jnp.float32),
          pltpu.VMEM_SHARED((_N, _H), jnp.float32),
          pltpu.VMEM_SHARED((_NP, _H), jnp.float32),
          pltpu.SemaphoreType.DMA,
          pltpu.SemaphoreType.DMA,
          pltpu.SemaphoreType.DMA,
      ],
  )



def _k2_body(x_ref, w1_ref, degp_ref, h1p_ref, inv_ref):
  deg = degp_ref[0, 0:_N, 0:1] + degp_ref[1, 0:_N, 0:1] + 1.0
  inv = _rsqrt(deg)
  h = jnp.dot(x_ref[...], w1_ref[...], preferred_element_type=jnp.float32,
              precision=_PREC)
  h1p_ref[...] = h * inv
  inv_ref[...] = inv


def _k4_body(p_ref, h1p_ref, inv_ref, b1_ref, g1_ref, be1_ref,
             w2_ref, h2p_ref):
  inv = inv_ref[...]
  m = (p_ref[0, 0:_N, :] + p_ref[1, 0:_N, :] + h1p_ref[...]) * inv + b1_ref[...]
  mean = jnp.mean(m, axis=0, keepdims=True)
  cen = m - mean
  var = jnp.mean(cen * cen, axis=0, keepdims=True)
  bn = cen * _rsqrt(var + 1e-5) * g1_ref[...] + be1_ref[...]
  r = jnp.maximum(bn, 0.0)
  h2 = jnp.dot(r, w2_ref[...], preferred_element_type=jnp.float32,
               precision=_PREC)
  h2p_ref[...] = h2 * inv


def _k6_body(p_ref, h2p_ref, inv_ref, batch_ref, b2_ref, g2_ref,
             be2_ref, wc1_ref, bc1_ref, wc2_ref, bc2_ref, out_ref):
  inv = inv_ref[...]
  m = (p_ref[0, 0:_N, :] + p_ref[1, 0:_N, :] + h2p_ref[...]) * inv + b2_ref[...]
  mean = jnp.mean(m, axis=0, keepdims=True)
  cen = m - mean
  var = jnp.mean(cen * cen, axis=0, keepdims=True)
  bn = cen * _rsqrt(var + 1e-5) * g2_ref[...] + be2_ref[...]
  h = jnp.maximum(bn, 0.0)
  seg = lax.broadcasted_iota(jnp.int32, (1, _G), 1)
  oh = (batch_ref[...] == seg).astype(jnp.float32)
  sums = lax.dot_general(oh, h, (((0,), (0,)), ((), ())),
                         preferred_element_type=jnp.float32,
                         precision=_PREC)
  counts = jnp.sum(oh, axis=0, keepdims=True)
  pooled = sums * (1.0 / jnp.maximum(jnp.transpose(counts), 1.0))
  z = jnp.maximum(
      jnp.dot(pooled, wc1_ref[...], preferred_element_type=jnp.float32,
              precision=_PREC) + bc1_ref[...], 0.0)
  out_ref[...] = jnp.dot(z, wc2_ref[...], preferred_element_type=jnp.float32,
                         precision=_PREC) + bc2_ref[...]


def _tc_call(body, out_shape):
  return pl.pallas_call(body, out_shape=out_shape)



@jax.jit
def kernel(x, edge_index, batch, W1, b1, g1, be1, W2, b2, g2, be2,
           Wc1, bc1, Wc2, bc2):
  src = edge_index[0].reshape(_NROWS, _CHUNK)
  dst = edge_index[1].reshape(_NROWS, _CHUNK)
  ones_blk = jnp.ones((_CHUNK, _DEGW), jnp.float32)
  zeros_deg = jnp.zeros((_RPT, _DEGW), jnp.float32)
  zeros_msg = jnp.zeros((_RPT, _H), jnp.float32)

  deg_p = _deg_call()(dst, ones_blk, zeros_deg)

  h1p, inv = _tc_call(
      _k2_body,
      [jax.ShapeDtypeStruct((_N, _H), jnp.float32),
       jax.ShapeDtypeStruct((_N, 1), jnp.float32)],
  )(x, W1, deg_p)

  p1 = _msg_call()(h1p, src, dst, zeros_msg)

  h2p = _tc_call(
      _k4_body, jax.ShapeDtypeStruct((_N, _H), jnp.float32),
  )(p1, h1p, inv, b1.reshape(1, _H), g1.reshape(1, _H),
    be1.reshape(1, _H), W2)

  p2 = _msg_call()(h2p, src, dst, zeros_msg)

  logits = _tc_call(
      _k6_body, jax.ShapeDtypeStruct((_G, _OUT), jnp.float32),
  )(p2, h2p, inv, batch.reshape(_N, 1), b2.reshape(1, _H),
    g2.reshape(1, _H), be2.reshape(1, _H), Wc1, bc1.reshape(1, _H // 2),
    Wc2, bc2.reshape(1, _OUT))
  return logits

# --- scband reference (transcript-rebuilt; emitter-appended) ---
"""Pipeline reference for scband-rips-gnn-9680856285587 (READ-ONLY COPY).

The authoritative reference and input builder live on the scoring server;
editing this copy changes nothing except your own understanding.
"""

import jax, jax.numpy as jnp
import numpy as np

N = 10000
E = 320000
D_IN = 128
H = 64
G = 16
OUT = 2


def setup_inputs(seed: int = 0) -> dict:
    key = jax.random.key(seed)
    ks = jax.random.split(key, 16)
    inp = {}
    inp["x"] = jax.random.normal(ks[0], (N, D_IN), dtype=jnp.float32)
    inp["edge_index"] = jax.random.randint(ks[1], (2, E), 0, N, dtype=jnp.int32)
    inp["batch"] = jnp.sort(jax.random.randint(ks[2], (N,), 0, G, dtype=jnp.int32))
    inp["W1"] = jax.random.normal(ks[3], (D_IN, H), dtype=jnp.float32) * 0.05
    inp["b1"] = jnp.zeros((H,), dtype=jnp.float32)
    inp["g1"] = jnp.ones((H,), dtype=jnp.float32)
    inp["be1"] = jnp.zeros((H,), dtype=jnp.float32)
    inp["W2"] = jax.random.normal(ks[4], (H, H), dtype=jnp.float32) * 0.05
    inp["b2"] = jnp.zeros((H,), dtype=jnp.float32)
    inp["g2"] = jnp.ones((H,), dtype=jnp.float32)
    inp["be2"] = jnp.zeros((H,), dtype=jnp.float32)
    inp["Wc1"] = jax.random.normal(ks[5], (H, H // 2), dtype=jnp.float32) * 0.05
    inp["bc1"] = jnp.zeros((H // 2,), dtype=jnp.float32)
    inp["Wc2"] = jax.random.normal(ks[6], (H // 2, OUT), dtype=jnp.float32) * 0.05
    inp["bc2"] = jnp.zeros((OUT,), dtype=jnp.float32)
    return inp


def _gcn_conv(x, src, dst, W, b):
    h = x @ W
    deg = jnp.zeros((N,), dtype=jnp.float32).at[dst].add(1.0)
    inv_sqrt = 1.0 / jnp.sqrt(deg)  # self loops guarantee deg >= 1
    norm = inv_sqrt[src] * inv_sqrt[dst]
    msg = h[src] * norm[:, None]
    out = jnp.zeros((N, h.shape[1]), dtype=jnp.float32).at[dst].add(msg)
    return out + b


def _bn(x, g, b):
    mean = jnp.mean(x, axis=0)
    var = jnp.var(x, axis=0)
    return (x - mean) / jnp.sqrt(var + 1e-5) * g + b


def _forward(x, edge_index, batch, W1, b1, g1, be1, W2, b2, g2, be2, Wc1, bc1, Wc2, bc2):
    loop = jnp.arange(N, dtype=edge_index.dtype)
    src = jnp.concatenate([edge_index[0], loop])
    dst = jnp.concatenate([edge_index[1], loop])
    # Layer 1: GCNConv -> BN -> ReLU (dropout identity in eval)
    h = _gcn_conv(x, src, dst, W1, b1)
    h = _bn(h, g1, be1)
    h = jax.nn.relu(h)
    # Layer 2: GCNConv -> BN
    h = _gcn_conv(h, src, dst, W2, b2)
    h = _bn(h, g2, be2)
    # final relu before readout
    h = jax.nn.relu(h)
    # global mean pool over per-graph node segments
    sums = jax.ops.segment_sum(h, batch, num_segments=G)
    counts = jax.ops.segment_sum(jnp.ones((N,), dtype=jnp.float32), batch, num_segments=G)
    pooled = sums / jnp.maximum(counts, 1.0)[:, None]
    # classifier MLP
    z = jax.nn.relu(pooled @ Wc1 + bc1)
    logits = z @ Wc2 + bc2
    return logits


def reference(x, edge_index, batch, W1, b1, g1, be1, W2, b2, g2, be2, Wc1, bc1, Wc2, bc2):
    return _forward(x, edge_index, batch, W1, b1, g1, be1, W2, b2, g2, be2, Wc1, bc1, Wc2, bc2)

if __name__ == "__main__":
    import jax
    _d = setup_inputs()
    print(jax.jit(kernel)(*tuple(_d.values())))

</pallas_src>

<mosaic_0001>
#map = affine_map<(d0, d1) -> (0, 0)>
#map1 = affine_map<(d0, d1) -> (0, 0, 0)>
module attributes {stable_mosaic.version = 14 : i64} {
  func.func @_msg_body(%arg0: i32, %arg1: i32, %arg2: memref<10000x64xf32, #tpu.memory_space<hbm>>, %arg3: memref<2500x128xi32, #tpu.memory_space<hbm>>, %arg4: memref<2500x128xi32, #tpu.memory_space<hbm>>, %arg5: memref<640x64xf32, #tpu.memory_space<hbm>>, %arg6: memref<2x10240x64xf32, #tpu.memory_space<hbm>>, %arg7: memref<80x128xi32, #tpu.memory_space<vmem>>, %arg8: memref<80x128xi32, #tpu.memory_space<vmem>>, %arg9: memref<128x64xf32, #tpu.memory_space<vmem>>, %arg10: memref<128x64xf32, #tpu.memory_space<vmem>>, %arg11: memref<128x64xf32, #tpu.memory_space<vmem>>, %arg12: memref<10000x64xf32, #tpu.memory_space<vmem_shared>>, %arg13: memref<10240x64xf32, #tpu.memory_space<vmem_shared>>, %arg14: memref<!tpu.dma_semaphore, #tpu.memory_space<semaphore_mem>>, %arg15: memref<!tpu.dma_semaphore, #tpu.memory_space<semaphore_mem>>, %arg16: memref<!tpu.dma_semaphore, #tpu.memory_space<semaphore_mem>>) attributes {dimension_semantics = [#tpu.dimension_semantics<core_parallel>, #tpu.dimension_semantics<subcore_parallel>], iteration_bounds = array<i64: 2, 16>, scalar_prefetch = 0 : i64, scratch_operands = 10 : i64, tpu.core_type = #tpu.core_type<sc_vector_subcore>, window_params = [{transform_indices = #map}, {transform_indices = #map}, {transform_indices = #map}, {transform_indices = #map}, {transform_indices = #map1}]} {
    %mul3A = arith.constant 2 : i32
    %mul3A_0 = arith.muli %arg1, %mul3A : i32
    %add3A = arith.addi %mul3A_0, %arg0 : i32
    %mul3A_1 = arith.constant 640 : i32
    %mul3A_2 = arith.muli %arg1, %mul3A_1 : i32
    "tpu.region"() ({
      %run_scoped3A = tpu.sem_alloc : memref<!tpu.dma_semaphore, #tpu.memory_space<semaphore_mem>>
      %dma_start3A_88 = arith.constant 0 : i32
      %dma_start3A_89 = tpu.memref_slice %arg13[%mul3A_2, %dma_start3A_88] : memref<10240x64xf32, #tpu.memory_space<vmem_shared>> -> memref<640x64xf32, #tpu.memory_space<vmem_shared>>
      tpu.enqueue_dma source(%arg5 : memref<640x64xf32, #tpu.memory_space<hbm>>) target(%dma_start3A_89 : memref<640x64xf32, #tpu.memory_space<vmem_shared>>) target_semaphore(%run_scoped3A : memref<!tpu.dma_semaphore, #tpu.memory_space<semaphore_mem>>)
      %dma_wait3A = arith.constant 0 : i32
      %dma_wait3A_90 = tpu.memref_slice %arg13[%mul3A_2, %dma_wait3A] : memref<10240x64xf32, #tpu.memory_space<vmem_shared>> -> memref<640x64xf32, #tpu.memory_space<vmem_shared>>
      tpu.wait_dma2 semaphore(%run_scoped3A : memref<!tpu.dma_semaphore, #tpu.memory_space<semaphore_mem>>) src(%arg5 : memref<640x64xf32, #tpu.memory_space<hbm>>) dst(%dma_wait3A_90 : memref<640x64xf32, #tpu.memory_space<vmem_shared>>)
      tpu.yield
    }) : () -> ()
    %lt3A = arith.constant 15 : i32
    %lt3A_3 = arith.cmpi slt, %arg1, %lt3A : i32
    %convert_element_type3A = arith.extui %lt3A_3 : i1 to i32
    %cond3A = arith.constant 0 : i32
    %cond3A_4 = arith.cmpi ne, %convert_element_type3A, %cond3A : i32
    scf.if %cond3A_4 {
      %mul3A_88 = arith.constant 640 : i32
      %mul3A_89 = arith.muli %arg1, %mul3A_88 : i32
      %mul3A_90 = arith.constant 640 : i32
      %mul3A_91 = arith.muli %arg1, %mul3A_90 : i32
      "tpu.region"() ({
        %run_scoped3A = tpu.sem_alloc : memref<!tpu.dma_semaphore, #tpu.memory_space<semaphore_mem>>
        %dma_start3A_92 = arith.constant 0 : i32
        %dma_start3A_93 = tpu.memref_slice %arg12[%mul3A_91, %dma_start3A_92] : memref<10000x64xf32, #tpu.memory_space<vmem_shared>> -> memref<640x64xf32, #tpu.memory_space<vmem_shared>>
        %dma_start3A_94 = arith.constant 0 : i32
        %dma_start3A_95 = tpu.memref_slice %arg2[%mul3A_89, %dma_start3A_94] : memref<10000x64xf32, #tpu.memory_space<hbm>> -> memref<640x64xf32, #tpu.memory_space<hbm>>
        tpu.enqueue_dma source(%dma_start3A_95 : memref<640x64xf32, #tpu.memory_space<hbm>>) target(%dma_start3A_93 : memref<640x64xf32, #tpu.memory_space<vmem_shared>>) target_semaphore(%run_scoped3A : memref<!tpu.dma_semaphore, #tpu.memory_space<semaphore_mem>>)
        %dma_wait3A = arith.constant 0 : i32
        %dma_wait3A_96 = tpu.memref_slice %arg12[%mul3A_91, %dma_wait3A] : memref<10000x64xf32, #tpu.memory_space<vmem_shared>> -> memref<640x64xf32, #tpu.memory_space<vmem_shared>>
        %dma_wait3A_97 = arith.constant 0 : i32
        %dma_wait3A_98 = tpu.memref_slice %arg2[%mul3A_89, %dma_wait3A_97] : memref<10000x64xf32, #tpu.memory_space<hbm>> -> memref<640x64xf32, #tpu.memory_space<hbm>>
        tpu.wait_dma2 semaphore(%run_scoped3A : memref<!tpu.dma_semaphore, #tpu.memory_space<semaphore_mem>>) src(%dma_wait3A_98 : memref<640x64xf32, #tpu.memory_space<hbm>>) dst(%dma_wait3A_96 : memref<640x64xf32, #tpu.memory_space<vmem_shared>>)
        tpu.yield
      }) : () -> ()
    } else {
    }
    %eq3A = arith.constant 15 : i32
    %eq3A_5 = arith.cmpi eq, %arg1, %eq3A : i32
    %convert_element_type3A_6 = arith.extui %eq3A_5 : i1 to i32
    %cond3A_7 = arith.constant 0 : i32
    %cond3A_8 = arith.cmpi ne, %convert_element_type3A_6, %cond3A_7 : i32
    scf.if %cond3A_8 {
      "tpu.region"() ({
        %run_scoped3A = tpu.sem_alloc : memref<!tpu.dma_semaphore, #tpu.memory_space<semaphore_mem>>
        %dma_start3A_88 = arith.constant 9600 : i32
        %dma_start3A_89 = arith.constant 0 : i32
        %dma_start3A_90 = tpu.memref_slice %arg12[%dma_start3A_88, %dma_start3A_89] : memref<10000x64xf32, #tpu.memory_space<vmem_shared>> -> memref<400x64xf32, #tpu.memory_space<vmem_shared>>
        %dma_start3A_91 = arith.constant 9600 : i32
        %dma_start3A_92 = arith.constant 0 : i32
        %dma_start3A_93 = tpu.memref_slice %arg2[%dma_start3A_91, %dma_start3A_92] : memref<10000x64xf32, #tpu.memory_space<hbm>> -> memref<400x64xf32, #tpu.memory_space<hbm>>
        tpu.enqueue_dma source(%dma_start3A_93 : memref<400x64xf32, #tpu.memory_space<hbm>>) target(%dma_start3A_90 : memref<400x64xf32, #tpu.memory_space<vmem_shared>>) target_semaphore(%run_scoped3A : memref<!tpu.dma_semaphore, #tpu.memory_space<semaphore_mem>>)
        %dma_wait3A = arith.constant 9600 : i32
        %dma_wait3A_94 = arith.constant 0 : i32
        %dma_wait3A_95 = tpu.memref_slice %arg12[%dma_wait3A, %dma_wait3A_94] : memref<10000x64xf32, #tpu.memory_space<vmem_shared>> -> memref<400x64xf32, #tpu.memory_space<vmem_shared>>
        %dma_wait3A_96 = arith.constant 9600 : i32
        %dma_wait3A_97 = arith.constant 0 : i32
        %dma_wait3A_98 = tpu.memref_slice %arg2[%dma_wait3A_96, %dma_wait3A_97] : memref<10000x64xf32, #tpu.memory_space<hbm>> -> memref<400x64xf32, #tpu.memory_space<hbm>>
        tpu.wait_dma2 semaphore(%run_scoped3A : memref<!tpu.dma_semaphore, #tpu.memory_space<semaphore_mem>>) src(%dma_wait3A_98 : memref<400x64xf32, #tpu.memory_space<hbm>>) dst(%dma_wait3A_95 : memref<400x64xf32, #tpu.memory_space<vmem_shared>>)
        tpu.yield
      }) : () -> ()
    } else {
    }
    %barrier3A = arith.constant 0 : index
    tpu.barrier barrier_id(%barrier3A)
    %lt3A_9 = arith.constant 31 : i32
    %lt3A_10 = arith.cmpi slt, %add3A, %lt3A_9 : i32
    %convert_element_type3A_11 = arith.extui %lt3A_10 : i1 to i32
    %cond3A_12 = arith.constant 0 : i32
    %cond3A_13 = arith.cmpi ne, %convert_element_type3A_11, %cond3A_12 : i32
    scf.if %cond3A_13 {
      %mul3A_88 = arith.constant 80 : i32
      %mul3A_89 = arith.muli %add3A, %mul3A_88 : i32
      "tpu.region"() ({
        %run_scoped3A = tpu.sem_alloc : memref<!tpu.dma_semaphore, #tpu.memory_space<semaphore_mem>>
        %dma_start3A_90 = arith.constant 0 : i32
        %dma_start3A_91 = tpu.memref_slice %arg3[%mul3A_89, %dma_start3A_90] : memref<2500x128xi32, #tpu.memory_space<hbm>> -> memref<80x128xi32, #tpu.memory_space<hbm>>
        %dma_start3A_92 = arith.constant 0 : i32
        %dma_start3A_93 = tpu.memref_slice %arg3[%mul3A_89, %dma_start3A_92] : memref<2500x128xi32, #tpu.memory_space<hbm>> -> memref<80x128xi32, #tpu.memory_space<hbm>>
        tpu.enqueue_dma source(%dma_start3A_93 : memref<80x128xi32, #tpu.memory_space<hbm>>) target(%arg7 : memref<80x128xi32, #tpu.memory_space<vmem>>) target_semaphore(%run_scoped3A : memref<!tpu.dma_semaphore, #tpu.memory_space<semaphore_mem>>)
        %dma_wait3A = arith.constant 0 : i32
        %dma_wait3A_94 = tpu.memref_slice %arg3[%mul3A_89, %dma_wait3A] : memref<2500x128xi32, #tpu.memory_space<hbm>> -> memref<80x128xi32, #tpu.memory_space<hbm>>
        %dma_wait3A_95 = arith.constant 0 : i32
        %dma_wait3A_96 = tpu.memref_slice %arg3[%mul3A_89, %dma_wait3A_95] : memref<2500x128xi32, #tpu.memory_space<hbm>> -> memref<80x128xi32, #tpu.memory_space<hbm>>
        tpu.wait_dma2 semaphore(%run_scoped3A : memref<!tpu.dma_semaphore, #tpu.memory_space<semaphore_mem>>) src(%dma_wait3A_96 : memref<80x128xi32, #tpu.memory_space<hbm>>) dst(%arg7 : memref<80x128xi32, #tpu.memory_space<vmem>>)
        tpu.yield
      }) : () -> ()
    } else {
    }
    %eq3A_14 = arith.constant 31 : i32
    %eq3A_15 = arith.cmpi eq, %add3A, %eq3A_14 : i32
    %convert_element_type3A_16 = arith.extui %eq3A_15 : i1 to i32
    %cond3A_17 = arith.constant 0 : i32
    %cond3A_18 = arith.cmpi ne, %convert_element_type3A_16, %cond3A_17 : i32
    scf.if %cond3A_18 {
      "tpu.region"() ({
        %run_scoped3A = tpu.sem_alloc : memref<!tpu.dma_semaphore, #tpu.memory_space<semaphore_mem>>
        %dma_start3A_88 = arith.constant 0 : i32
        %dma_start3A_89 = arith.constant 0 : i32
        %dma_start3A_90 = tpu.memref_slice %arg7[%dma_start3A_88, %dma_start3A_89] : memref<80x128xi32, #tpu.memory_space<vmem>> -> memref<20x128xi32, #tpu.memory_space<vmem>>
        %dma_start3A_91 = arith.constant 2480 : i32
        %dma_start3A_92 = arith.constant 0 : i32
        %dma_start3A_93 = tpu.memref_slice %arg3[%dma_start3A_91, %dma_start3A_92] : memref<2500x128xi32, #tpu.memory_space<hbm>> -> memref<20x128xi32, #tpu.memory_space<hbm>>
        %dma_start3A_94 = arith.constant 0 : i32
        %dma_start3A_95 = arith.constant 0 : i32
        %dma_start3A_96 = tpu.memref_slice %arg7[%dma_start3A_94, %dma_start3A_95] : memref<80x128xi32, #tpu.memory_space<vmem>> -> memref<20x128xi32, #tpu.memory_space<vmem>>
        %dma_start3A_97 = arith.constant 2480 : i32
        %dma_start3A_98 = arith.constant 0 : i32
        %dma_start3A_99 = tpu.memref_slice %arg3[%dma_start3A_97, %dma_start3A_98] : memref<2500x128xi32, #tpu.memory_space<hbm>> -> memref<20x128xi32, #tpu.memory_space<hbm>>
        tpu.enqueue_dma source(%dma_start3A_99 : memref<20x128xi32, #tpu.memory_space<hbm>>) target(%dma_start3A_96 : memref<20x128xi32, #tpu.memory_space<vmem>>) target_semaphore(%run_scoped3A : memref<!tpu.dma_semaphore, #tpu.memory_space<semaphore_mem>>)
        %dma_wait3A = arith.constant 0 : i32
        %dma_wait3A_100 = arith.constant 0 : i32
        %dma_wait3A_101 = tpu.memref_slice %arg7[%dma_wait3A, %dma_wait3A_100] : memref<80x128xi32, #tpu.memory_space<vmem>> -> memref<20x128xi32, #tpu.memory_space<vmem>>
        %dma_wait3A_102 = arith.constant 2480 : i32
        %dma_wait3A_103 = arith.constant 0 : i32
        %dma_wait3A_104 = tpu.memref_slice %arg3[%dma_wait3A_102, %dma_wait3A_103] : memref<2500x128xi32, #tpu.memory_space<hbm>> -> memref<20x128xi32, #tpu.memory_space<hbm>>
        %dma_wait3A_105 = arith.constant 0 : i32
        %dma_wait3A_106 = arith.constant 0 : i32
        %dma_wait3A_107 = tpu.memref_slice %arg7[%dma_wait3A_105, %dma_wait3A_106] : memref<80x128xi32, #tpu.memory_space<vmem>> -> memref<20x128xi32, #tpu.memory_space<vmem>>
        %dma_wait3A_108 = arith.constant 2480 : i32
        %dma_wait3A_109 = arith.constant 0 : i32
        %dma_wait3A_110 = tpu.memref_slice %arg3[%dma_wait3A_108, %dma_wait3A_109] : memref<2500x128xi32, #tpu.memory_space<hbm>> -> memref<20x128xi32, #tpu.memory_space<hbm>>
        tpu.wait_dma2 semaphore(%run_scoped3A : memref<!tpu.dma_semaphore, #tpu.memory_space<semaphore_mem>>) src(%dma_wait3A_110 : memref<20x128xi32, #tpu.memory_space<hbm>>) dst(%dma_wait3A_107 : memref<20x128xi32, #tpu.memory_space<vmem>>)
        tpu.yield
      }) : () -> ()
    } else {
    }
    %lt3A_19 = arith.constant 31 : i32
    %lt3A_20 = arith.cmpi slt, %add3A, %lt3A_19 : i32
    %convert_element_type3A_21 = arith.extui %lt3A_20 : i1 to i32
    %cond3A_22 = arith.constant 0 : i32
    %cond3A_23 = arith.cmpi ne, %convert_element_type3A_21, %cond3A_22 : i32
    scf.if %cond3A_23 {
      %mul3A_88 = arith.constant 80 : i32
      %mul3A_89 = arith.muli %add3A, %mul3A_88 : i32
      "tpu.region"() ({
        %run_scoped3A = tpu.sem_alloc : memref<!tpu.dma_semaphore, #tpu.memory_space<semaphore_mem>>
        %dma_start3A_90 = arith.constant 0 : i32
        %dma_start3A_91 = tpu.memref_slice %arg4[%mul3A_89, %dma_start3A_90] : memref<2500x128xi32, #tpu.memory_space<hbm>> -> memref<80x128xi32, #tpu.memory_space<hbm>>
        %dma_start3A_92 = arith.constant 0 : i32
        %dma_start3A_93 = tpu.memref_slice %arg4[%mul3A_89, %dma_start3A_92] : memref<2500x128xi32, #tpu.memory_space<hbm>> -> memref<80x128xi32, #tpu.memory_space<hbm>>
        tpu.enqueue_dma source(%dma_start3A_93 : memref<80x128xi32, #tpu.memory_space<hbm>>) target(%arg8 : memref<80x128xi32, #tpu.memory_space<vmem>>) target_semaphore(%run_scoped3A : memref<!tpu.dma_semaphore, #tpu.memory_space<semaphore_mem>>)
        %dma_wait3A = arith.constant 0 : i32
        %dma_wait3A_94 = tpu.memref_slice %arg4[%mul3A_89, %dma_wait3A] : memref<2500x128xi32, #tpu.memory_space<hbm>> -> memref<80x128xi32, #tpu.memory_space<hbm>>
        %dma_wait3A_95 = arith.constant 0 : i32
        %dma_wait3A_96 = tpu.memref_slice %arg4[%mul3A_89, %dma_wait3A_95] : memref<2500x128xi32, #tpu.memory_space<hbm>> -> memref<80x128xi32, #tpu.memory_space<hbm>>
        tpu.wait_dma2 semaphore(%run_scoped3A : memref<!tpu.dma_semaphore, #tpu.memory_space<semaphore_mem>>) src(%dma_wait3A_96 : memref<80x128xi32, #tpu.memory_space<hbm>>) dst(%arg8 : memref<80x128xi32, #tpu.memory_space<vmem>>)
        tpu.yield
      }) : () -> ()
    } else {
    }
    %eq3A_24 = arith.constant 31 : i32
    %eq3A_25 = arith.cmpi eq, %add3A, %eq3A_24 : i32
    %convert_element_type3A_26 = arith.extui %eq3A_25 : i1 to i32
    %cond3A_27 = arith.constant 0 : i32
    %cond3A_28 = arith.cmpi ne, %convert_element_type3A_26, %cond3A_27 : i32
    scf.if %cond3A_28 {
      "tpu.region"() ({
        %run_scoped3A = tpu.sem_alloc : memref<!tpu.dma_semaphore, #tpu.memory_space<semaphore_mem>>
        %dma_start3A_88 = arith.constant 0 : i32
        %dma_start3A_89 = arith.constant 0 : i32
        %dma_start3A_90 = tpu.memref_slice %arg8[%dma_start3A_88, %dma_start3A_89] : memref<80x128xi32, #tpu.memory_space<vmem>> -> memref<20x128xi32, #tpu.memory_space<vmem>>
        %dma_start3A_91 = arith.constant 2480 : i32
        %dma_start3A_92 = arith.constant 0 : i32
        %dma_start3A_93 = tpu.memref_slice %arg4[%dma_start3A_91, %dma_start3A_92] : memref<2500x128xi32, #tpu.memory_space<hbm>> -> memref<20x128xi32, #tpu.memory_space<hbm>>
        %dma_start3A_94 = arith.constant 0 : i32
        %dma_start3A_95 = arith.constant 0 : i32
        %dma_start3A_96 = tpu.memref_slice %arg8[%dma_start3A_94, %dma_start3A_95] : memref<80x128xi32, #tpu.memory_space<vmem>> -> memref<20x128xi32, #tpu.memory_space<vmem>>
        %dma_start3A_97 = arith.constant 2480 : i32
        %dma_start3A_98 = arith.constant 0 : i32
        %dma_start3A_99 = tpu.memref_slice %arg4[%dma_start3A_97, %dma_start3A_98] : memref<2500x128xi32, #tpu.memory_space<hbm>> -> memref<20x128xi32, #tpu.memory_space<hbm>>
        tpu.enqueue_dma source(%dma_start3A_99 : memref<20x128xi32, #tpu.memory_space<hbm>>) target(%dma_start3A_96 : memref<20x128xi32, #tpu.memory_space<vmem>>) target_semaphore(%run_scoped3A : memref<!tpu.dma_semaphore, #tpu.memory_space<semaphore_mem>>)
        %dma_wait3A = arith.constant 0 : i32
        %dma_wait3A_100 = arith.constant 0 : i32
        %dma_wait3A_101 = tpu.memref_slice %arg8[%dma_wait3A, %dma_wait3A_100] : memref<80x128xi32, #tpu.memory_space<vmem>> -> memref<20x128xi32, #tpu.memory_space<vmem>>
        %dma_wait3A_102 = arith.constant 2480 : i32
        %dma_wait3A_103 = arith.constant 0 : i32
        %dma_wait3A_104 = tpu.memref_slice %arg4[%dma_wait3A_102, %dma_wait3A_103] : memref<2500x128xi32, #tpu.memory_space<hbm>> -> memref<20x128xi32, #tpu.memory_space<hbm>>
        %dma_wait3A_105 = arith.constant 0 : i32
        %dma_wait3A_106 = arith.constant 0 : i32
        %dma_wait3A_107 = tpu.memref_slice %arg8[%dma_wait3A_105, %dma_wait3A_106] : memref<80x128xi32, #tpu.memory_space<vmem>> -> memref<20x128xi32, #tpu.memory_space<vmem>>
        %dma_wait3A_108 = arith.constant 2480 : i32
        %dma_wait3A_109 = arith.constant 0 : i32
        %dma_wait3A_110 = tpu.memref_slice %arg4[%dma_wait3A_108, %dma_wait3A_109] : memref<2500x128xi32, #tpu.memory_space<hbm>> -> memref<20x128xi32, #tpu.memory_space<hbm>>
        tpu.wait_dma2 semaphore(%run_scoped3A : memref<!tpu.dma_semaphore, #tpu.memory_space<semaphore_mem>>) src(%dma_wait3A_110 : memref<20x128xi32, #tpu.memory_space<hbm>>) dst(%dma_wait3A_107 : memref<20x128xi32, #tpu.memory_space<vmem>>)
        tpu.yield
      }) : () -> ()
    } else {
    }
    %eq3A_29 = arith.constant 31 : i32
    %eq3A_30 = arith.cmpi eq, %add3A, %eq3A_29 : i32
    %select_n3A = arith.constant 80 : i32
    %select_n3A_31 = arith.constant 20 : i32
    %select_n3A_32 = arith.select %eq3A_30, %select_n3A_31, %select_n3A : i32
    %dma_start3A = arith.constant 0 : i32
    %dma_start3A_33 = arith.constant 0 : i32
    %dma_start3A_34 = tpu.memref_slice %arg7[%dma_start3A, %dma_start3A_33] : memref<80x128xi32, #tpu.memory_space<vmem>> -> memref<1x128xi32, #tpu.memory_space<vmem>>
    %dma_start3A_35 = tpu.memref_squeeze %dma_start3A_34 : memref<1x128xi32, #tpu.memory_space<vmem>> -> memref<128xi32, #tpu.memory_space<vmem>>
    %dma_start3A_36 = arith.constant 0 : i32
    %dma_start3A_37 = arith.constant 0 : i32
    %dma_start3A_38 = tpu.memref_slice %arg12[%dma_start3A_36, %dma_start3A_37] : memref<10000x64xf32, #tpu.memory_space<vmem_shared>> -> memref<10000x64xf32, #tpu.memory_space<vmem_shared>>
    tpu.enqueue_indirect_dma source(%dma_start3A_38 : memref<10000x64xf32, #tpu.memory_space<vmem_shared>>) target(%arg9 : memref<128x64xf32, #tpu.memory_space<vmem>>) offsets(%dma_start3A_35 : memref<128xi32, #tpu.memory_space<vmem>>) semaphore(%arg14 : memref<!tpu.dma_semaphore, #tpu.memory_space<semaphore_mem>>)
    %dma_start3A_39 = arith.constant 1 : i32
    %dma_start3A_40 = arith.constant 0 : i32
    %dma_start3A_41 = tpu.memref_slice %arg7[%dma_start3A_39, %dma_start3A_40] : memref<80x128xi32, #tpu.memory_space<vmem>> -> memref<1x128xi32, #tpu.memory_space<vmem>>
    %dma_start3A_42 = tpu.memref_squeeze %dma_start3A_41 : memref<1x128xi32, #tpu.memory_space<vmem>> -> memref<128xi32, #tpu.memory_space<vmem>>
    %dma_start3A_43 = arith.constant 0 : i32
    %dma_start3A_44 = arith.constant 0 : i32
    %dma_start3A_45 = tpu.memref_slice %arg12[%dma_start3A_43, %dma_start3A_44] : memref<10000x64xf32, #tpu.memory_space<vmem_shared>> -> memref<10000x64xf32, #tpu.memory_space<vmem_shared>>
    tpu.enqueue_indirect_dma source(%dma_start3A_45 : memref<10000x64xf32, #tpu.memory_space<vmem_shared>>) target(%arg10 : memref<128x64xf32, #tpu.memory_space<vmem>>) offsets(%dma_start3A_42 : memref<128xi32, #tpu.memory_space<vmem>>) semaphore(%arg15 : memref<!tpu.dma_semaphore, #tpu.memory_space<semaphore_mem>>)
    %dma_start3A_46 = arith.constant 2 : i32
    %dma_start3A_47 = arith.constant 0 : i32
    %dma_start3A_48 = tpu.memref_slice %arg7[%dma_start3A_46, %dma_start3A_47] : memref<80x128xi32, #tpu.memory_space<vmem>> -> memref<1x128xi32, #tpu.memory_space<vmem>>
    %dma_start3A_49 = tpu.memref_squeeze %dma_start3A_48 : memref<1x128xi32, #tpu.memory_space<vmem>> -> memref<128xi32, #tpu.memory_space<vmem>>
    %dma_start3A_50 = arith.constant 0 : i32
    %dma_start3A_51 = arith.constant 0 : i32
    %dma_start3A_52 = tpu.memref_slice %arg12[%dma_start3A_50, %dma_start3A_51] : memref<10000x64xf32, #tpu.memory_space<vmem_shared>> -> memref<10000x64xf32, #tpu.memory_space<vmem_shared>>
    tpu.enqueue_indirect_dma source(%dma_start3A_52 : memref<10000x64xf32, #tpu.memory_space<vmem_shared>>) target(%arg11 : memref<128x64xf32, #tpu.memory_space<vmem>>) offsets(%dma_start3A_49 : memref<128xi32, #tpu.memory_space<vmem>>) semaphore(%arg16 : memref<!tpu.dma_semaphore, #tpu.memory_space<semaphore_mem>>)
    %add3A_53 = arith.constant 3 : i32
    %add3A_54 = arith.addi %select_n3A_32, %add3A_53 : i32
    %sub3A = arith.constant 1 : i32
    %sub3A_55 = arith.subi %add3A_54, %sub3A : i32
    %jit3A = arith.constant 3 : i32
    %div3A = arith.divsi %sub3A_55, %jit3A : i32
    %sign3A = arith.constant 0 : i32
    %sign3A_56 = arith.cmpi sgt, %sub3A_55, %sign3A : i32
    %sign3A_57 = arith.extui %sign3A_56 : i1 to i32
    %sign3A_58 = arith.constant 0 : i32
    %sign3A_59 = arith.cmpi slt, %sub3A_55, %sign3A_58 : i32
    %sign3A_60 = arith.extui %sign3A_59 : i1 to i32
    %sign3A_61 = arith.subi %sign3A_57, %sign3A_60 : i32
    %sign3A_62 = arith.constant 0 : i32
    %sign3A_63 = arith.cmpi sgt, %jit3A, %sign3A_62 : i32
    %sign3A_64 = arith.extui %sign3A_63 : i1 to i32
    %sign3A_65 = arith.constant 0 : i32
    %sign3A_66 = arith.cmpi slt, %jit3A, %sign3A_65 : i32
    %sign3A_67 = arith.extui %sign3A_66 : i1 to i32
    %sign3A_68 = arith.subi %sign3A_64, %sign3A_67 : i32
    %ne3A = arith.cmpi ne, %sign3A_61, %sign3A_68 : i32
    %rem3A = arith.remsi %sub3A_55, %jit3A : i32
    %ne3A_69 = arith.constant 0 : i32
    %ne3A_70 = arith.cmpi ne, %rem3A, %ne3A_69 : i32
    %and3A = arith.andi %ne3A, %ne3A_70 : i1
    %sub3A_71 = arith.constant 1 : i32
    %sub3A_72 = arith.subi %div3A, %sub3A_71 : i32
    %select_n3A_73 = arith.select %and3A, %sub3A_72, %div3A : i32
    %while3A = arith.constant 0 : i32
    %while3A_74 = arith.constant 0 : i32
    %while3A_75 = arith.subi %select_n3A_73, %while3A_74 : i32
    %while3A_76 = arith.addi %while3A_74, %while3A_75 : i32
    %while3A_77 = arith.constant 1 : i32
    %while3A_78 = arith.divsi %while3A_75, %while3A_77 : i32
    %while3A_79 = arith.muli %while3A_78, %while3A_77 : i32
    %while3A_80 = arith.addi %while3A_74, %while3A_79 : i32
    %while3A_81 = arith.constant 1 : i32
    scf.for %while3A_88 = %while3A_74 to %while3A_80 step %while3A_81  : i32 {
      %mul3A_89 = arith.constant 3 : i32
      %mul3A_90 = arith.muli %while3A_88, %mul3A_89 : i32
      %add3A_91 = arith.constant 0 : i32
      %add3A_92 = arith.addi %mul3A_90, %add3A_91 : i32
      %lt3A_93 = arith.cmpi slt, %add3A_92, %select_n3A_32 : i32
      %convert_element_type3A_94 = arith.extui %lt3A_93 : i1 to i32
      %cond3A_95 = arith.constant 0 : i32
      %cond3A_96 = arith.cmpi ne, %convert_element_type3A_94, %cond3A_95 : i32
      scf.if %cond3A_96 {
        %dma_wait3A = arith.constant 0 : i32
        %dma_wait3A_113 = tpu.memref_slice %arg7[%add3A_92, %dma_wait3A] : memref<80x128xi32, #tpu.memory_space<vmem>> -> memref<1x128xi32, #tpu.memory_space<vmem>>
        %dma_wait3A_114 = tpu.memref_squeeze %dma_wait3A_113 : memref<1x128xi32, #tpu.memory_space<vmem>> -> memref<128xi32, #tpu.memory_space<vmem>>
        %dma_wait3A_115 = arith.constant 0 : i32
        %dma_wait3A_116 = arith.constant 0 : i32
        %dma_wait3A_117 = tpu.memref_slice %arg12[%dma_wait3A_115, %dma_wait3A_116] : memref<10000x64xf32, #tpu.memory_space<vmem_shared>> -> memref<10000x64xf32, #tpu.memory_space<vmem_shared>>
        tpu.wait_indirect_dma semaphore(%arg14 : memref<!tpu.dma_semaphore, #tpu.memory_space<semaphore_mem>>) src(%dma_wait3A_117 : memref<10000x64xf32, #tpu.memory_space<vmem_shared>>) dst(%arg9 : memref<128x64xf32, #tpu.memory_space<vmem>>)
        "tpu.region"() ({
          %run_scoped3A = tpu.sem_alloc : memref<!tpu.dma_semaphore, #tpu.memory_space<semaphore_mem>>
          %dma_start3A_124 = arith.constant 0 : i32
          %dma_start3A_125 = tpu.memref_slice %arg8[%add3A_92, %dma_start3A_124] : memref<80x128xi32, #tpu.memory_space<vmem>> -> memref<1x128xi32, #tpu.memory_space<vmem>>
          %dma_start3A_126 = tpu.memref_squeeze %dma_start3A_125 : memref<1x128xi32, #tpu.memory_space<vmem>> -> memref<128xi32, #tpu.memory_space<vmem>>
          %dma_start3A_127 = arith.constant 0 : i32
          %dma_start3A_128 = arith.constant 0 : i32
          %dma_start3A_129 = tpu.memref_slice %arg13[%dma_start3A_127, %dma_start3A_128] : memref<10240x64xf32, #tpu.memory_space<vmem_shared>> -> memref<10240x64xf32, #tpu.memory_space<vmem_shared>>
          tpu.enqueue_indirect_dma source(%arg9 : memref<128x64xf32, #tpu.memory_space<vmem>>) target(%dma_start3A_129 : memref<10240x64xf32, #tpu.memory_space<vmem_shared>>) offsets(%dma_start3A_126 : memref<128xi32, #tpu.memory_space<vmem>>) semaphore(%run_scoped3A : memref<!tpu.dma_semaphore, #tpu.memory_space<semaphore_mem>>) {add = true}
          %dma_wait3A_130 = arith.constant 0 : i32
          %dma_wait3A_131 = tpu.memref_slice %arg8[%add3A_92, %dma_wait3A_130] : memref<80x128xi32, #tpu.memory_space<vmem>> -> memref<1x128xi32, #tpu.memory_space<vmem>>
          %dma_wait3A_132 = tpu.memref_squeeze %dma_wait3A_131 : memref<1x128xi32, #tpu.memory_space<vmem>> -> memref<128xi32, #tpu.memory_space<vmem>>
          %dma_wait3A_133 = arith.constant 0 : i32
          %dma_wait3A_134 = arith.constant 0 : i32
          %dma_wait3A_135 = tpu.memref_slice %arg13[%dma_wait3A_133, %dma_wait3A_134] : memref<10240x64xf32, #tpu.memory_space<vmem_shared>> -> memref<10240x64xf32, #tpu.memory_space<vmem_shared>>
          tpu.wait_indirect_dma semaphore(%run_scoped3A : memref<!tpu.dma_semaphore, #tpu.memory_space<semaphore_mem>>) src(%arg9 : memref<128x64xf32, #tpu.memory_space<vmem>>) dst(%dma_wait3A_135 : memref<10240x64xf32, #tpu.memory_space<vmem_shared>>)
          tpu.yield
        }) : () -> ()
        %add3A_118 = arith.constant 3 : i32
        %add3A_119 = arith.addi %add3A_92, %add3A_118 : i32
        %lt3A_120 = arith.cmpi slt, %add3A_119, %select_n3A_32 : i32
        %convert_element_type3A_121 = arith.extui %lt3A_120 : i1 to i32
        %cond3A_122 = arith.constant 0 : i32
        %cond3A_123 = arith.cmpi ne, %convert_element_type3A_121, %cond3A_122 : i32
        scf.if %cond3A_123 {
          %add3A_124 = arith.constant 3 : i32
          %add3A_125 = arith.addi %add3A_92, %add3A_124 : i32
          %dma_start3A_126 = arith.constant 0 : i32
          %dma_start3A_127 = tpu.memref_slice %arg7[%add3A_125, %dma_start3A_126] : memref<80x128xi32, #tpu.memory_space<vmem>> -> memref<1x128xi32, #tpu.memory_space<vmem>>
          %dma_start3A_128 = tpu.memref_squeeze %dma_start3A_127 : memref<1x128xi32, #tpu.memory_space<vmem>> -> memref<128xi32, #tpu.memory_space<vmem>>
          %dma_start3A_129 = arith.constant 0 : i32
          %dma_start3A_130 = arith.constant 0 : i32
          %dma_start3A_131 = tpu.memref_slice %arg12[%dma_start3A_129, %dma_start3A_130] : memref<10000x64xf32, #tpu.memory_space<vmem_shared>> -> memref<10000x64xf32, #tpu.memory_space<vmem_shared>>
          tpu.enqueue_indirect_dma source(%dma_start3A_131 : memref<10000x64xf32, #tpu.memory_space<vmem_shared>>) target(%arg9 : memref<128x64xf32, #tpu.memory_space<vmem>>) offsets(%dma_start3A_128 : memref<128xi32, #tpu.memory_space<vmem>>) semaphore(%arg14 : memref<!tpu.dma_semaphore, #tpu.memory_space<semaphore_mem>>)
        } else {
        }
      } else {
      }
      %mul3A_97 = arith.constant 3 : i32
      %mul3A_98 = arith.muli %while3A_88, %mul3A_97 : i32
      %add3A_99 = arith.constant 1 : i32
      %add3A_100 = arith.addi %mul3A_98, %add3A_99 : i32
      %lt3A_101 = arith.cmpi slt, %add3A_100, %select_n3A_32 : i32
      %convert_element_type3A_102 = arith.extui %lt3A_101 : i1 to i32
      %cond3A_103 = arith.constant 0 : i32
      %cond3A_104 = arith.cmpi ne, %convert_element_type3A_102, %cond3A_103 : i32
      scf.if %cond3A_104 {
        %dma_wait3A = arith.constant 0 : i32
        %dma_wait3A_113 = tpu.memref_slice %arg7[%add3A_100, %dma_wait3A] : memref<80x128xi32, #tpu.memory_space<vmem>> -> memref<1x128xi32, #tpu.memory_space<vmem>>
        %dma_wait3A_114 = tpu.memref_squeeze %dma_wait3A_113 : memref<1x128xi32, #tpu.memory_space<vmem>> -> memref<128xi32, #tpu.memory_space<vmem>>
        %dma_wait3A_115 = arith.constant 0 : i32
        %dma_wait3A_116 = arith.constant 0 : i32
        %dma_wait3A_117 = tpu.memref_slice %arg12[%dma_wait3A_115, %dma_wait3A_116] : memref<10000x64xf32, #tpu.memory_space<vmem_shared>> -> memref<10000x64xf32, #tpu.memory_space<vmem_shared>>
        tpu.wait_indirect_dma semaphore(%arg15 : memref<!tpu.dma_semaphore, #tpu.memory_space<semaphore_mem>>) src(%dma_wait3A_117 : memref<10000x64xf32, #tpu.memory_space<vmem_shared>>) dst(%arg10 : memref<128x64xf32, #tpu.memory_space<vmem>>)
        "tpu.region"() ({
          %run_scoped3A = tpu.sem_alloc : memref<!tpu.dma_semaphore, #tpu.memory_space<semaphore_mem>>
          %dma_start3A_124 = arith.constant 0 : i32
          %dma_start3A_125 = tpu.memref_slice %arg8[%add3A_100, %dma_start3A_124] : memref<80x128xi32, #tpu.memory_space<vmem>> -> memref<1x128xi32, #tpu.memory_space<vmem>>
          %dma_start3A_126 = tpu.memref_squeeze %dma_start3A_125 : memref<1x128xi32, #tpu.memory_space<vmem>> -> memref<128xi32, #tpu.memory_space<vmem>>
          %dma_start3A_127 = arith.constant 0 : i32
          %dma_start3A_128 = arith.constant 0 : i32
          %dma_start3A_129 = tpu.memref_slice %arg13[%dma_start3A_127, %dma_start3A_128] : memref<10240x64xf32, #tpu.memory_space<vmem_shared>> -> memref<10240x64xf32, #tpu.memory_space<vmem_shared>>
          tpu.enqueue_indirect_dma source(%arg10 : memref<128x64xf32, #tpu.memory_space<vmem>>) target(%dma_start3A_129 : memref<10240x64xf32, #tpu.memory_space<vmem_shared>>) offsets(%dma_start3A_126 : memref<128xi32, #tpu.memory_space<vmem>>) semaphore(%run_scoped3A : memref<!tpu.dma_semaphore, #tpu.memory_space<semaphore_mem>>) {add = true}
          %dma_wait3A_130 = arith.constant 0 : i32
          %dma_wait3A_131 = tpu.memref_slice %arg8[%add3A_100, %dma_wait3A_130] : memref<80x128xi32, #tpu.memory_space<vmem>> -> memref<1x128xi32, #tpu.memory_space<vmem>>
          %dma_wait3A_132 = tpu.memref_squeeze %dma_wait3A_131 : memref<1x128xi32, #tpu.memory_space<vmem>> -> memref<128xi32, #tpu.memory_space<vmem>>
          %dma_wait3A_133 = arith.constant 0 : i32
          %dma_wait3A_134 = arith.constant 0 : i32
          %dma_wait3A_135 = tpu.memref_slice %arg13[%dma_wait3A_133, %dma_wait3A_134] : memref<10240x64xf32, #tpu.memory_space<vmem_shared>> -> memref<10240x64xf32, #tpu.memory_space<vmem_shared>>
          tpu.wait_indirect_dma semaphore(%run_scoped3A : memref<!tpu.dma_semaphore, #tpu.memory_space<semaphore_mem>>) src(%arg10 : memref<128x64xf32, #tpu.memory_space<vmem>>) dst(%dma_wait3A_135 : memref<10240x64xf32, #tpu.memory_space<vmem_shared>>)
          tpu.yield
        }) : () -> ()
        %add3A_118 = arith.constant 3 : i32
        %add3A_119 = arith.addi %add3A_100, %add3A_118 : i32
        %lt3A_120 = arith.cmpi slt, %add3A_119, %select_n3A_32 : i32
        %convert_element_type3A_121 = arith.extui %lt3A_120 : i1 to i32
        %cond3A_122 = arith.constant 0 : i32
        %cond3A_123 = arith.cmpi ne, %convert_element_type3A_121, %cond3A_122 : i32
        scf.if %cond3A_123 {
          %add3A_124 = arith.constant 3 : i32
          %add3A_125 = arith.addi %add3A_100, %add3A_124 : i32
          %dma_start3A_126 = arith.constant 0 : i32
          %dma_start3A_127 = tpu.memref_slice %arg7[%add3A_125, %dma_start3A_126] : memref<80x128xi32, #tpu.memory_space<vmem>> -> memref<1x128xi32, #tpu.memory_space<vmem>>
          %dma_start3A_128 = tpu.memref_squeeze %dma_start3A_127 : memref<1x128xi32, #tpu.memory_space<vmem>> -> memref<128xi32, #tpu.memory_space<vmem>>
          %dma_start3A_129 = arith.constant 0 : i32
          %dma_start3A_130 = arith.constant 0 : i32
          %dma_start3A_131 = tpu.memref_slice %arg12[%dma_start3A_129, %dma_start3A_130] : memref<10000x64xf32, #tpu.memory_space<vmem_shared>> -> memref<10000x64xf32, #tpu.memory_space<vmem_shared>>
          tpu.enqueue_indirect_dma source(%dma_start3A_131 : memref<10000x64xf32, #tpu.memory_space<vmem_shared>>) target(%arg10 : memref<128x64xf32, #tpu.memory_space<vmem>>) offsets(%dma_start3A_128 : memref<128xi32, #tpu.memory_space<vmem>>) semaphore(%arg15 : memref<!tpu.dma_semaphore, #tpu.memory_space<semaphore_mem>>)
        } else {
        }
      } else {
      }
      %mul3A_105 = arith.constant 3 : i32
      %mul3A_106 = arith.muli %while3A_88, %mul3A_105 : i32
      %add3A_107 = arith.constant 2 : i32
      %add3A_108 = arith.addi %mul3A_106, %add3A_107 : i32
      %lt3A_109 = arith.cmpi slt, %add3A_108, %select_n3A_32 : i32
      %convert_element_type3A_110 = arith.extui %lt3A_109 : i1 to i32
      %cond3A_111 = arith.constant 0 : i32
      %cond3A_112 = arith.cmpi ne, %convert_element_type3A_110, %cond3A_111 : i32
      scf.if %cond3A_112 {
        %dma_wait3A = arith.constant 0 : i32
        %dma_wait3A_113 = tpu.memref_slice %arg7[%add3A_108, %dma_wait3A] : memref<80x128xi32, #tpu.memory_space<vmem>> -> memref<1x128xi32, #tpu.memory_space<vmem>>
        %dma_wait3A_114 = tpu.memref_squeeze %dma_wait3A_113 : memref<1x128xi32, #tpu.memory_space<vmem>> -> memref<128xi32, #tpu.memory_space<vmem>>
        %dma_wait3A_115 = arith.constant 0 : i32
        %dma_wait3A_116 = arith.constant 0 : i32
        %dma_wait3A_117 = tpu.memref_slice %arg12[%dma_wait3A_115, %dma_wait3A_116] : memref<10000x64xf32, #tpu.memory_space<vmem_shared>> -> memref<10000x64xf32, #tpu.memory_space<vmem_shared>>
        tpu.wait_indirect_dma semaphore(%arg16 : memref<!tpu.dma_semaphore, #tpu.memory_space<semaphore_mem>>) src(%dma_wait3A_117 : memref<10000x64xf32, #tpu.memory_space<vmem_shared>>) dst(%arg11 : memref<128x64xf32, #tpu.memory_space<vmem>>)
        "tpu.region"() ({
          %run_scoped3A = tpu.sem_alloc : memref<!tpu.dma_semaphore, #tpu.memory_space<semaphore_mem>>
          %dma_start3A_124 = arith.constant 0 : i32
          %dma_start3A_125 = tpu.memref_slice %arg8[%add3A_108, %dma_start3A_124] : memref<80x128xi32, #tpu.memory_space<vmem>> -> memref<1x128xi32, #tpu.memory_space<vmem>>
          %dma_start3A_126 = tpu.memref_squeeze %dma_start3A_125 : memref<1x128xi32, #tpu.memory_space<vmem>> -> memref<128xi32, #tpu.memory_space<vmem>>
          %dma_start3A_127 = arith.constant 0 : i32
          %dma_start3A_128 = arith.constant 0 : i32
          %dma_start3A_129 = tpu.memref_slice %arg13[%dma_start3A_127, %dma_start3A_128] : memref<10240x64xf32, #tpu.memory_space<vmem_shared>> -> memref<10240x64xf32, #tpu.memory_space<vmem_shared>>
          tpu.enqueue_indirect_dma source(%arg11 : memref<128x64xf32, #tpu.memory_space<vmem>>) target(%dma_start3A_129 : memref<10240x64xf32, #tpu.memory_space<vmem_shared>>) offsets(%dma_start3A_126 : memref<128xi32, #tpu.memory_space<vmem>>) semaphore(%run_scoped3A : memref<!tpu.dma_semaphore, #tpu.memory_space<semaphore_mem>>) {add = true}
          %dma_wait3A_130 = arith.constant 0 : i32
          %dma_wait3A_131 = tpu.memref_slice %arg8[%add3A_108, %dma_wait3A_130] : memref<80x128xi32, #tpu.memory_space<vmem>> -> memref<1x128xi32, #tpu.memory_space<vmem>>
          %dma_wait3A_132 = tpu.memref_squeeze %dma_wait3A_131 : memref<1x128xi32, #tpu.memory_space<vmem>> -> memref<128xi32, #tpu.memory_space<vmem>>
          %dma_wait3A_133 = arith.constant 0 : i32
          %dma_wait3A_134 = arith.constant 0 : i32
          %dma_wait3A_135 = tpu.memref_slice %arg13[%dma_wait3A_133, %dma_wait3A_134] : memref<10240x64xf32, #tpu.memory_space<vmem_shared>> -> memref<10240x64xf32, #tpu.memory_space<vmem_shared>>
          tpu.wait_indirect_dma semaphore(%run_scoped3A : memref<!tpu.dma_semaphore, #tpu.memory_space<semaphore_mem>>) src(%arg11 : memref<128x64xf32, #tpu.memory_space<vmem>>) dst(%dma_wait3A_135 : memref<10240x64xf32, #tpu.memory_space<vmem_shared>>)
          tpu.yield
        }) : () -> ()
        %add3A_118 = arith.constant 3 : i32
        %add3A_119 = arith.addi %add3A_108, %add3A_118 : i32
        %lt3A_120 = arith.cmpi slt, %add3A_119, %select_n3A_32 : i32
        %convert_element_type3A_121 = arith.extui %lt3A_120 : i1 to i32
        %cond3A_122 = arith.constant 0 : i32
        %cond3A_123 = arith.cmpi ne, %convert_element_type3A_121, %cond3A_122 : i32
        scf.if %cond3A_123 {
          %add3A_124 = arith.constant 3 : i32
          %add3A_125 = arith.addi %add3A_108, %add3A_124 : i32
          %dma_start3A_126 = arith.constant 0 : i32
          %dma_start3A_127 = tpu.memref_slice %arg7[%add3A_125, %dma_start3A_126] : memref<80x128xi32, #tpu.memory_space<vmem>> -> memref<1x128xi32, #tpu.memory_space<vmem>>
          %dma_start3A_128 = tpu.memref_squeeze %dma_start3A_127 : memref<1x128xi32, #tpu.memory_space<vmem>> -> memref<128xi32, #tpu.memory_space<vmem>>
          %dma_start3A_129 = arith.constant 0 : i32
          %dma_start3A_130 = arith.constant 0 : i32
          %dma_start3A_131 = tpu.memref_slice %arg12[%dma_start3A_129, %dma_start3A_130] : memref<10000x64xf32, #tpu.memory_space<vmem_shared>> -> memref<10000x64xf32, #tpu.memory_space<vmem_shared>>
          tpu.enqueue_indirect_dma source(%dma_start3A_131 : memref<10000x64xf32, #tpu.memory_space<vmem_shared>>) target(%arg11 : memref<128x64xf32, #tpu.memory_space<vmem>>) offsets(%dma_start3A_128 : memref<128xi32, #tpu.memory_space<vmem>>) semaphore(%arg16 : memref<!tpu.dma_semaphore, #tpu.memory_space<semaphore_mem>>)
        } else {
        }
      } else {
      }
    }
    %while3A_82 = arith.constant 1 : i32
    scf.for %while3A_88 = %while3A_80 to %while3A_76 step %while3A_82  : i32 {
      %mul3A_89 = arith.constant 3 : i32
      %mul3A_90 = arith.muli %while3A_88, %mul3A_89 : i32
      %add3A_91 = arith.constant 0 : i32
      %add3A_92 = arith.addi %mul3A_90, %add3A_91 : i32
      %lt3A_93 = arith.cmpi slt, %add3A_92, %select_n3A_32 : i32
      %convert_element_type3A_94 = arith.extui %lt3A_93 : i1 to i32
      %cond3A_95 = arith.constant 0 : i32
      %cond3A_96 = arith.cmpi ne, %convert_element_type3A_94, %cond3A_95 : i32
      scf.if %cond3A_96 {
        %dma_wait3A = arith.constant 0 : i32
        %dma_wait3A_113 = tpu.memref_slice %arg7[%add3A_92, %dma_wait3A] : memref<80x128xi32, #tpu.memory_space<vmem>> -> memref<1x128xi32, #tpu.memory_space<vmem>>
        %dma_wait3A_114 = tpu.memref_squeeze %dma_wait3A_113 : memref<1x128xi32, #tpu.memory_space<vmem>> -> memref<128xi32, #tpu.memory_space<vmem>>
        %dma_wait3A_115 = arith.constant 0 : i32
        %dma_wait3A_116 = arith.constant 0 : i32
        %dma_wait3A_117 = tpu.memref_slice %arg12[%dma_wait3A_115, %dma_wait3A_116] : memref<10000x64xf32, #tpu.memory_space<vmem_shared>> -> memref<10000x64xf32, #tpu.memory_space<vmem_shared>>
        tpu.wait_indirect_dma semaphore(%arg14 : memref<!tpu.dma_semaphore, #tpu.memory_space<semaphore_mem>>) src(%dma_wait3A_117 : memref<10000x64xf32, #tpu.memory_space<vmem_shared>>) dst(%arg9 : memref<128x64xf32, #tpu.memory_space<vmem>>)
        "tpu.region"() ({
          %run_scoped3A = tpu.sem_alloc : memref<!tpu.dma_semaphore, #tpu.memory_space<semaphore_mem>>
          %dma_start3A_124 = arith.constant 0 : i32
          %dma_start3A_125 = tpu.memref_slice %arg8[%add3A_92, %dma_start3A_124] : memref<80x128xi32, #tpu.memory_space<vmem>> -> memref<1x128xi32, #tpu.memory_space<vmem>>
          %dma_start3A_126 = tpu.memref_squeeze %dma_start3A_125 : memref<1x128xi32, #tpu.memory_space<vmem>> -> memref<128xi32, #tpu.memory_space<vmem>>
          %dma_start3A_127 = arith.constant 0 : i32
          %dma_start3A_128 = arith.constant 0 : i32
          %dma_start3A_129 = tpu.memref_slice %arg13[%dma_start3A_127, %dma_start3A_128] : memref<10240x64xf32, #tpu.memory_space<vmem_shared>> -> memref<10240x64xf32, #tpu.memory_space<vmem_shared>>
          tpu.enqueue_indirect_dma source(%arg9 : memref<128x64xf32, #tpu.memory_space<vmem>>) target(%dma_start3A_129 : memref<10240x64xf32, #tpu.memory_space<vmem_shared>>) offsets(%dma_start3A_126 : memref<128xi32, #tpu.memory_space<vmem>>) semaphore(%run_scoped3A : memref<!tpu.dma_semaphore, #tpu.memory_space<semaphore_mem>>) {add = true}
          %dma_wait3A_130 = arith.constant 0 : i32
          %dma_wait3A_131 = tpu.memref_slice %arg8[%add3A_92, %dma_wait3A_130] : memref<80x128xi32, #tpu.memory_space<vmem>> -> memref<1x128xi32, #tpu.memory_space<vmem>>
          %dma_wait3A_132 = tpu.memref_squeeze %dma_wait3A_131 : memref<1x128xi32, #tpu.memory_space<vmem>> -> memref<128xi32, #tpu.memory_space<vmem>>
          %dma_wait3A_133 = arith.constant 0 : i32
          %dma_wait3A_134 = arith.constant 0 : i32
          %dma_wait3A_135 = tpu.memref_slice %arg13[%dma_wait3A_133, %dma_wait3A_134] : memref<10240x64xf32, #tpu.memory_space<vmem_shared>> -> memref<10240x64xf32, #tpu.memory_space<vmem_shared>>
          tpu.wait_indirect_dma semaphore(%run_scoped3A : memref<!tpu.dma_semaphore, #tpu.memory_space<semaphore_mem>>) src(%arg9 : memref<128x64xf32, #tpu.memory_space<vmem>>) dst(%dma_wait3A_135 : memref<10240x64xf32, #tpu.memory_space<vmem_shared>>)
          tpu.yield
        }) : () -> ()
        %add3A_118 = arith.constant 3 : i32
        %add3A_119 = arith.addi %add3A_92, %add3A_118 : i32
        %lt3A_120 = arith.cmpi slt, %add3A_119, %select_n3A_32 : i32
        %convert_element_type3A_121 = arith.extui %lt3A_120 : i1 to i32
        %cond3A_122 = arith.constant 0 : i32
        %cond3A_123 = arith.cmpi ne, %convert_element_type3A_121, %cond3A_122 : i32
        scf.if %cond3A_123 {
          %add3A_124 = arith.constant 3 : i32
          %add3A_125 = arith.addi %add3A_92, %add3A_124 : i32
          %dma_start3A_126 = arith.constant 0 : i32
          %dma_start3A_127 = tpu.memref_slice %arg7[%add3A_125, %dma_start3A_126] : memref<80x128xi32, #tpu.memory_space<vmem>> -> memref<1x128xi32, #tpu.memory_space<vmem>>
          %dma_start3A_128 = tpu.memref_squeeze %dma_start3A_127 : memref<1x128xi32, #tpu.memory_space<vmem>> -> memref<128xi32, #tpu.memory_space<vmem>>
          %dma_start3A_129 = arith.constant 0 : i32
          %dma_start3A_130 = arith.constant 0 : i32
          %dma_start3A_131 = tpu.memref_slice %arg12[%dma_start3A_129, %dma_start3A_130] : memref<10000x64xf32, #tpu.memory_space<vmem_shared>> -> memref<10000x64xf32, #tpu.memory_space<vmem_shared>>
          tpu.enqueue_indirect_dma source(%dma_start3A_131 : memref<10000x64xf32, #tpu.memory_space<vmem_shared>>) target(%arg9 : memref<128x64xf32, #tpu.memory_space<vmem>>) offsets(%dma_start3A_128 : memref<128xi32, #tpu.memory_space<vmem>>) semaphore(%arg14 : memref<!tpu.dma_semaphore, #tpu.memory_space<semaphore_mem>>)
        } else {
        }
      } else {
      }
      %mul3A_97 = arith.constant 3 : i32
      %mul3A_98 = arith.muli %while3A_88, %mul3A_97 : i32
      %add3A_99 = arith.constant 1 : i32
      %add3A_100 = arith.addi %mul3A_98, %add3A_99 : i32
      %lt3A_101 = arith.cmpi slt, %add3A_100, %select_n3A_32 : i32
      %convert_element_type3A_102 = arith.extui %lt3A_101 : i1 to i32
      %cond3A_103 = arith.constant 0 : i32
      %cond3A_104 = arith.cmpi ne, %convert_element_type3A_102, %cond3A_103 : i32
      scf.if %cond3A_104 {
        %dma_wait3A = arith.constant 0 : i32
        %dma_wait3A_113 = tpu.memref_slice %arg7[%add3A_100, %dma_wait3A] : memref<80x128xi32, #tpu.memory_space<vmem>> -> memref<1x128xi32, #tpu.memory_space<vmem>>
        %dma_wait3A_114 = tpu.memref_squeeze %dma_wait3A_113 : memref<1x128xi32, #tpu.memory_space<vmem>> -> memref<128xi32, #tpu.memory_space<vmem>>
        %dma_wait3A_115 = arith.constant 0 : i32
        %dma_wait3A_116 = arith.constant 0 : i32
        %dma_wait3A_117 = tpu.memref_slice %arg12[%dma_wait3A_115, %dma_wait3A_116] : memref<10000x64xf32, #tpu.memory_space<vmem_shared>> -> memref<10000x64xf32, #tpu.memory_space<vmem_shared>>
        tpu.wait_indirect_dma semaphore(%arg15 : memref<!tpu.dma_semaphore, #tpu.memory_space<semaphore_mem>>) src(%dma_wait3A_117 : memref<10000x64xf32, #tpu.memory_space<vmem_shared>>) dst(%arg10 : memref<128x64xf32, #tpu.memory_space<vmem>>)
        "tpu.region"() ({
          %run_scoped3A = tpu.sem_alloc : memref<!tpu.dma_semaphore, #tpu.memory_space<semaphore_mem>>
          %dma_start3A_124 = arith.constant 0 : i32
          %dma_start3A_125 = tpu.memref_slice %arg8[%add3A_100, %dma_start3A_124] : memref<80x128xi32, #tpu.memory_space<vmem>> -> memref<1x128xi32, #tpu.memory_space<vmem>>
          %dma_start3A_126 = tpu.memref_squeeze %dma_start3A_125 : memref<1x128xi32, #tpu.memory_space<vmem>> -> memref<128xi32, #tpu.memory_space<vmem>>
          %dma_start3A_127 = arith.constant 0 : i32
          %dma_start3A_128 = arith.constant 0 : i32
          %dma_start3A_129 = tpu.memref_slice %arg13[%dma_start3A_127, %dma_start3A_128] : memref<10240x64xf32, #tpu.memory_space<vmem_shared>> -> memref<10240x64xf32, #tpu.memory_space<vmem_shared>>
          tpu.enqueue_indirect_dma source(%arg10 : memref<128x64xf32, #tpu.memory_space<vmem>>) target(%dma_start3A_129 : memref<10240x64xf32, #tpu.memory_space<vmem_shared>>) offsets(%dma_start3A_126 : memref<128xi32, #tpu.memory_space<vmem>>) semaphore(%run_scoped3A : memref<!tpu.dma_semaphore, #tpu.memory_space<semaphore_mem>>) {add = true}
          %dma_wait3A_130 = arith.constant 0 : i32
          %dma_wait3A_131 = tpu.memref_slice %arg8[%add3A_100, %dma_wait3A_130] : memref<80x128xi32, #tpu.memory_space<vmem>> -> memref<1x128xi32, #tpu.memory_space<vmem>>
          %dma_wait3A_132 = tpu.memref_squeeze %dma_wait3A_131 : memref<1x128xi32, #tpu.memory_space<vmem>> -> memref<128xi32, #tpu.memory_space<vmem>>
          %dma_wait3A_133 = arith.constant 0 : i32
          %dma_wait3A_134 = arith.constant 0 : i32
          %dma_wait3A_135 = tpu.memref_slice %arg13[%dma_wait3A_133, %dma_wait3A_134] : memref<10240x64xf32, #tpu.memory_space<vmem_shared>> -> memref<10240x64xf32, #tpu.memory_space<vmem_shared>>
          tpu.wait_indirect_dma semaphore(%run_scoped3A : memref<!tpu.dma_semaphore, #tpu.memory_space<semaphore_mem>>) src(%arg10 : memref<128x64xf32, #tpu.memory_space<vmem>>) dst(%dma_wait3A_135 : memref<10240x64xf32, #tpu.memory_space<vmem_shared>>)
          tpu.yield
        }) : () -> ()
        %add3A_118 = arith.constant 3 : i32
        %add3A_119 = arith.addi %add3A_100, %add3A_118 : i32
        %lt3A_120 = arith.cmpi slt, %add3A_119, %select_n3A_32 : i32
        %convert_element_type3A_121 = arith.extui %lt3A_120 : i1 to i32
        %cond3A_122 = arith.constant 0 : i32
        %cond3A_123 = arith.cmpi ne, %convert_element_type3A_121, %cond3A_122 : i32
        scf.if %cond3A_123 {
          %add3A_124 = arith.constant 3 : i32
          %add3A_125 = arith.addi %add3A_100, %add3A_124 : i32
          %dma_start3A_126 = arith.constant 0 : i32
          %dma_start3A_127 = tpu.memref_slice %arg7[%add3A_125, %dma_start3A_126] : memref<80x128xi32, #tpu.memory_space<vmem>> -> memref<1x128xi32, #tpu.memory_space<vmem>>
          %dma_start3A_128 = tpu.memref_squeeze %dma_start3A_127 : memref<1x128xi32, #tpu.memory_space<vmem>> -> memref<128xi32, #tpu.memory_space<vmem>>
          %dma_start3A_129 = arith.constant 0 : i32
          %dma_start3A_130 = arith.constant 0 : i32
          %dma_start3A_131 = tpu.memref_slice %arg12[%dma_start3A_129, %dma_start3A_130] : memref<10000x64xf32, #tpu.memory_space<vmem_shared>> -> memref<10000x64xf32, #tpu.memory_space<vmem_shared>>
          tpu.enqueue_indirect_dma source(%dma_start3A_131 : memref<10000x64xf32, #tpu.memory_space<vmem_shared>>) target(%arg10 : memref<128x64xf32, #tpu.memory_space<vmem>>) offsets(%dma_start3A_128 : memref<128xi32, #tpu.memory_space<vmem>>) semaphore(%arg15 : memref<!tpu.dma_semaphore, #tpu.memory_space<semaphore_mem>>)
        } else {
        }
      } else {
      }
      %mul3A_105 = arith.constant 3 : i32
      %mul3A_106 = arith.muli %while3A_88, %mul3A_105 : i32
      %add3A_107 = arith.constant 2 : i32
      %add3A_108 = arith.addi %mul3A_106, %add3A_107 : i32
      %lt3A_109 = arith.cmpi slt, %add3A_108, %select_n3A_32 : i32
      %convert_element_type3A_110 = arith.extui %lt3A_109 : i1 to i32
      %cond3A_111 = arith.constant 0 : i32
      %cond3A_112 = arith.cmpi ne, %convert_element_type3A_110, %cond3A_111 : i32
      scf.if %cond3A_112 {
        %dma_wait3A = arith.constant 0 : i32
        %dma_wait3A_113 = tpu.memref_slice %arg7[%add3A_108, %dma_wait3A] : memref<80x128xi32, #tpu.memory_space<vmem>> -> memref<1x128xi32, #tpu.memory_space<vmem>>
        %dma_wait3A_114 = tpu.memref_squeeze %dma_wait3A_113 : memref<1x128xi32, #tpu.memory_space<vmem>> -> memref<128xi32, #tpu.memory_space<vmem>>
        %dma_wait3A_115 = arith.constant 0 : i32
        %dma_wait3A_116 = arith.constant 0 : i32
        %dma_wait3A_117 = tpu.memref_slice %arg12[%dma_wait3A_115, %dma_wait3A_116] : memref<10000x64xf32, #tpu.memory_space<vmem_shared>> -> memref<10000x64xf32, #tpu.memory_space<vmem_shared>>
        tpu.wait_indirect_dma semaphore(%arg16 : memref<!tpu.dma_semaphore, #tpu.memory_space<semaphore_mem>>) src(%dma_wait3A_117 : memref<10000x64xf32, #tpu.memory_space<vmem_shared>>) dst(%arg11 : memref<128x64xf32, #tpu.memory_space<vmem>>)
        "tpu.region"() ({
          %run_scoped3A = tpu.sem_alloc : memref<!tpu.dma_semaphore, #tpu.memory_space<semaphore_mem>>
          %dma_start3A_124 = arith.constant 0 : i32
          %dma_start3A_125 = tpu.memref_slice %arg8[%add3A_108, %dma_start3A_124] : memref<80x128xi32, #tpu.memory_space<vmem>> -> memref<1x128xi32, #tpu.memory_space<vmem>>
          %dma_start3A_126 = tpu.memref_squeeze %dma_start3A_125 : memref<1x128xi32, #tpu.memory_space<vmem>> -> memref<128xi32, #tpu.memory_space<vmem>>
          %dma_start3A_127 = arith.constant 0 : i32
          %dma_start3A_128 = arith.constant 0 : i32
          %dma_start3A_129 = tpu.memref_slice %arg13[%dma_start3A_127, %dma_start3A_128] : memref<10240x64xf32, #tpu.memory_space<vmem_shared>> -> memref<10240x64xf32, #tpu.memory_space<vmem_shared>>
          tpu.enqueue_indirect_dma source(%arg11 : memref<128x64xf32, #tpu.memory_space<vmem>>) target(%dma_start3A_129 : memref<10240x64xf32, #tpu.memory_space<vmem_shared>>) offsets(%dma_start3A_126 : memref<128xi32, #tpu.memory_space<vmem>>) semaphore(%run_scoped3A : memref<!tpu.dma_semaphore, #tpu.memory_space<semaphore_mem>>) {add = true}
          %dma_wait3A_130 = arith.constant 0 : i32
          %dma_wait3A_131 = tpu.memref_slice %arg8[%add3A_108, %dma_wait3A_130] : memref<80x128xi32, #tpu.memory_space<vmem>> -> memref<1x128xi32, #tpu.memory_space<vmem>>
          %dma_wait3A_132 = tpu.memref_squeeze %dma_wait3A_131 : memref<1x128xi32, #tpu.memory_space<vmem>> -> memref<128xi32, #tpu.memory_space<vmem>>
          %dma_wait3A_133 = arith.constant 0 : i32
          %dma_wait3A_134 = arith.constant 0 : i32
          %dma_wait3A_135 = tpu.memref_slice %arg13[%dma_wait3A_133, %dma_wait3A_134] : memref<10240x64xf32, #tpu.memory_space<vmem_shared>> -> memref<10240x64xf32, #tpu.memory_space<vmem_shared>>
          tpu.wait_indirect_dma semaphore(%run_scoped3A : memref<!tpu.dma_semaphore, #tpu.memory_space<semaphore_mem>>) src(%arg11 : memref<128x64xf32, #tpu.memory_space<vmem>>) dst(%dma_wait3A_135 : memref<10240x64xf32, #tpu.memory_space<vmem_shared>>)
          tpu.yield
        }) : () -> ()
        %add3A_118 = arith.constant 3 : i32
        %add3A_119 = arith.addi %add3A_108, %add3A_118 : i32
        %lt3A_120 = arith.cmpi slt, %add3A_119, %select_n3A_32 : i32
        %convert_element_type3A_121 = arith.extui %lt3A_120 : i1 to i32
        %cond3A_122 = arith.constant 0 : i32
        %cond3A_123 = arith.cmpi ne, %convert_element_type3A_121, %cond3A_122 : i32
        scf.if %cond3A_123 {
          %add3A_124 = arith.constant 3 : i32
          %add3A_125 = arith.addi %add3A_108, %add3A_124 : i32
          %dma_start3A_126 = arith.constant 0 : i32
          %dma_start3A_127 = tpu.memref_slice %arg7[%add3A_125, %dma_start3A_126] : memref<80x128xi32, #tpu.memory_space<vmem>> -> memref<1x128xi32, #tpu.memory_space<vmem>>
          %dma_start3A_128 = tpu.memref_squeeze %dma_start3A_127 : memref<1x128xi32, #tpu.memory_space<vmem>> -> memref<128xi32, #tpu.memory_space<vmem>>
          %dma_start3A_129 = arith.constant 0 : i32
          %dma_start3A_130 = arith.constant 0 : i32
          %dma_start3A_131 = tpu.memref_slice %arg12[%dma_start3A_129, %dma_start3A_130] : memref<10000x64xf32, #tpu.memory_space<vmem_shared>> -> memref<10000x64xf32, #tpu.memory_space<vmem_shared>>
          tpu.enqueue_indirect_dma source(%dma_start3A_131 : memref<10000x64xf32, #tpu.memory_space<vmem_shared>>) target(%arg11 : memref<128x64xf32, #tpu.memory_space<vmem>>) offsets(%dma_start3A_128 : memref<128xi32, #tpu.memory_space<vmem>>) semaphore(%arg16 : memref<!tpu.dma_semaphore, #tpu.memory_space<semaphore_mem>>)
        } else {
        }
      } else {
      }
    }
    %barrier3A_83 = arith.constant 0 : index
    tpu.barrier barrier_id(%barrier3A_83)
    %mul3A_84 = arith.constant 640 : i32
    %mul3A_85 = arith.muli %arg1, %mul3A_84 : i32
    %mul3A_86 = arith.constant 640 : i32
    %mul3A_87 = arith.muli %arg1, %mul3A_86 : i32
    "tpu.region"() ({
      %run_scoped3A = tpu.sem_alloc : memref<!tpu.dma_semaphore, #tpu.memory_space<semaphore_mem>>
      %dma_start3A_88 = arith.constant 0 : i32
      %dma_start3A_89 = tpu.memref_slice %arg6[%arg0, %mul3A_87, %dma_start3A_88] : memref<2x10240x64xf32, #tpu.memory_space<hbm>> -> memref<1x640x64xf32, #tpu.memory_space<hbm>>
      %dma_start3A_90 = tpu.memref_squeeze %dma_start3A_89 : memref<1x640x64xf32, #tpu.memory_space<hbm>> -> memref<640x64xf32, #tpu.memory_space<hbm>>
      %dma_start3A_91 = arith.constant 0 : i32
      %dma_start3A_92 = tpu.memref_slice %arg13[%mul3A_85, %dma_start3A_91] : memref<10240x64xf32, #tpu.memory_space<vmem_shared>> -> memref<640x64xf32, #tpu.memory_space<vmem_shared>>
      tpu.enqueue_dma source(%dma_start3A_92 : memref<640x64xf32, #tpu.memory_space<vmem_shared>>) target(%dma_start3A_90 : memref<640x64xf32, #tpu.memory_space<hbm>>) target_semaphore(%run_scoped3A : memref<!tpu.dma_semaphore, #tpu.memory_space<semaphore_mem>>)
      %dma_wait3A = arith.constant 0 : i32
      %dma_wait3A_93 = tpu.memref_slice %arg6[%arg0, %mul3A_87, %dma_wait3A] : memref<2x10240x64xf32, #tpu.memory_space<hbm>> -> memref<1x640x64xf32, #tpu.memory_space<hbm>>
      %dma_wait3A_94 = tpu.memref_squeeze %dma_wait3A_93 : memref<1x640x64xf32, #tpu.memory_space<hbm>> -> memref<640x64xf32, #tpu.memory_space<hbm>>
      %dma_wait3A_95 = arith.constant 0 : i32
      %dma_wait3A_96 = tpu.memref_slice %arg13[%mul3A_85, %dma_wait3A_95] : memref<10240x64xf32, #tpu.memory_space<vmem_shared>> -> memref<640x64xf32, #tpu.memory_space<vmem_shared>>
      tpu.wait_dma2 semaphore(%run_scoped3A : memref<!tpu.dma_semaphore, #tpu.memory_space<semaphore_mem>>) src(%dma_wait3A_96 : memref<640x64xf32, #tpu.memory_space<vmem_shared>>) dst(%dma_wait3A_94 : memref<640x64xf32, #tpu.memory_space<hbm>>)
      tpu.yield
    }) : () -> ()
    return
  }
}

#map = affine_map<(d0, d1) -> (0, 0)>
#map1 = affine_map<(d0, d1) -> (0, 0, 0)>
module attributes {stable_mosaic.version = 14 : i64} {
  func.func @_deg_body(%arg0: i32, %arg1: i32, %arg2: memref<2500x128xi32, #tpu.memory_space<hbm>>, %arg3: memref<128x8xf32, #tpu.memory_space<hbm>>, %arg4: memref<640x8xf32, #tpu.memory_space<hbm>>, %arg5: memref<2x10240x8xf32, #tpu.memory_space<hbm>>, %arg6: memref<80x128xi32, #tpu.memory_space<vmem>>, %arg7: memref<128x8xf32, #tpu.memory_space<vmem>>, %arg8: memref<10240x8xf32, #tpu.memory_space<vmem_shared>>) attributes {dimension_semantics = [#tpu.dimension_semantics<core_parallel>, #tpu.dimension_semantics<subcore_parallel>], iteration_bounds = array<i64: 2, 16>, scalar_prefetch = 0 : i64, scratch_operands = 3 : i64, tpu.core_type = #tpu.core_type<sc_vector_subcore>, window_params = [{transform_indices = #map}, {transform_indices = #map}, {transform_indices = #map}, {transform_indices = #map1}]} {
    %mul3A = arith.constant 2 : i32
    %mul3A_0 = arith.muli %arg1, %mul3A : i32
    %add3A = arith.addi %mul3A_0, %arg0 : i32
    "tpu.region"() ({
      %run_scoped3A = tpu.sem_alloc : memref<!tpu.dma_semaphore, #tpu.memory_space<semaphore_mem>>
      tpu.enqueue_dma source(%arg3 : memref<128x8xf32, #tpu.memory_space<hbm>>) target(%arg7 : memref<128x8xf32, #tpu.memory_space<vmem>>) target_semaphore(%run_scoped3A : memref<!tpu.dma_semaphore, #tpu.memory_space<semaphore_mem>>)
      tpu.wait_dma2 semaphore(%run_scoped3A : memref<!tpu.dma_semaphore, #tpu.memory_space<semaphore_mem>>) src(%arg3 : memref<128x8xf32, #tpu.memory_space<hbm>>) dst(%arg7 : memref<128x8xf32, #tpu.memory_space<vmem>>)
      tpu.yield
    }) : () -> ()
    %mul3A_1 = arith.constant 640 : i32
    %mul3A_2 = arith.muli %arg1, %mul3A_1 : i32
    "tpu.region"() ({
      %run_scoped3A = tpu.sem_alloc : memref<!tpu.dma_semaphore, #tpu.memory_space<semaphore_mem>>
      %dma_start3A = arith.constant 0 : i32
      %dma_start3A_27 = tpu.memref_slice %arg8[%mul3A_2, %dma_start3A] : memref<10240x8xf32, #tpu.memory_space<vmem_shared>> -> memref<640x8xf32, #tpu.memory_space<vmem_shared>>
      tpu.enqueue_dma source(%arg4 : memref<640x8xf32, #tpu.memory_space<hbm>>) target(%dma_start3A_27 : memref<640x8xf32, #tpu.memory_space<vmem_shared>>) target_semaphore(%run_scoped3A : memref<!tpu.dma_semaphore, #tpu.memory_space<semaphore_mem>>)
      %dma_wait3A = arith.constant 0 : i32
      %dma_wait3A_28 = tpu.memref_slice %arg8[%mul3A_2, %dma_wait3A] : memref<10240x8xf32, #tpu.memory_space<vmem_shared>> -> memref<640x8xf32, #tpu.memory_space<vmem_shared>>
      tpu.wait_dma2 semaphore(%run_scoped3A : memref<!tpu.dma_semaphore, #tpu.memory_space<semaphore_mem>>) src(%arg4 : memref<640x8xf32, #tpu.memory_space<hbm>>) dst(%dma_wait3A_28 : memref<640x8xf32, #tpu.memory_space<vmem_shared>>)
      tpu.yield
    }) : () -> ()
    %barrier3A = arith.constant 0 : index
    tpu.barrier barrier_id(%barrier3A)
    %lt3A = arith.constant 31 : i32
    %lt3A_3 = arith.cmpi slt, %add3A, %lt3A : i32
    %convert_element_type3A = arith.extui %lt3A_3 : i1 to i32
    %cond3A = arith.constant 0 : i32
    %cond3A_4 = arith.cmpi ne, %convert_element_type3A, %cond3A : i32
    scf.if %cond3A_4 {
      %mul3A_27 = arith.constant 80 : i32
      %mul3A_28 = arith.muli %add3A, %mul3A_27 : i32
      "tpu.region"() ({
        %run_scoped3A = tpu.sem_alloc : memref<!tpu.dma_semaphore, #tpu.memory_space<semaphore_mem>>
        %dma_start3A = arith.constant 0 : i32
        %dma_start3A_29 = tpu.memref_slice %arg2[%mul3A_28, %dma_start3A] : memref<2500x128xi32, #tpu.memory_space<hbm>> -> memref<80x128xi32, #tpu.memory_space<hbm>>
        %dma_start3A_30 = arith.constant 0 : i32
        %dma_start3A_31 = tpu.memref_slice %arg2[%mul3A_28, %dma_start3A_30] : memref<2500x128xi32, #tpu.memory_space<hbm>> -> memref<80x128xi32, #tpu.memory_space<hbm>>
        tpu.enqueue_dma source(%dma_start3A_31 : memref<80x128xi32, #tpu.memory_space<hbm>>) target(%arg6 : memref<80x128xi32, #tpu.memory_space<vmem>>) target_semaphore(%run_scoped3A : memref<!tpu.dma_semaphore, #tpu.memory_space<semaphore_mem>>)
        %dma_wait3A = arith.constant 0 : i32
        %dma_wait3A_32 = tpu.memref_slice %arg2[%mul3A_28, %dma_wait3A] : memref<2500x128xi32, #tpu.memory_space<hbm>> -> memref<80x128xi32, #tpu.memory_space<hbm>>
        %dma_wait3A_33 = arith.constant 0 : i32
        %dma_wait3A_34 = tpu.memref_slice %arg2[%mul3A_28, %dma_wait3A_33] : memref<2500x128xi32, #tpu.memory_space<hbm>> -> memref<80x128xi32, #tpu.memory_space<hbm>>
        tpu.wait_dma2 semaphore(%run_scoped3A : memref<!tpu.dma_semaphore, #tpu.memory_space<semaphore_mem>>) src(%dma_wait3A_34 : memref<80x128xi32, #tpu.memory_space<hbm>>) dst(%arg6 : memref<80x128xi32, #tpu.memory_space<vmem>>)
        tpu.yield
      }) : () -> ()
    } else {
    }
    %eq3A = arith.constant 31 : i32
    %eq3A_5 = arith.cmpi eq, %add3A, %eq3A : i32
    %convert_element_type3A_6 = arith.extui %eq3A_5 : i1 to i32
    %cond3A_7 = arith.constant 0 : i32
    %cond3A_8 = arith.cmpi ne, %convert_element_type3A_6, %cond3A_7 : i32
    scf.if %cond3A_8 {
      "tpu.region"() ({
        %run_scoped3A = tpu.sem_alloc : memref<!tpu.dma_semaphore, #tpu.memory_space<semaphore_mem>>
        %dma_start3A = arith.constant 0 : i32
        %dma_start3A_27 = arith.constant 0 : i32
        %dma_start3A_28 = tpu.memref_slice %arg6[%dma_start3A, %dma_start3A_27] : memref<80x128xi32, #tpu.memory_space<vmem>> -> memref<20x128xi32, #tpu.memory_space<vmem>>
        %dma_start3A_29 = arith.constant 2480 : i32
        %dma_start3A_30 = arith.constant 0 : i32
        %dma_start3A_31 = tpu.memref_slice %arg2[%dma_start3A_29, %dma_start3A_30] : memref<2500x128xi32, #tpu.memory_space<hbm>> -> memref<20x128xi32, #tpu.memory_space<hbm>>
        %dma_start3A_32 = arith.constant 0 : i32
        %dma_start3A_33 = arith.constant 0 : i32
        %dma_start3A_34 = tpu.memref_slice %arg6[%dma_start3A_32, %dma_start3A_33] : memref<80x128xi32, #tpu.memory_space<vmem>> -> memref<20x128xi32, #tpu.memory_space<vmem>>
        %dma_start3A_35 = arith.constant 2480 : i32
        %dma_start3A_36 = arith.constant 0 : i32
        %dma_start3A_37 = tpu.memref_slice %arg2[%dma_start3A_35, %dma_start3A_36] : memref<2500x128xi32, #tpu.memory_space<hbm>> -> memref<20x128xi32, #tpu.memory_space<hbm>>
        tpu.enqueue_dma source(%dma_start3A_37 : memref<20x128xi32, #tpu.memory_space<hbm>>) target(%dma_start3A_34 : memref<20x128xi32, #tpu.memory_space<vmem>>) target_semaphore(%run_scoped3A : memref<!tpu.dma_semaphore, #tpu.memory_space<semaphore_mem>>)
        %dma_wait3A = arith.constant 0 : i32
        %dma_wait3A_38 = arith.constant 0 : i32
        %dma_wait3A_39 = tpu.memref_slice %arg6[%dma_wait3A, %dma_wait3A_38] : memref<80x128xi32, #tpu.memory_space<vmem>> -> memref<20x128xi32, #tpu.memory_space<vmem>>
        %dma_wait3A_40 = arith.constant 2480 : i32
        %dma_wait3A_41 = arith.constant 0 : i32
        %dma_wait3A_42 = tpu.memref_slice %arg2[%dma_wait3A_40, %dma_wait3A_41] : memref<2500x128xi32, #tpu.memory_space<hbm>> -> memref<20x128xi32, #tpu.memory_space<hbm>>
        %dma_wait3A_43 = arith.constant 0 : i32
        %dma_wait3A_44 = arith.constant 0 : i32
        %dma_wait3A_45 = tpu.memref_slice %arg6[%dma_wait3A_43, %dma_wait3A_44] : memref<80x128xi32, #tpu.memory_space<vmem>> -> memref<20x128xi32, #tpu.memory_space<vmem>>
        %dma_wait3A_46 = arith.constant 2480 : i32
        %dma_wait3A_47 = arith.constant 0 : i32
        %dma_wait3A_48 = tpu.memref_slice %arg2[%dma_wait3A_46, %dma_wait3A_47] : memref<2500x128xi32, #tpu.memory_space<hbm>> -> memref<20x128xi32, #tpu.memory_space<hbm>>
        tpu.wait_dma2 semaphore(%run_scoped3A : memref<!tpu.dma_semaphore, #tpu.memory_space<semaphore_mem>>) src(%dma_wait3A_48 : memref<20x128xi32, #tpu.memory_space<hbm>>) dst(%dma_wait3A_45 : memref<20x128xi32, #tpu.memory_space<vmem>>)
        tpu.yield
      }) : () -> ()
    } else {
    }
    %eq3A_9 = arith.constant 31 : i32
    %eq3A_10 = arith.cmpi eq, %add3A, %eq3A_9 : i32
    %select_n3A = arith.constant 80 : i32
    %select_n3A_11 = arith.constant 20 : i32
    %select_n3A_12 = arith.select %eq3A_10, %select_n3A_11, %select_n3A : i32
    %while3A = arith.constant 0 : i32
    %while3A_13 = arith.constant 0 : i32
    %while3A_14 = arith.subi %select_n3A_12, %while3A_13 : i32
    %while3A_15 = arith.addi %while3A_13, %while3A_14 : i32
    %while3A_16 = arith.constant 1 : i32
    %while3A_17 = arith.divsi %while3A_14, %while3A_16 : i32
    %while3A_18 = arith.muli %while3A_17, %while3A_16 : i32
    %while3A_19 = arith.addi %while3A_13, %while3A_18 : i32
    %while3A_20 = arith.constant 1 : i32
    scf.for %while3A_27 = %while3A_13 to %while3A_19 step %while3A_20  : i32 {
      "tpu.region"() ({
        %run_scoped3A = tpu.sem_alloc : memref<!tpu.dma_semaphore, #tpu.memory_space<semaphore_mem>>
        %dma_start3A = arith.constant 0 : i32
        %dma_start3A_28 = tpu.memref_slice %arg6[%while3A_27, %dma_start3A] : memref<80x128xi32, #tpu.memory_space<vmem>> -> memref<1x128xi32, #tpu.memory_space<vmem>>
        %dma_start3A_29 = tpu.memref_squeeze %dma_start3A_28 : memref<1x128xi32, #tpu.memory_space<vmem>> -> memref<128xi32, #tpu.memory_space<vmem>>
        %dma_start3A_30 = arith.constant 0 : i32
        %dma_start3A_31 = arith.constant 0 : i32
        %dma_start3A_32 = tpu.memref_slice %arg8[%dma_start3A_30, %dma_start3A_31] : memref<10240x8xf32, #tpu.memory_space<vmem_shared>> -> memref<10240x8xf32, #tpu.memory_space<vmem_shared>>
        tpu.enqueue_indirect_dma source(%arg7 : memref<128x8xf32, #tpu.memory_space<vmem>>) target(%dma_start3A_32 : memref<10240x8xf32, #tpu.memory_space<vmem_shared>>) offsets(%dma_start3A_29 : memref<128xi32, #tpu.memory_space<vmem>>) semaphore(%run_scoped3A : memref<!tpu.dma_semaphore, #tpu.memory_space<semaphore_mem>>) {add = true}
        %dma_wait3A = arith.constant 0 : i32
        %dma_wait3A_33 = tpu.memref_slice %arg6[%while3A_27, %dma_wait3A] : memref<80x128xi32, #tpu.memory_space<vmem>> -> memref<1x128xi32, #tpu.memory_space<vmem>>
        %dma_wait3A_34 = tpu.memref_squeeze %dma_wait3A_33 : memref<1x128xi32, #tpu.memory_space<vmem>> -> memref<128xi32, #tpu.memory_space<vmem>>
        %dma_wait3A_35 = arith.constant 0 : i32
        %dma_wait3A_36 = arith.constant 0 : i32
        %dma_wait3A_37 = tpu.memref_slice %arg8[%dma_wait3A_35, %dma_wait3A_36] : memref<10240x8xf32, #tpu.memory_space<vmem_shared>> -> memref<10240x8xf32, #tpu.memory_space<vmem_shared>>
        tpu.wait_indirect_dma semaphore(%run_scoped3A : memref<!tpu.dma_semaphore, #tpu.memory_space<semaphore_mem>>) src(%arg7 : memref<128x8xf32, #tpu.memory_space<vmem>>) dst(%dma_wait3A_37 : memref<10240x8xf32, #tpu.memory_space<vmem_shared>>)
        tpu.yield
      }) : () -> ()
    }
    %while3A_21 = arith.constant 1 : i32
    scf.for %while3A_27 = %while3A_19 to %while3A_15 step %while3A_21  : i32 {
      "tpu.region"() ({
        %run_scoped3A = tpu.sem_alloc : memref<!tpu.dma_semaphore, #tpu.memory_space<semaphore_mem>>
        %dma_start3A = arith.constant 0 : i32
        %dma_start3A_28 = tpu.memref_slice %arg6[%while3A_27, %dma_start3A] : memref<80x128xi32, #tpu.memory_space<vmem>> -> memref<1x128xi32, #tpu.memory_space<vmem>>
        %dma_start3A_29 = tpu.memref_squeeze %dma_start3A_28 : memref<1x128xi32, #tpu.memory_space<vmem>> -> memref<128xi32, #tpu.memory_space<vmem>>
        %dma_start3A_30 = arith.constant 0 : i32
        %dma_start3A_31 = arith.constant 0 : i32
        %dma_start3A_32 = tpu.memref_slice %arg8[%dma_start3A_30, %dma_start3A_31] : memref<10240x8xf32, #tpu.memory_space<vmem_shared>> -> memref<10240x8xf32, #tpu.memory_space<vmem_shared>>
        tpu.enqueue_indirect_dma source(%arg7 : memref<128x8xf32, #tpu.memory_space<vmem>>) target(%dma_start3A_32 : memref<10240x8xf32, #tpu.memory_space<vmem_shared>>) offsets(%dma_start3A_29 : memref<128xi32, #tpu.memory_space<vmem>>) semaphore(%run_scoped3A : memref<!tpu.dma_semaphore, #tpu.memory_space<semaphore_mem>>) {add = true}
        %dma_wait3A = arith.constant 0 : i32
        %dma_wait3A_33 = tpu.memref_slice %arg6[%while3A_27, %dma_wait3A] : memref<80x128xi32, #tpu.memory_space<vmem>> -> memref<1x128xi32, #tpu.memory_space<vmem>>
        %dma_wait3A_34 = tpu.memref_squeeze %dma_wait3A_33 : memref<1x128xi32, #tpu.memory_space<vmem>> -> memref<128xi32, #tpu.memory_space<vmem>>
        %dma_wait3A_35 = arith.constant 0 : i32
        %dma_wait3A_36 = arith.constant 0 : i32
        %dma_wait3A_37 = tpu.memref_slice %arg8[%dma_wait3A_35, %dma_wait3A_36] : memref<10240x8xf32, #tpu.memory_space<vmem_shared>> -> memref<10240x8xf32, #tpu.memory_space<vmem_shared>>
        tpu.wait_indirect_dma semaphore(%run_scoped3A : memref<!tpu.dma_semaphore, #tpu.memory_space<semaphore_mem>>) src(%arg7 : memref<128x8xf32, #tpu.memory_space<vmem>>) dst(%dma_wait3A_37 : memref<10240x8xf32, #tpu.memory_space<vmem_shared>>)
        tpu.yield
      }) : () -> ()
    }
    %barrier3A_22 = arith.constant 0 : index
    tpu.barrier barrier_id(%barrier3A_22)
    %mul3A_23 = arith.constant 640 : i32
    %mul3A_24 = arith.muli %arg1, %mul3A_23 : i32
    %mul3A_25 = arith.constant 640 : i32
    %mul3A_26 = arith.muli %arg1, %mul3A_25 : i32
    "tpu.region"() ({
      %run_scoped3A = tpu.sem_alloc : memref<!tpu.dma_semaphore, #tpu.memory_space<semaphore_mem>>
      %dma_start3A = arith.constant 0 : i32
      %dma_start3A_27 = tpu.memref_slice %arg5[%arg0, %mul3A_26, %dma_start3A] : memref<2x10240x8xf32, #tpu.memory_space<hbm>> -> memref<1x640x8xf32, #tpu.memory_space<hbm>>
      %dma_start3A_28 = tpu.memref_squeeze %dma_start3A_27 : memref<1x640x8xf32, #tpu.memory_space<hbm>> -> memref<640x8xf32, #tpu.memory_space<hbm>>
      %dma_start3A_29 = arith.constant 0 : i32
      %dma_start3A_30 = tpu.memref_slice %arg8[%mul3A_24, %dma_start3A_29] : memref<10240x8xf32, #tpu.memory_space<vmem_shared>> -> memref<640x8xf32, #tpu.memory_space<vmem_shared>>
      tpu.enqueue_dma source(%dma_start3A_30 : memref<640x8xf32, #tpu.memory_space<vmem_shared>>) target(%dma_start3A_28 : memref<640x8xf32, #tpu.memory_space<hbm>>) target_semaphore(%run_scoped3A : memref<!tpu.dma_semaphore, #tpu.memory_space<semaphore_mem>>)
      %dma_wait3A = arith.constant 0 : i32
      %dma_wait3A_31 = tpu.memref_slice %arg5[%arg0, %mul3A_26, %dma_wait3A] : memref<2x10240x8xf32, #tpu.memory_space<hbm>> -> memref<1x640x8xf32, #tpu.memory_space<hbm>>
      %dma_wait3A_32 = tpu.memref_squeeze %dma_wait3A_31 : memref<1x640x8xf32, #tpu.memory_space<hbm>> -> memref<640x8xf32, #tpu.memory_space<hbm>>
      %dma_wait3A_33 = arith.constant 0 : i32
      %dma_wait3A_34 = tpu.memref_slice %arg8[%mul3A_24, %dma_wait3A_33] : memref<10240x8xf32, #tpu.memory_space<vmem_shared>> -> memref<640x8xf32, #tpu.memory_space<vmem_shared>>
      tpu.wait_dma2 semaphore(%run_scoped3A : memref<!tpu.dma_semaphore, #tpu.memory_space<semaphore_mem>>) src(%dma_wait3A_34 : memref<640x8xf32, #tpu.memory_space<vmem_shared>>) dst(%dma_wait3A_32 : memref<640x8xf32, #tpu.memory_space<hbm>>)
      tpu.yield
    }) : () -> ()
    return
  }
}

#map = affine_map<(d0, d1) -> (0, 0)>
#map1 = affine_map<(d0, d1) -> (0, 0, 0)>
module attributes {stable_mosaic.version = 14 : i64} {
  func.func @_msg_body(%arg0: i32, %arg1: i32, %arg2: memref<10000x64xf32, #tpu.memory_space<hbm>>, %arg3: memref<2500x128xi32, #tpu.memory_space<hbm>>, %arg4: memref<2500x128xi32, #tpu.memory_space<hbm>>, %arg5: memref<640x64xf32, #tpu.memory_space<hbm>>, %arg6: memref<2x10240x64xf32, #tpu.memory_space<hbm>>, %arg7: memref<80x128xi32, #tpu.memory_space<vmem>>, %arg8: memref<80x128xi32, #tpu.memory_space<vmem>>, %arg9: memref<128x64xf32, #tpu.memory_space<vmem>>, %arg10: memref<128x64xf32, #tpu.memory_space<vmem>>, %arg11: memref<128x64xf32, #tpu.memory_space<vmem>>, %arg12: memref<10000x64xf32, #tpu.memory_space<vmem_shared>>, %arg13: memref<10240x64xf32, #tpu.memory_space<vmem_shared>>, %arg14: memref<!tpu.dma_semaphore, #tpu.memory_space<semaphore_mem>>, %arg15: memref<!tpu.dma_semaphore, #tpu.memory_space<semaphore_mem>>, %arg16: memref<!tpu.dma_semaphore, #tpu.memory_space<semaphore_mem>>) attributes {dimension_semantics = [#tpu.dimension_semantics<core_parallel>, #tpu.dimension_semantics<subcore_parallel>], iteration_bounds = array<i64: 2, 16>, scalar_prefetch = 0 : i64, scratch_operands = 10 : i64, tpu.core_type = #tpu.core_type<sc_vector_subcore>, window_params = [{transform_indices = #map}, {transform_indices = #map}, {transform_indices = #map}, {transform_indices = #map}, {transform_indices = #map1}]} {
    %mul3A = arith.constant 2 : i32
    %mul3A_0 = arith.muli %arg1, %mul3A : i32
    %add3A = arith.addi %mul3A_0, %arg0 : i32
    %mul3A_1 = arith.constant 640 : i32
    %mul3A_2 = arith.muli %arg1, %mul3A_1 : i32
    "tpu.region"() ({
      %run_scoped3A = tpu.sem_alloc : memref<!tpu.dma_semaphore, #tpu.memory_space<semaphore_mem>>
      %dma_start3A_88 = arith.constant 0 : i32
      %dma_start3A_89 = tpu.memref_slice %arg13[%mul3A_2, %dma_start3A_88] : memref<10240x64xf32, #tpu.memory_space<vmem_shared>> -> memref<640x64xf32, #tpu.memory_space<vmem_shared>>
      tpu.enqueue_dma source(%arg5 : memref<640x64xf32, #tpu.memory_space<hbm>>) target(%dma_start3A_89 : memref<640x64xf32, #tpu.memory_space<vmem_shared>>) target_semaphore(%run_scoped3A : memref<!tpu.dma_semaphore, #tpu.memory_space<semaphore_mem>>)
      %dma_wait3A = arith.constant 0 : i32
      %dma_wait3A_90 = tpu.memref_slice %arg13[%mul3A_2, %dma_wait3A] : memref<10240x64xf32, #tpu.memory_space<vmem_shared>> -> memref<640x64xf32, #tpu.memory_space<vmem_shared>>
      tpu.wait_dma2 semaphore(%run_scoped3A : memref<!tpu.dma_semaphore, #tpu.memory_space<semaphore_mem>>) src(%arg5 : memref<640x64xf32, #tpu.memory_space<hbm>>) dst(%dma_wait3A_90 : memref<640x64xf32, #tpu.memory_space<vmem_shared>>)
      tpu.yield
    }) : () -> ()
    %lt3A = arith.constant 15 : i32
    %lt3A_3 = arith.cmpi slt, %arg1, %lt3A : i32
    %convert_element_type3A = arith.extui %lt3A_3 : i1 to i32
    %cond3A = arith.constant 0 : i32
    %cond3A_4 = arith.cmpi ne, %convert_element_type3A, %cond3A : i32
    scf.if %cond3A_4 {
      %mul3A_88 = arith.constant 640 : i32
      %mul3A_89 = arith.muli %arg1, %mul3A_88 : i32
      %mul3A_90 = arith.constant 640 : i32
      %mul3A_91 = arith.muli %arg1, %mul3A_90 : i32
      "tpu.region"() ({
        %run_scoped3A = tpu.sem_alloc : memref<!tpu.dma_semaphore, #tpu.memory_space<semaphore_mem>>
        %dma_start3A_92 = arith.constant 0 : i32
        %dma_start3A_93 = tpu.memref_slice %arg12[%mul3A_91, %dma_start3A_92] : memref<10000x64xf32, #tpu.memory_space<vmem_shared>> -> memref<640x64xf32, #tpu.memory_space<vmem_shared>>
        %dma_start3A_94 = arith.constant 0 : i32
        %dma_start3A_95 = tpu.memref_slice %arg2[%mul3A_89, %dma_start3A_94] : memref<10000x64xf32, #tpu.memory_space<hbm>> -> memref<640x64xf32, #tpu.memory_space<hbm>>
        tpu.enqueue_dma source(%dma_start3A_95 : memref<640x64xf32, #tpu.memory_space<hbm>>) target(%dma_start3A_93 : memref<640x64xf32, #tpu.memory_space<vmem_shared>>) target_semaphore(%run_scoped3A : memref<!tpu.dma_semaphore, #tpu.memory_space<semaphore_mem>>)
        %dma_wait3A = arith.constant 0 : i32
        %dma_wait3A_96 = tpu.memref_slice %arg12[%mul3A_91, %dma_wait3A] : memref<10000x64xf32, #tpu.memory_space<vmem_shared>> -> memref<640x64xf32, #tpu.memory_space<vmem_shared>>
        %dma_wait3A_97 = arith.constant 0 : i32
        %dma_wait3A_98 = tpu.memref_slice %arg2[%mul3A_89, %dma_wait3A_97] : memref<10000x64xf32, #tpu.memory_space<hbm>> -> memref<640x64xf32, #tpu.memory_space<hbm>>
        tpu.wait_dma2 semaphore(%run_scoped3A : memref<!tpu.dma_semaphore, #tpu.memory_space<semaphore_mem>>) src(%dma_wait3A_98 : memref<640x64xf32, #tpu.memory_space<hbm>>) dst(%dma_wait3A_96 : memref<640x64xf32, #tpu.memory_space<vmem_shared>>)
        tpu.yield
      }) : () -> ()
    } else {
    }
    %eq3A = arith.constant 15 : i32
    %eq3A_5 = arith.cmpi eq, %arg1, %eq3A : i32
    %convert_element_type3A_6 = arith.extui %eq3A_5 : i1 to i32
    %cond3A_7 = arith.constant 0 : i32
    %cond3A_8 = arith.cmpi ne, %convert_element_type3A_6, %cond3A_7 : i32
    scf.if %cond3A_8 {
      "tpu.region"() ({
        %run_scoped3A = tpu.sem_alloc : memref<!tpu.dma_semaphore, #tpu.memory_space<semaphore_mem>>
        %dma_start3A_88 = arith.constant 9600 : i32
        %dma_start3A_89 = arith.constant 0 : i32
        %dma_start3A_90 = tpu.memref_slice %arg12[%dma_start3A_88, %dma_start3A_89] : memref<10000x64xf32, #tpu.memory_space<vmem_shared>> -> memref<400x64xf32, #tpu.memory_space<vmem_shared>>
        %dma_start3A_91 = arith.constant 9600 : i32
        %dma_start3A_92 = arith.constant 0 : i32
        %dma_start3A_93 = tpu.memref_slice %arg2[%dma_start3A_91, %dma_start3A_92] : memref<10000x64xf32, #tpu.memory_space<hbm>> -> memref<400x64xf32, #tpu.memory_space<hbm>>
        tpu.enqueue_dma source(%dma_start3A_93 : memref<400x64xf32, #tpu.memory_space<hbm>>) target(%dma_start3A_90 : memref<400x64xf32, #tpu.memory_space<vmem_shared>>) target_semaphore(%run_scoped3A : memref<!tpu.dma_semaphore, #tpu.memory_space<semaphore_mem>>)
        %dma_wait3A = arith.constant 9600 : i32
        %dma_wait3A_94 = arith.constant 0 : i32
        %dma_wait3A_95 = tpu.memref_slice %arg12[%dma_wait3A, %dma_wait3A_94] : memref<10000x64xf32, #tpu.memory_space<vmem_shared>> -> memref<400x64xf32, #tpu.memory_space<vmem_shared>>
        %dma_wait3A_96 = arith.constant 9600 : i32
        %dma_wait3A_97 = arith.constant 0 : i32
        %dma_wait3A_98 = tpu.memref_slice %arg2[%dma_wait3A_96, %dma_wait3A_97] : memref<10000x64xf32, #tpu.memory_space<hbm>> -> memref<400x64xf32, #tpu.memory_space<hbm>>
        tpu.wait_dma2 semaphore(%run_scoped3A : memref<!tpu.dma_semaphore, #tpu.memory_space<semaphore_mem>>) src(%dma_wait3A_98 : memref<400x64xf32, #tpu.memory_space<hbm>>) dst(%dma_wait3A_95 : memref<400x64xf32, #tpu.memory_space<vmem_shared>>)
        tpu.yield
      }) : () -> ()
    } else {
    }
    %barrier3A = arith.constant 0 : index
    tpu.barrier barrier_id(%barrier3A)
    %lt3A_9 = arith.constant 31 : i32
    %lt3A_10 = arith.cmpi slt, %add3A, %lt3A_9 : i32
    %convert_element_type3A_11 = arith.extui %lt3A_10 : i1 to i32
    %cond3A_12 = arith.constant 0 : i32
    %cond3A_13 = arith.cmpi ne, %convert_element_type3A_11, %cond3A_12 : i32
    scf.if %cond3A_13 {
      %mul3A_88 = arith.constant 80 : i32
      %mul3A_89 = arith.muli %add3A, %mul3A_88 : i32
      "tpu.region"() ({
        %run_scoped3A = tpu.sem_alloc : memref<!tpu.dma_semaphore, #tpu.memory_space<semaphore_mem>>
        %dma_start3A_90 = arith.constant 0 : i32
        %dma_start3A_91 = tpu.memref_slice %arg3[%mul3A_89, %dma_start3A_90] : memref<2500x128xi32, #tpu.memory_space<hbm>> -> memref<80x128xi32, #tpu.memory_space<hbm>>
        %dma_start3A_92 = arith.constant 0 : i32
        %dma_start3A_93 = tpu.memref_slice %arg3[%mul3A_89, %dma_start3A_92] : memref<2500x128xi32, #tpu.memory_space<hbm>> -> memref<80x128xi32, #tpu.memory_space<hbm>>
        tpu.enqueue_dma source(%dma_start3A_93 : memref<80x128xi32, #tpu.memory_space<hbm>>) target(%arg7 : memref<80x128xi32, #tpu.memory_space<vmem>>) target_semaphore(%run_scoped3A : memref<!tpu.dma_semaphore, #tpu.memory_space<semaphore_mem>>)
        %dma_wait3A = arith.constant 0 : i32
        %dma_wait3A_94 = tpu.memref_slice %arg3[%mul3A_89, %dma_wait3A] : memref<2500x128xi32, #tpu.memory_space<hbm>> -> memref<80x128xi32, #tpu.memory_space<hbm>>
        %dma_wait3A_95 = arith.constant 0 : i32
        %dma_wait3A_96 = tpu.memref_slice %arg3[%mul3A_89, %dma_wait3A_95] : memref<2500x128xi32, #tpu.memory_space<hbm>> -> memref<80x128xi32, #tpu.memory_space<hbm>>
        tpu.wait_dma2 semaphore(%run_scoped3A : memref<!tpu.dma_semaphore, #tpu.memory_space<semaphore_mem>>) src(%dma_wait3A_96 : memref<80x128xi32, #tpu.memory_space<hbm>>) dst(%arg7 : memref<80x128xi32, #tpu.memory_space<vmem>>)
        tpu.yield
      }) : () -> ()
    } else {
    }
    %eq3A_14 = arith.constant 31 : i32
    %eq3A_15 = arith.cmpi eq, %add3A, %eq3A_14 : i32
    %convert_element_type3A_16 = arith.extui %eq3A_15 : i1 to i32
    %cond3A_17 = arith.constant 0 : i32
    %cond3A_18 = arith.cmpi ne, %convert_element_type3A_16, %cond3A_17 : i32
    scf.if %cond3A_18 {
      "tpu.region"() ({
        %run_scoped3A = tpu.sem_alloc : memref<!tpu.dma_semaphore, #tpu.memory_space<semaphore_mem>>
        %dma_start3A_88 = arith.constant 0 : i32
        %dma_start3A_89 = arith.constant 0 : i32
        %dma_start3A_90 = tpu.memref_slice %arg7[%dma_start3A_88, %dma_start3A_89] : memref<80x128xi32, #tpu.memory_space<vmem>> -> memref<20x128xi32, #tpu.memory_space<vmem>>
        %dma_start3A_91 = arith.constant 2480 : i32
        %dma_start3A_92 = arith.constant 0 : i32
        %dma_start3A_93 = tpu.memref_slice %arg3[%dma_start3A_91, %dma_start3A_92] : memref<2500x128xi32, #tpu.memory_space<hbm>> -> memref<20x128xi32, #tpu.memory_space<hbm>>
        %dma_start3A_94 = arith.constant 0 : i32
        %dma_start3A_95 = arith.constant 0 : i32
        %dma_start3A_96 = tpu.memref_slice %arg7[%dma_start3A_94, %dma_start3A_95] : memref<80x128xi32, #tpu.memory_space<vmem>> -> memref<20x128xi32, #tpu.memory_space<vmem>>
        %dma_start3A_97 = arith.constant 2480 : i32
        %dma_start3A_98 = arith.constant 0 : i32
        %dma_start3A_99 = tpu.memref_slice %arg3[%dma_start3A_97, %dma_start3A_98] : memref<2500x128xi32, #tpu.memory_space<hbm>> -> memref<20x128xi32, #tpu.memory_space<hbm>>
        tpu.enqueue_dma source(%dma_start3A_99 : memref<20x128xi32, #tpu.memory_space<hbm>>) target(%dma_start3A_96 : memref<20x128xi32, #tpu.memory_space<vmem>>) target_semaphore(%run_scoped3A : memref<!tpu.dma_semaphore, #tpu.memory_space<semaphore_mem>>)
        %dma_wait3A = arith.constant 0 : i32
        %dma_wait3A_100 = arith.constant 0 : i32
        %dma_wait3A_101 = tpu.memref_slice %arg7[%dma_wait3A, %dma_wait3A_100] : memref<80x128xi32, #tpu.memory_space<vmem>> -> memref<20x128xi32, #tpu.memory_space<vmem>>
        %dma_wait3A_102 = arith.constant 2480 : i32
        %dma_wait3A_103 = arith.constant 0 : i32
        %dma_wait3A_104 = tpu.memref_slice %arg3[%dma_wait3A_102, %dma_wait3A_103] : memref<2500x128xi32, #tpu.memory_space<hbm>> -> memref<20x128xi32, #tpu.memory_space<hbm>>
        %dma_wait3A_105 = arith.constant 0 : i32
        %dma_wait3A_106 = arith.constant 0 : i32
        %dma_wait3A_107 = tpu.memref_slice %arg7[%dma_wait3A_105, %dma_wait3A_106] : memref<80x128xi32, #tpu.memory_space<vmem>> -> memref<20x128xi32, #tpu.memory_space<vmem>>
        %dma_wait3A_108 = arith.constant 2480 : i32
        %dma_wait3A_109 = arith.constant 0 : i32
        %dma_wait3A_110 = tpu.memref_slice %arg3[%dma_wait3A_108, %dma_wait3A_109] : memref<2500x128xi32, #tpu.memory_space<hbm>> -> memref<20x128xi32, #tpu.memory_space<hbm>>
        tpu.wait_dma2 semaphore(%run_scoped3A : memref<!tpu.dma_semaphore, #tpu.memory_space<semaphore_mem>>) src(%dma_wait3A_110 : memref<20x128xi32, #tpu.memory_space<hbm>>) dst(%dma_wait3A_107 : memref<20x128xi32, #tpu.memory_space<vmem>>)
        tpu.yield
      }) : () -> ()
    } else {
    }
    %lt3A_19 = arith.constant 31 : i32
    %lt3A_20 = arith.cmpi slt, %add3A, %lt3A_19 : i32
    %convert_element_type3A_21 = arith.extui %lt3A_20 : i1 to i32
    %cond3A_22 = arith.constant 0 : i32
    %cond3A_23 = arith.cmpi ne, %convert_element_type3A_21, %cond3A_22 : i32
    scf.if %cond3A_23 {
      %mul3A_88 = arith.constant 80 : i32
      %mul3A_89 = arith.muli %add3A, %mul3A_88 : i32
      "tpu.region"() ({
        %run_scoped3A = tpu.sem_alloc : memref<!tpu.dma_semaphore, #tpu.memory_space<semaphore_mem>>
        %dma_start3A_90 = arith.constant 0 : i32
        %dma_start3A_91 = tpu.memref_slice %arg4[%mul3A_89, %dma_start3A_90] : memref<2500x128xi32, #tpu.memory_space<hbm>> -> memref<80x128xi32, #tpu.memory_space<hbm>>
        %dma_start3A_92 = arith.constant 0 : i32
        %dma_start3A_93 = tpu.memref_slice %arg4[%mul3A_89, %dma_start3A_92] : memref<2500x128xi32, #tpu.memory_space<hbm>> -> memref<80x128xi32, #tpu.memory_space<hbm>>
        tpu.enqueue_dma source(%dma_start3A_93 : memref<80x128xi32, #tpu.memory_space<hbm>>) target(%arg8 : memref<80x128xi32, #tpu.memory_space<vmem>>) target_semaphore(%run_scoped3A : memref<!tpu.dma_semaphore, #tpu.memory_space<semaphore_mem>>)
        %dma_wait3A = arith.constant 0 : i32
        %dma_wait3A_94 = tpu.memref_slice %arg4[%mul3A_89, %dma_wait3A] : memref<2500x128xi32, #tpu.memory_space<hbm>> -> memref<80x128xi32, #tpu.memory_space<hbm>>
        %dma_wait3A_95 = arith.constant 0 : i32
        %dma_wait3A_96 = tpu.memref_slice %arg4[%mul3A_89, %dma_wait3A_95] : memref<2500x128xi32, #tpu.memory_space<hbm>> -> memref<80x128xi32, #tpu.memory_space<hbm>>
        tpu.wait_dma2 semaphore(%run_scoped3A : memref<!tpu.dma_semaphore, #tpu.memory_space<semaphore_mem>>) src(%dma_wait3A_96 : memref<80x128xi32, #tpu.memory_space<hbm>>) dst(%arg8 : memref<80x128xi32, #tpu.memory_space<vmem>>)
        tpu.yield
      }) : () -> ()
    } else {
    }
    %eq3A_24 = arith.constant 31 : i32
    %eq3A_25 = arith.cmpi eq, %add3A, %eq3A_24 : i32
    %convert_element_type3A_26 = arith.extui %eq3A_25 : i1 to i32
    %cond3A_27 = arith.constant 0 : i32
    %cond3A_28 = arith.cmpi ne, %convert_element_type3A_26, %cond3A_27 : i32
    scf.if %cond3A_28 {
      "tpu.region"() ({
        %run_scoped3A = tpu.sem_alloc : memref<!tpu.dma_semaphore, #tpu.memory_space<semaphore_mem>>
        %dma_start3A_88 = arith.constant 0 : i32
        %dma_start3A_89 = arith.constant 0 : i32
        %dma_start3A_90 = tpu.memref_slice %arg8[%dma_start3A_88, %dma_start3A_89] : memref<80x128xi32, #tpu.memory_space<vmem>> -> memref<20x128xi32, #tpu.memory_space<vmem>>
        %dma_start3A_91 = arith.constant 2480 : i32
        %dma_start3A_92 = arith.constant 0 : i32
        %dma_start3A_93 = tpu.memref_slice %arg4[%dma_start3A_91, %dma_start3A_92] : memref<2500x128xi32, #tpu.memory_space<hbm>> -> memref<20x128xi32, #tpu.memory_space<hbm>>
        %dma_start3A_94 = arith.constant 0 : i32
        %dma_start3A_95 = arith.constant 0 : i32
        %dma_start3A_96 = tpu.memref_slice %arg8[%dma_start3A_94, %dma_start3A_95] : memref<80x128xi32, #tpu.memory_space<vmem>> -> memref<20x128xi32, #tpu.memory_space<vmem>>
        %dma_start3A_97 = arith.constant 2480 : i32
        %dma_start3A_98 = arith.constant 0 : i32
        %dma_start3A_99 = tpu.memref_slice %arg4[%dma_start3A_97, %dma_start3A_98] : memref<2500x128xi32, #tpu.memory_space<hbm>> -> memref<20x128xi32, #tpu.memory_space<hbm>>
        tpu.enqueue_dma source(%dma_start3A_99 : memref<20x128xi32, #tpu.memory_space<hbm>>) target(%dma_start3A_96 : memref<20x128xi32, #tpu.memory_space<vmem>>) target_semaphore(%run_scoped3A : memref<!tpu.dma_semaphore, #tpu.memory_space<semaphore_mem>>)
        %dma_wait3A = arith.constant 0 : i32
        %dma_wait3A_100 = arith.constant 0 : i32
        %dma_wait3A_101 = tpu.memref_slice %arg8[%dma_wait3A, %dma_wait3A_100] : memref<80x128xi32, #tpu.memory_space<vmem>> -> memref<20x128xi32, #tpu.memory_space<vmem>>
        %dma_wait3A_102 = arith.constant 2480 : i32
        %dma_wait3A_103 = arith.constant 0 : i32
        %dma_wait3A_104 = tpu.memref_slice %arg4[%dma_wait3A_102, %dma_wait3A_103] : memref<2500x128xi32, #tpu.memory_space<hbm>> -> memref<20x128xi32, #tpu.memory_space<hbm>>
        %dma_wait3A_105 = arith.constant 0 : i32
        %dma_wait3A_106 = arith.constant 0 : i32
        %dma_wait3A_107 = tpu.memref_slice %arg8[%dma_wait3A_105, %dma_wait3A_106] : memref<80x128xi32, #tpu.memory_space<vmem>> -> memref<20x128xi32, #tpu.memory_space<vmem>>
        %dma_wait3A_108 = arith.constant 2480 : i32
        %dma_wait3A_109 = arith.constant 0 : i32
        %dma_wait3A_110 = tpu.memref_slice %arg4[%dma_wait3A_108, %dma_wait3A_109] : memref<2500x128xi32, #tpu.memory_space<hbm>> -> memref<20x128xi32, #tpu.memory_space<hbm>>
        tpu.wait_dma2 semaphore(%run_scoped3A : memref<!tpu.dma_semaphore, #tpu.memory_space<semaphore_mem>>) src(%dma_wait3A_110 : memref<20x128xi32, #tpu.memory_space<hbm>>) dst(%dma_wait3A_107 : memref<20x128xi32, #tpu.memory_space<vmem>>)
        tpu.yield
      }) : () -> ()
    } else {
    }
    %eq3A_29 = arith.constant 31 : i32
    %eq3A_30 = arith.cmpi eq, %add3A, %eq3A_29 : i32
    %select_n3A = arith.constant 80 : i32
    %select_n3A_31 = arith.constant 20 : i32
    %select_n3A_32 = arith.select %eq3A_30, %select_n3A_31, %select_n3A : i32
    %dma_start3A = arith.constant 0 : i32
    %dma_start3A_33 = arith.constant 0 : i32
    %dma_start3A_34 = tpu.memref_slice %arg7[%dma_start3A, %dma_start3A_33] : memref<80x128xi32, #tpu.memory_space<vmem>> -> memref<1x128xi32, #tpu.memory_space<vmem>>
    %dma_start3A_35 = tpu.memref_squeeze %dma_start3A_34 : memref<1x128xi32, #tpu.memory_space<vmem>> -> memref<128xi32, #tpu.memory_space<vmem>>
    %dma_start3A_36 = arith.constant 0 : i32
    %dma_start3A_37 = arith.constant 0 : i32
    %dma_start3A_38 = tpu.memref_slice %arg12[%dma_start3A_36, %dma_start3A_37] : memref<10000x64xf32, #tpu.memory_space<vmem_shared>> -> memref<10000x64xf32, #tpu.memory_space<vmem_shared>>
    tpu.enqueue_indirect_dma source(%dma_start3A_38 : memref<10000x64xf32, #tpu.memory_space<vmem_shared>>) target(%arg9 : memref<128x64xf32, #tpu.memory_space<vmem>>) offsets(%dma_start3A_35 : memref<128xi32, #tpu.memory_space<vmem>>) semaphore(%arg14 : memref<!tpu.dma_semaphore, #tpu.memory_space<semaphore_mem>>)
    %dma_start3A_39 = arith.constant 1 : i32
    %dma_start3A_40 = arith.constant 0 : i32
    %dma_start3A_41 = tpu.memref_slice %arg7[%dma_start3A_39, %dma_start3A_40] : memref<80x128xi32, #tpu.memory_space<vmem>> -> memref<1x128xi32, #tpu.memory_space<vmem>>
    %dma_start3A_42 = tpu.memref_squeeze %dma_start3A_41 : memref<1x128xi32, #tpu.memory_space<vmem>> -> memref<128xi32, #tpu.memory_space<vmem>>
    %dma_start3A_43 = arith.constant 0 : i32
    %dma_start3A_44 = arith.constant 0 : i32
    %dma_start3A_45 = tpu.memref_slice %arg12[%dma_start3A_43, %dma_start3A_44] : memref<10000x64xf32, #tpu.memory_space<vmem_shared>> -> memref<10000x64xf32, #tpu.memory_space<vmem_shared>>
    tpu.enqueue_indirect_dma source(%dma_start3A_45 : memref<10000x64xf32, #tpu.memory_space<vmem_shared>>) target(%arg10 : memref<128x64xf32, #tpu.memory_space<vmem>>) offsets(%dma_start3A_42 : memref<128xi32, #tpu.memory_space<vmem>>) semaphore(%arg15 : memref<!tpu.dma_semaphore, #tpu.memory_space<semaphore_mem>>)
    %dma_start3A_46 = arith.constant 2 : i32
    %dma_start3A_47 = arith.constant 0 : i32
    %dma_start3A_48 = tpu.memref_slice %arg7[%dma_start3A_46, %dma_start3A_47] : memref<80x128xi32, #tpu.memory_space<vmem>> -> memref<1x128xi32, #tpu.memory_space<vmem>>
    %dma_start3A_49 = tpu.memref_squeeze %dma_start3A_48 : memref<1x128xi32, #tpu.memory_space<vmem>> -> memref<128xi32, #tpu.memory_space<vmem>>
    %dma_start3A_50 = arith.constant 0 : i32
    %dma_start3A_51 = arith.constant 0 : i32
    %dma_start3A_52 = tpu.memref_slice %arg12[%dma_start3A_50, %dma_start3A_51] : memref<10000x64xf32, #tpu.memory_space<vmem_shared>> -> memref<10000x64xf32, #tpu.memory_space<vmem_shared>>
    tpu.enqueue_indirect_dma source(%dma_start3A_52 : memref<10000x64xf32, #tpu.memory_space<vmem_shared>>) target(%arg11 : memref<128x64xf32, #tpu.memory_space<vmem>>) offsets(%dma_start3A_49 : memref<128xi32, #tpu.memory_space<vmem>>) semaphore(%arg16 : memref<!tpu.dma_semaphore, #tpu.memory_space<semaphore_mem>>)
    %add3A_53 = arith.constant 3 : i32
    %add3A_54 = arith.addi %select_n3A_32, %add3A_53 : i32
    %sub3A = arith.constant 1 : i32
    %sub3A_55 = arith.subi %add3A_54, %sub3A : i32
    %jit3A = arith.constant 3 : i32
    %div3A = arith.divsi %sub3A_55, %jit3A : i32
    %sign3A = arith.constant 0 : i32
    %sign3A_56 = arith.cmpi sgt, %sub3A_55, %sign3A : i32
    %sign3A_57 = arith.extui %sign3A_56 : i1 to i32
    %sign3A_58 = arith.constant 0 : i32
    %sign3A_59 = arith.cmpi slt, %sub3A_55, %sign3A_58 : i32
    %sign3A_60 = arith.extui %sign3A_59 : i1 to i32
    %sign3A_61 = arith.subi %sign3A_57, %sign3A_60 : i32
    %sign3A_62 = arith.constant 0 : i32
    %sign3A_63 = arith.cmpi sgt, %jit3A, %sign3A_62 : i32
    %sign3A_64 = arith.extui %sign3A_63 : i1 to i32
    %sign3A_65 = arith.constant 0 : i32
    %sign3A_66 = arith.cmpi slt, %jit3A, %sign3A_65 : i32
    %sign3A_67 = arith.extui %sign3A_66 : i1 to i32
    %sign3A_68 = arith.subi %sign3A_64, %sign3A_67 : i32
    %ne3A = arith.cmpi ne, %sign3A_61, %sign3A_68 : i32
    %rem3A = arith.remsi %sub3A_55, %jit3A : i32
    %ne3A_69 = arith.constant 0 : i32
    %ne3A_70 = arith.cmpi ne, %rem3A, %ne3A_69 : i32
    %and3A = arith.andi %ne3A, %ne3A_70 : i1
    %sub3A_71 = arith.constant 1 : i32
    %sub3A_72 = arith.subi %div3A, %sub3A_71 : i32
    %select_n3A_73 = arith.select %and3A, %sub3A_72, %div3A : i32
    %while3A = arith.constant 0 : i32
    %while3A_74 = arith.constant 0 : i32
    %while3A_75 = arith.subi %select_n3A_73, %while3A_74 : i32
    %while3A_76 = arith.addi %while3A_74, %while3A_75 : i32
    %while3A_77 = arith.constant 1 : i32
    %while3A_78 = arith.divsi %while3A_75, %while3A_77 : i32
    %while3A_79 = arith.muli %while3A_78, %while3A_77 : i32
    %while3A_80 = arith.addi %while3A_74, %while3A_79 : i32
    %while3A_81 = arith.constant 1 : i32
    scf.for %while3A_88 = %while3A_74 to %while3A_80 step %while3A_81  : i32 {
      %mul3A_89 = arith.constant 3 : i32
      %mul3A_90 = arith.muli %while3A_88, %mul3A_89 : i32
      %add3A_91 = arith.constant 0 : i32
      %add3A_92 = arith.addi %mul3A_90, %add3A_91 : i32
      %lt3A_93 = arith.cmpi slt, %add3A_92, %select_n3A_32 : i32
      %convert_element_type3A_94 = arith.extui %lt3A_93 : i1 to i32
      %cond3A_95 = arith.constant 0 : i32
      %cond3A_96 = arith.cmpi ne, %convert_element_type3A_94, %cond3A_95 : i32
      scf.if %cond3A_96 {
        %dma_wait3A = arith.constant 0 : i32
        %dma_wait3A_113 = tpu.memref_slice %arg7[%add3A_92, %dma_wait3A] : memref<80x128xi32, #tpu.memory_space<vmem>> -> memref<1x128xi32, #tpu.memory_space<vmem>>
        %dma_wait3A_114 = tpu.memref_squeeze %dma_wait3A_113 : memref<1x128xi32, #tpu.memory_space<vmem>> -> memref<128xi32, #tpu.memory_space<vmem>>
        %dma_wait3A_115 = arith.constant 0 : i32
        %dma_wait3A_116 = arith.constant 0 : i32
        %dma_wait3A_117 = tpu.memref_slice %arg12[%dma_wait3A_115, %dma_wait3A_116] : memref<10000x64xf32, #tpu.memory_space<vmem_shared>> -> memref<10000x64xf32, #tpu.memory_space<vmem_shared>>
        tpu.wait_indirect_dma semaphore(%arg14 : memref<!tpu.dma_semaphore, #tpu.memory_space<semaphore_mem>>) src(%dma_wait3A_117 : memref<10000x64xf32, #tpu.memory_space<vmem_shared>>) dst(%arg9 : memref<128x64xf32, #tpu.memory_space<vmem>>)
        "tpu.region"() ({
          %run_scoped3A = tpu.sem_alloc : memref<!tpu.dma_semaphore, #tpu.memory_space<semaphore_mem>>
          %dma_start3A_124 = arith.constant 0 : i32
          %dma_start3A_125 = tpu.memref_slice %arg8[%add3A_92, %dma_start3A_124] : memref<80x128xi32, #tpu.memory_space<vmem>> -> memref<1x128xi32, #tpu.memory_space<vmem>>
          %dma_start3A_126 = tpu.memref_squeeze %dma_start3A_125 : memref<1x128xi32, #tpu.memory_space<vmem>> -> memref<128xi32, #tpu.memory_space<vmem>>
          %dma_start3A_127 = arith.constant 0 : i32
          %dma_start3A_128 = arith.constant 0 : i32
          %dma_start3A_129 = tpu.memref_slice %arg13[%dma_start3A_127, %dma_start3A_128] : memref<10240x64xf32, #tpu.memory_space<vmem_shared>> -> memref<10240x64xf32, #tpu.memory_space<vmem_shared>>
          tpu.enqueue_indirect_dma source(%arg9 : memref<128x64xf32, #tpu.memory_space<vmem>>) target(%dma_start3A_129 : memref<10240x64xf32, #tpu.memory_space<vmem_shared>>) offsets(%dma_start3A_126 : memref<128xi32, #tpu.memory_space<vmem>>) semaphore(%run_scoped3A : memref<!tpu.dma_semaphore, #tpu.memory_space<semaphore_mem>>) {add = true}
          %dma_wait3A_130 = arith.constant 0 : i32
          %dma_wait3A_131 = tpu.memref_slice %arg8[%add3A_92, %dma_wait3A_130] : memref<80x128xi32, #tpu.memory_space<vmem>> -> memref<1x128xi32, #tpu.memory_space<vmem>>
          %dma_wait3A_132 = tpu.memref_squeeze %dma_wait3A_131 : memref<1x128xi32, #tpu.memory_space<vmem>> -> memref<128xi32, #tpu.memory_space<vmem>>
          %dma_wait3A_133 = arith.constant 0 : i32
          %dma_wait3A_134 = arith.constant 0 : i32
          %dma_wait3A_135 = tpu.memref_slice %arg13[%dma_wait3A_133, %dma_wait3A_134] : memref<10240x64xf32, #tpu.memory_space<vmem_shared>> -> memref<10240x64xf32, #tpu.memory_space<vmem_shared>>
          tpu.wait_indirect_dma semaphore(%run_scoped3A : memref<!tpu.dma_semaphore, #tpu.memory_space<semaphore_mem>>) src(%arg9 : memref<128x64xf32, #tpu.memory_space<vmem>>) dst(%dma_wait3A_135 : memref<10240x64xf32, #tpu.memory_space<vmem_shared>>)
          tpu.yield
        }) : () -> ()
        %add3A_118 = arith.constant 3 : i32
        %add3A_119 = arith.addi %add3A_92, %add3A_118 : i32
        %lt3A_120 = arith.cmpi slt, %add3A_119, %select_n3A_32 : i32
        %convert_element_type3A_121 = arith.extui %lt3A_120 : i1 to i32
        %cond3A_122 = arith.constant 0 : i32
        %cond3A_123 = arith.cmpi ne, %convert_element_type3A_121, %cond3A_122 : i32
        scf.if %cond3A_123 {
          %add3A_124 = arith.constant 3 : i32
          %add3A_125 = arith.addi %add3A_92, %add3A_124 : i32
          %dma_start3A_126 = arith.constant 0 : i32
          %dma_start3A_127 = tpu.memref_slice %arg7[%add3A_125, %dma_start3A_126] : memref<80x128xi32, #tpu.memory_space<vmem>> -> memref<1x128xi32, #tpu.memory_space<vmem>>
          %dma_start3A_128 = tpu.memref_squeeze %dma_start3A_127 : memref<1x128xi32, #tpu.memory_space<vmem>> -> memref<128xi32, #tpu.memory_space<vmem>>
          %dma_start3A_129 = arith.constant 0 : i32
          %dma_start3A_130 = arith.constant 0 : i32
          %dma_start3A_131 = tpu.memref_slice %arg12[%dma_start3A_129, %dma_start3A_130] : memref<10000x64xf32, #tpu.memory_space<vmem_shared>> -> memref<10000x64xf32, #tpu.memory_space<vmem_shared>>
          tpu.enqueue_indirect_dma source(%dma_start3A_131 : memref<10000x64xf32, #tpu.memory_space<vmem_shared>>) target(%arg9 : memref<128x64xf32, #tpu.memory_space<vmem>>) offsets(%dma_start3A_128 : memref<128xi32, #tpu.memory_space<vmem>>) semaphore(%arg14 : memref<!tpu.dma_semaphore, #tpu.memory_space<semaphore_mem>>)
        } else {
        }
      } else {
      }
      %mul3A_97 = arith.constant 3 : i32
      %mul3A_98 = arith.muli %while3A_88, %mul3A_97 : i32
      %add3A_99 = arith.constant 1 : i32
      %add3A_100 = arith.addi %mul3A_98, %add3A_99 : i32
      %lt3A_101 = arith.cmpi slt, %add3A_100, %select_n3A_32 : i32
      %convert_element_type3A_102 = arith.extui %lt3A_101 : i1 to i32
      %cond3A_103 = arith.constant 0 : i32
      %cond3A_104 = arith.cmpi ne, %convert_element_type3A_102, %cond3A_103 : i32
      scf.if %cond3A_104 {
        %dma_wait3A = arith.constant 0 : i32
        %dma_wait3A_113 = tpu.memref_slice %arg7[%add3A_100, %dma_wait3A] : memref<80x128xi32, #tpu.memory_space<vmem>> -> memref<1x128xi32, #tpu.memory_space<vmem>>
        %dma_wait3A_114 = tpu.memref_squeeze %dma_wait3A_113 : memref<1x128xi32, #tpu.memory_space<vmem>> -> memref<128xi32, #tpu.memory_space<vmem>>
        %dma_wait3A_115 = arith.constant 0 : i32
        %dma_wait3A_116 = arith.constant 0 : i32
        %dma_wait3A_117 = tpu.memref_slice %arg12[%dma_wait3A_115, %dma_wait3A_116] : memref<10000x64xf32, #tpu.memory_space<vmem_shared>> -> memref<10000x64xf32, #tpu.memory_space<vmem_shared>>
        tpu.wait_indirect_dma semaphore(%arg15 : memref<!tpu.dma_semaphore, #tpu.memory_space<semaphore_mem>>) src(%dma_wait3A_117 : memref<10000x64xf32, #tpu.memory_space<vmem_shared>>) dst(%arg10 : memref<128x64xf32, #tpu.memory_space<vmem>>)
        "tpu.region"() ({
          %run_scoped3A = tpu.sem_alloc : memref<!tpu.dma_semaphore, #tpu.memory_space<semaphore_mem>>
          %dma_start3A_124 = arith.constant 0 : i32
          %dma_start3A_125 = tpu.memref_slice %arg8[%add3A_100, %dma_start3A_124] : memref<80x128xi32, #tpu.memory_space<vmem>> -> memref<1x128xi32, #tpu.memory_space<vmem>>
          %dma_start3A_126 = tpu.memref_squeeze %dma_start3A_125 : memref<1x128xi32, #tpu.memory_space<vmem>> -> memref<128xi32, #tpu.memory_space<vmem>>
          %dma_start3A_127 = arith.constant 0 : i32
          %dma_start3A_128 = arith.constant 0 : i32
          %dma_start3A_129 = tpu.memref_slice %arg13[%dma_start3A_127, %dma_start3A_128] : memref<10240x64xf32, #tpu.memory_space<vmem_shared>> -> memref<10240x64xf32, #tpu.memory_space<vmem_shared>>
          tpu.enqueue_indirect_dma source(%arg10 : memref<128x64xf32, #tpu.memory_space<vmem>>) target(%dma_start3A_129 : memref<10240x64xf32, #tpu.memory_space<vmem_shared>>) offsets(%dma_start3A_126 : memref<128xi32, #tpu.memory_space<vmem>>) semaphore(%run_scoped3A : memref<!tpu.dma_semaphore, #tpu.memory_space<semaphore_mem>>) {add = true}
          %dma_wait3A_130 = arith.constant 0 : i32
          %dma_wait3A_131 = tpu.memref_slice %arg8[%add3A_100, %dma_wait3A_130] : memref<80x128xi32, #tpu.memory_space<vmem>> -> memref<1x128xi32, #tpu.memory_space<vmem>>
          %dma_wait3A_132 = tpu.memref_squeeze %dma_wait3A_131 : memref<1x128xi32, #tpu.memory_space<vmem>> -> memref<128xi32, #tpu.memory_space<vmem>>
          %dma_wait3A_133 = arith.constant 0 : i32
          %dma_wait3A_134 = arith.constant 0 : i32
          %dma_wait3A_135 = tpu.memref_slice %arg13[%dma_wait3A_133, %dma_wait3A_134] : memref<10240x64xf32, #tpu.memory_space<vmem_shared>> -> memref<10240x64xf32, #tpu.memory_space<vmem_shared>>
          tpu.wait_indirect_dma semaphore(%run_scoped3A : memref<!tpu.dma_semaphore, #tpu.memory_space<semaphore_mem>>) src(%arg10 : memref<128x64xf32, #tpu.memory_space<vmem>>) dst(%dma_wait3A_135 : memref<10240x64xf32, #tpu.memory_space<vmem_shared>>)
          tpu.yield
        }) : () -> ()
        %add3A_118 = arith.constant 3 : i32
        %add3A_119 = arith.addi %add3A_100, %add3A_118 : i32
        %lt3A_120 = arith.cmpi slt, %add3A_119, %select_n3A_32 : i32
        %convert_element_type3A_121 = arith.extui %lt3A_120 : i1 to i32
        %cond3A_122 = arith.constant 0 : i32
        %cond3A_123 = arith.cmpi ne, %convert_element_type3A_121, %cond3A_122 : i32
        scf.if %cond3A_123 {
          %add3A_124 = arith.constant 3 : i32
          %add3A_125 = arith.addi %add3A_100, %add3A_124 : i32
          %dma_start3A_126 = arith.constant 0 : i32
          %dma_start3A_127 = tpu.memref_slice %arg7[%add3A_125, %dma_start3A_126] : memref<80x128xi32, #tpu.memory_space<vmem>> -> memref<1x128xi32, #tpu.memory_space<vmem>>
          %dma_start3A_128 = tpu.memref_squeeze %dma_start3A_127 : memref<1x128xi32, #tpu.memory_space<vmem>> -> memref<128xi32, #tpu.memory_space<vmem>>
          %dma_start3A_129 = arith.constant 0 : i32
          %dma_start3A_130 = arith.constant 0 : i32
          %dma_start3A_131 = tpu.memref_slice %arg12[%dma_start3A_129, %dma_start3A_130] : memref<10000x64xf32, #tpu.memory_space<vmem_shared>> -> memref<10000x64xf32, #tpu.memory_space<vmem_shared>>
          tpu.enqueue_indirect_dma source(%dma_start3A_131 : memref<10000x64xf32, #tpu.memory_space<vmem_shared>>) target(%arg10 : memref<128x64xf32, #tpu.memory_space<vmem>>) offsets(%dma_start3A_128 : memref<128xi32, #tpu.memory_space<vmem>>) semaphore(%arg15 : memref<!tpu.dma_semaphore, #tpu.memory_space<semaphore_mem>>)
        } else {
        }
      } else {
      }
      %mul3A_105 = arith.constant 3 : i32
      %mul3A_106 = arith.muli %while3A_88, %mul3A_105 : i32
      %add3A_107 = arith.constant 2 : i32
      %add3A_108 = arith.addi %mul3A_106, %add3A_107 : i32
      %lt3A_109 = arith.cmpi slt, %add3A_108, %select_n3A_32 : i32
      %convert_element_type3A_110 = arith.extui %lt3A_109 : i1 to i32
      %cond3A_111 = arith.constant 0 : i32
      %cond3A_112 = arith.cmpi ne, %convert_element_type3A_110, %cond3A_111 : i32
      scf.if %cond3A_112 {
        %dma_wait3A = arith.constant 0 : i32
        %dma_wait3A_113 = tpu.memref_slice %arg7[%add3A_108, %dma_wait3A] : memref<80x128xi32, #tpu.memory_space<vmem>> -> memref<1x128xi32, #tpu.memory_space<vmem>>
        %dma_wait3A_114 = tpu.memref_squeeze %dma_wait3A_113 : memref<1x128xi32, #tpu.memory_space<vmem>> -> memref<128xi32, #tpu.memory_space<vmem>>
        %dma_wait3A_115 = arith.constant 0 : i32
        %dma_wait3A_116 = arith.constant 0 : i32
        %dma_wait3A_117 = tpu.memref_slice %arg12[%dma_wait3A_115, %dma_wait3A_116] : memref<10000x64xf32, #tpu.memory_space<vmem_shared>> -> memref<10000x64xf32, #tpu.memory_space<vmem_shared>>
        tpu.wait_indirect_dma semaphore(%arg16 : memref<!tpu.dma_semaphore, #tpu.memory_space<semaphore_mem>>) src(%dma_wait3A_117 : memref<10000x64xf32, #tpu.memory_space<vmem_shared>>) dst(%arg11 : memref<128x64xf32, #tpu.memory_space<vmem>>)
        "tpu.region"() ({
          %run_scoped3A = tpu.sem_alloc : memref<!tpu.dma_semaphore, #tpu.memory_space<semaphore_mem>>
          %dma_start3A_124 = arith.constant 0 : i32
          %dma_start3A_125 = tpu.memref_slice %arg8[%add3A_108, %dma_start3A_124] : memref<80x128xi32, #tpu.memory_space<vmem>> -> memref<1x128xi32, #tpu.memory_space<vmem>>
          %dma_start3A_126 = tpu.memref_squeeze %dma_start3A_125 : memref<1x128xi32, #tpu.memory_space<vmem>> -> memref<128xi32, #tpu.memory_space<vmem>>
          %dma_start3A_127 = arith.constant 0 : i32
          %dma_start3A_128 = arith.constant 0 : i32
          %dma_start3A_129 = tpu.memref_slice %arg13[%dma_start3A_127, %dma_start3A_128] : memref<10240x64xf32, #tpu.memory_space<vmem_shared>> -> memref<10240x64xf32, #tpu.memory_space<vmem_shared>>
          tpu.enqueue_indirect_dma source(%arg11 : memref<128x64xf32, #tpu.memory_space<vmem>>) target(%dma_start3A_129 : memref<10240x64xf32, #tpu.memory_space<vmem_shared>>) offsets(%dma_start3A_126 : memref<128xi32, #tpu.memory_space<vmem>>) semaphore(%run_scoped3A : memref<!tpu.dma_semaphore, #tpu.memory_space<semaphore_mem>>) {add = true}
          %dma_wait3A_130 = arith.constant 0 : i32
          %dma_wait3A_131 = tpu.memref_slice %arg8[%add3A_108, %dma_wait3A_130] : memref<80x128xi32, #tpu.memory_space<vmem>> -> memref<1x128xi32, #tpu.memory_space<vmem>>
          %dma_wait3A_132 = tpu.memref_squeeze %dma_wait3A_131 : memref<1x128xi32, #tpu.memory_space<vmem>> -> memref<128xi32, #tpu.memory_space<vmem>>
          %dma_wait3A_133 = arith.constant 0 : i32
          %dma_wait3A_134 = arith.constant 0 : i32
          %dma_wait3A_135 = tpu.memref_slice %arg13[%dma_wait3A_133, %dma_wait3A_134] : memref<10240x64xf32, #tpu.memory_space<vmem_shared>> -> memref<10240x64xf32, #tpu.memory_space<vmem_shared>>
          tpu.wait_indirect_dma semaphore(%run_scoped3A : memref<!tpu.dma_semaphore, #tpu.memory_space<semaphore_mem>>) src(%arg11 : memref<128x64xf32, #tpu.memory_space<vmem>>) dst(%dma_wait3A_135 : memref<10240x64xf32, #tpu.memory_space<vmem_shared>>)
          tpu.yield
        }) : () -> ()
        %add3A_118 = arith.constant 3 : i32
        %add3A_119 = arith.addi %add3A_108, %add3A_118 : i32
        %lt3A_120 = arith.cmpi slt, %add3A_119, %select_n3A_32 : i32
        %convert_element_type3A_121 = arith.extui %lt3A_120 : i1 to i32
        %cond3A_122 = arith.constant 0 : i32
        %cond3A_123 = arith.cmpi ne, %convert_element_type3A_121, %cond3A_122 : i32
        scf.if %cond3A_123 {
          %add3A_124 = arith.constant 3 : i32
          %add3A_125 = arith.addi %add3A_108, %add3A_124 : i32
          %dma_start3A_126 = arith.constant 0 : i32
          %dma_start3A_127 = tpu.memref_slice %arg7[%add3A_125, %dma_start3A_126] : memref<80x128xi32, #tpu.memory_space<vmem>> -> memref<1x128xi32, #tpu.memory_space<vmem>>
          %dma_start3A_128 = tpu.memref_squeeze %dma_start3A_127 : memref<1x128xi32, #tpu.memory_space<vmem>> -> memref<128xi32, #tpu.memory_space<vmem>>
          %dma_start3A_129 = arith.constant 0 : i32
          %dma_start3A_130 = arith.constant 0 : i32
          %dma_start3A_131 = tpu.memref_slice %arg12[%dma_start3A_129, %dma_start3A_130] : memref<10000x64xf32, #tpu.memory_space<vmem_shared>> -> memref<10000x64xf32, #tpu.memory_space<vmem_shared>>
          tpu.enqueue_indirect_dma source(%dma_start3A_131 : memref<10000x64xf32, #tpu.memory_space<vmem_shared>>) target(%arg11 : memref<128x64xf32, #tpu.memory_space<vmem>>) offsets(%dma_start3A_128 : memref<128xi32, #tpu.memory_space<vmem>>) semaphore(%arg16 : memref<!tpu.dma_semaphore, #tpu.memory_space<semaphore_mem>>)
        } else {
        }
      } else {
      }
    }
    %while3A_82 = arith.constant 1 : i32
    scf.for %while3A_88 = %while3A_80 to %while3A_76 step %while3A_82  : i32 {
      %mul3A_89 = arith.constant 3 : i32
      %mul3A_90 = arith.muli %while3A_88, %mul3A_89 : i32
      %add3A_91 = arith.constant 0 : i32
      %add3A_92 = arith.addi %mul3A_90, %add3A_91 : i32
      %lt3A_93 = arith.cmpi slt, %add3A_92, %select_n3A_32 : i32
      %convert_element_type3A_94 = arith.extui %lt3A_93 : i1 to i32
      %cond3A_95 = arith.constant 0 : i32
      %cond3A_96 = arith.cmpi ne, %convert_element_type3A_94, %cond3A_95 : i32
      scf.if %cond3A_96 {
        %dma_wait3A = arith.constant 0 : i32
        %dma_wait3A_113 = tpu.memref_slice %arg7[%add3A_92, %dma_wait3A] : memref<80x128xi32, #tpu.memory_space<vmem>> -> memref<1x128xi32, #tpu.memory_space<vmem>>
        %dma_wait3A_114 = tpu.memref_squeeze %dma_wait3A_113 : memref<1x128xi32, #tpu.memory_space<vmem>> -> memref<128xi32, #tpu.memory_space<vmem>>
        %dma_wait3A_115 = arith.constant 0 : i32
        %dma_wait3A_116 = arith.constant 0 : i32
        %dma_wait3A_117 = tpu.memref_slice %arg12[%dma_wait3A_115, %dma_wait3A_116] : memref<10000x64xf32, #tpu.memory_space<vmem_shared>> -> memref<10000x64xf32, #tpu.memory_space<vmem_shared>>
        tpu.wait_indirect_dma semaphore(%arg14 : memref<!tpu.dma_semaphore, #tpu.memory_space<semaphore_mem>>) src(%dma_wait3A_117 : memref<10000x64xf32, #tpu.memory_space<vmem_shared>>) dst(%arg9 : memref<128x64xf32, #tpu.memory_space<vmem>>)
        "tpu.region"() ({
          %run_scoped3A = tpu.sem_alloc : memref<!tpu.dma_semaphore, #tpu.memory_space<semaphore_mem>>
          %dma_start3A_124 = arith.constant 0 : i32
          %dma_start3A_125 = tpu.memref_slice %arg8[%add3A_92, %dma_start3A_124] : memref<80x128xi32, #tpu.memory_space<vmem>> -> memref<1x128xi32, #tpu.memory_space<vmem>>
          %dma_start3A_126 = tpu.memref_squeeze %dma_start3A_125 : memref<1x128xi32, #tpu.memory_space<vmem>> -> memref<128xi32, #tpu.memory_space<vmem>>
          %dma_start3A_127 = arith.constant 0 : i32
          %dma_start3A_128 = arith.constant 0 : i32
          %dma_start3A_129 = tpu.memref_slice %arg13[%dma_start3A_127, %dma_start3A_128] : memref<10240x64xf32, #tpu.memory_space<vmem_shared>> -> memref<10240x64xf32, #tpu.memory_space<vmem_shared>>
          tpu.enqueue_indirect_dma source(%arg9 : memref<128x64xf32, #tpu.memory_space<vmem>>) target(%dma_start3A_129 : memref<10240x64xf32, #tpu.memory_space<vmem_shared>>) offsets(%dma_start3A_126 : memref<128xi32, #tpu.memory_space<vmem>>) semaphore(%run_scoped3A : memref<!tpu.dma_semaphore, #tpu.memory_space<semaphore_mem>>) {add = true}
          %dma_wait3A_130 = arith.constant 0 : i32
          %dma_wait3A_131 = tpu.memref_slice %arg8[%add3A_92, %dma_wait3A_130] : memref<80x128xi32, #tpu.memory_space<vmem>> -> memref<1x128xi32, #tpu.memory_space<vmem>>
          %dma_wait3A_132 = tpu.memref_squeeze %dma_wait3A_131 : memref<1x128xi32, #tpu.memory_space<vmem>> -> memref<128xi32, #tpu.memory_space<vmem>>
          %dma_wait3A_133 = arith.constant 0 : i32
          %dma_wait3A_134 = arith.constant 0 : i32
          %dma_wait3A_135 = tpu.memref_slice %arg13[%dma_wait3A_133, %dma_wait3A_134] : memref<10240x64xf32, #tpu.memory_space<vmem_shared>> -> memref<10240x64xf32, #tpu.memory_space<vmem_shared>>
          tpu.wait_indirect_dma semaphore(%run_scoped3A : memref<!tpu.dma_semaphore, #tpu.memory_space<semaphore_mem>>) src(%arg9 : memref<128x64xf32, #tpu.memory_space<vmem>>) dst(%dma_wait3A_135 : memref<10240x64xf32, #tpu.memory_space<vmem_shared>>)
          tpu.yield
        }) : () -> ()
        %add3A_118 = arith.constant 3 : i32
        %add3A_119 = arith.addi %add3A_92, %add3A_118 : i32
        %lt3A_120 = arith.cmpi slt, %add3A_119, %select_n3A_32 : i32
        %convert_element_type3A_121 = arith.extui %lt3A_120 : i1 to i32
        %cond3A_122 = arith.constant 0 : i32
        %cond3A_123 = arith.cmpi ne, %convert_element_type3A_121, %cond3A_122 : i32
        scf.if %cond3A_123 {
          %add3A_124 = arith.constant 3 : i32
          %add3A_125 = arith.addi %add3A_92, %add3A_124 : i32
          %dma_start3A_126 = arith.constant 0 : i32
          %dma_start3A_127 = tpu.memref_slice %arg7[%add3A_125, %dma_start3A_126] : memref<80x128xi32, #tpu.memory_space<vmem>> -> memref<1x128xi32, #tpu.memory_space<vmem>>
          %dma_start3A_128 = tpu.memref_squeeze %dma_start3A_127 : memref<1x128xi32, #tpu.memory_space<vmem>> -> memref<128xi32, #tpu.memory_space<vmem>>
          %dma_start3A_129 = arith.constant 0 : i32
          %dma_start3A_130 = arith.constant 0 : i32
          %dma_start3A_131 = tpu.memref_slice %arg12[%dma_start3A_129, %dma_start3A_130] : memref<10000x64xf32, #tpu.memory_space<vmem_shared>> -> memref<10000x64xf32, #tpu.memory_space<vmem_shared>>
          tpu.enqueue_indirect_dma source(%dma_start3A_131 : memref<10000x64xf32, #tpu.memory_space<vmem_shared>>) target(%arg9 : memref<128x64xf32, #tpu.memory_space<vmem>>) offsets(%dma_start3A_128 : memref<128xi32, #tpu.memory_space<vmem>>) semaphore(%arg14 : memref<!tpu.dma_semaphore, #tpu.memory_space<semaphore_mem>>)
        } else {
        }
      } else {
      }
      %mul3A_97 = arith.constant 3 : i32
      %mul3A_98 = arith.muli %while3A_88, %mul3A_97 : i32
      %add3A_99 = arith.constant 1 : i32
      %add3A_100 = arith.addi %mul3A_98, %add3A_99 : i32
      %lt3A_101 = arith.cmpi slt, %add3A_100, %select_n3A_32 : i32
      %convert_element_type3A_102 = arith.extui %lt3A_101 : i1 to i32
      %cond3A_103 = arith.constant 0 : i32
      %cond3A_104 = arith.cmpi ne, %convert_element_type3A_102, %cond3A_103 : i32
      scf.if %cond3A_104 {
        %dma_wait3A = arith.constant 0 : i32
        %dma_wait3A_113 = tpu.memref_slice %arg7[%add3A_100, %dma_wait3A] : memref<80x128xi32, #tpu.memory_space<vmem>> -> memref<1x128xi32, #tpu.memory_space<vmem>>
        %dma_wait3A_114 = tpu.memref_squeeze %dma_wait3A_113 : memref<1x128xi32, #tpu.memory_space<vmem>> -> memref<128xi32, #tpu.memory_space<vmem>>
        %dma_wait3A_115 = arith.constant 0 : i32
        %dma_wait3A_116 = arith.constant 0 : i32
        %dma_wait3A_117 = tpu.memref_slice %arg12[%dma_wait3A_115, %dma_wait3A_116] : memref<10000x64xf32, #tpu.memory_space<vmem_shared>> -> memref<10000x64xf32, #tpu.memory_space<vmem_shared>>
        tpu.wait_indirect_dma semaphore(%arg15 : memref<!tpu.dma_semaphore, #tpu.memory_space<semaphore_mem>>) src(%dma_wait3A_117 : memref<10000x64xf32, #tpu.memory_space<vmem_shared>>) dst(%arg10 : memref<128x64xf32, #tpu.memory_space<vmem>>)
        "tpu.region"() ({
          %run_scoped3A = tpu.sem_alloc : memref<!tpu.dma_semaphore, #tpu.memory_space<semaphore_mem>>
          %dma_start3A_124 = arith.constant 0 : i32
          %dma_start3A_125 = tpu.memref_slice %arg8[%add3A_100, %dma_start3A_124] : memref<80x128xi32, #tpu.memory_space<vmem>> -> memref<1x128xi32, #tpu.memory_space<vmem>>
          %dma_start3A_126 = tpu.memref_squeeze %dma_start3A_125 : memref<1x128xi32, #tpu.memory_space<vmem>> -> memref<128xi32, #tpu.memory_space<vmem>>
          %dma_start3A_127 = arith.constant 0 : i32
          %dma_start3A_128 = arith.constant 0 : i32
          %dma_start3A_129 = tpu.memref_slice %arg13[%dma_start3A_127, %dma_start3A_128] : memref<10240x64xf32, #tpu.memory_space<vmem_shared>> -> memref<10240x64xf32, #tpu.memory_space<vmem_shared>>
          tpu.enqueue_indirect_dma source(%arg10 : memref<128x64xf32, #tpu.memory_space<vmem>>) target(%dma_start3A_129 : memref<10240x64xf32, #tpu.memory_space<vmem_shared>>) offsets(%dma_start3A_126 : memref<128xi32, #tpu.memory_space<vmem>>) semaphore(%run_scoped3A : memref<!tpu.dma_semaphore, #tpu.memory_space<semaphore_mem>>) {add = true}
          %dma_wait3A_130 = arith.constant 0 : i32
          %dma_wait3A_131 = tpu.memref_slice %arg8[%add3A_100, %dma_wait3A_130] : memref<80x128xi32, #tpu.memory_space<vmem>> -> memref<1x128xi32, #tpu.memory_space<vmem>>
          %dma_wait3A_132 = tpu.memref_squeeze %dma_wait3A_131 : memref<1x128xi32, #tpu.memory_space<vmem>> -> memref<128xi32, #tpu.memory_space<vmem>>
          %dma_wait3A_133 = arith.constant 0 : i32
          %dma_wait3A_134 = arith.constant 0 : i32
          %dma_wait3A_135 = tpu.memref_slice %arg13[%dma_wait3A_133, %dma_wait3A_134] : memref<10240x64xf32, #tpu.memory_space<vmem_shared>> -> memref<10240x64xf32, #tpu.memory_space<vmem_shared>>
          tpu.wait_indirect_dma semaphore(%run_scoped3A : memref<!tpu.dma_semaphore, #tpu.memory_space<semaphore_mem>>) src(%arg10 : memref<128x64xf32, #tpu.memory_space<vmem>>) dst(%dma_wait3A_135 : memref<10240x64xf32, #tpu.memory_space<vmem_shared>>)
          tpu.yield
        }) : () -> ()
        %add3A_118 = arith.constant 3 : i32
        %add3A_119 = arith.addi %add3A_100, %add3A_118 : i32
        %lt3A_120 = arith.cmpi slt, %add3A_119, %select_n3A_32 : i32
        %convert_element_type3A_121 = arith.extui %lt3A_120 : i1 to i32
        %cond3A_122 = arith.constant 0 : i32
        %cond3A_123 = arith.cmpi ne, %convert_element_type3A_121, %cond3A_122 : i32
        scf.if %cond3A_123 {
          %add3A_124 = arith.constant 3 : i32
          %add3A_125 = arith.addi %add3A_100, %add3A_124 : i32
          %dma_start3A_126 = arith.constant 0 : i32
          %dma_start3A_127 = tpu.memref_slice %arg7[%add3A_125, %dma_start3A_126] : memref<80x128xi32, #tpu.memory_space<vmem>> -> memref<1x128xi32, #tpu.memory_space<vmem>>
          %dma_start3A_128 = tpu.memref_squeeze %dma_start3A_127 : memref<1x128xi32, #tpu.memory_space<vmem>> -> memref<128xi32, #tpu.memory_space<vmem>>
          %dma_start3A_129 = arith.constant 0 : i32
          %dma_start3A_130 = arith.constant 0 : i32
          %dma_start3A_131 = tpu.memref_slice %arg12[%dma_start3A_129, %dma_start3A_130] : memref<10000x64xf32, #tpu.memory_space<vmem_shared>> -> memref<10000x64xf32, #tpu.memory_space<vmem_shared>>
          tpu.enqueue_indirect_dma source(%dma_start3A_131 : memref<10000x64xf32, #tpu.memory_space<vmem_shared>>) target(%arg10 : memref<128x64xf32, #tpu.memory_space<vmem>>) offsets(%dma_start3A_128 : memref<128xi32, #tpu.memory_space<vmem>>) semaphore(%arg15 : memref<!tpu.dma_semaphore, #tpu.memory_space<semaphore_mem>>)
        } else {
        }
      } else {
      }
      %mul3A_105 = arith.constant 3 : i32
      %mul3A_106 = arith.muli %while3A_88, %mul3A_105 : i32
      %add3A_107 = arith.constant 2 : i32
      %add3A_108 = arith.addi %mul3A_106, %add3A_107 : i32
      %lt3A_109 = arith.cmpi slt, %add3A_108, %select_n3A_32 : i32
      %convert_element_type3A_110 = arith.extui %lt3A_109 : i1 to i32
      %cond3A_111 = arith.constant 0 : i32
      %cond3A_112 = arith.cmpi ne, %convert_element_type3A_110, %cond3A_111 : i32
      scf.if %cond3A_112 {
        %dma_wait3A = arith.constant 0 : i32
        %dma_wait3A_113 = tpu.memref_slice %arg7[%add3A_108, %dma_wait3A] : memref<80x128xi32, #tpu.memory_space<vmem>> -> memref<1x128xi32, #tpu.memory_space<vmem>>
        %dma_wait3A_114 = tpu.memref_squeeze %dma_wait3A_113 : memref<1x128xi32, #tpu.memory_space<vmem>> -> memref<128xi32, #tpu.memory_space<vmem>>
        %dma_wait3A_115 = arith.constant 0 : i32
        %dma_wait3A_116 = arith.constant 0 : i32
        %dma_wait3A_117 = tpu.memref_slice %arg12[%dma_wait3A_115, %dma_wait3A_116] : memref<10000x64xf32, #tpu.memory_space<vmem_shared>> -> memref<10000x64xf32, #tpu.memory_space<vmem_shared>>
        tpu.wait_indirect_dma semaphore(%arg16 : memref<!tpu.dma_semaphore, #tpu.memory_space<semaphore_mem>>) src(%dma_wait3A_117 : memref<10000x64xf32, #tpu.memory_space<vmem_shared>>) dst(%arg11 : memref<128x64xf32, #tpu.memory_space<vmem>>)
        "tpu.region"() ({
          %run_scoped3A = tpu.sem_alloc : memref<!tpu.dma_semaphore, #tpu.memory_space<semaphore_mem>>
          %dma_start3A_124 = arith.constant 0 : i32
          %dma_start3A_125 = tpu.memref_slice %arg8[%add3A_108, %dma_start3A_124] : memref<80x128xi32, #tpu.memory_space<vmem>> -> memref<1x128xi32, #tpu.memory_space<vmem>>
          %dma_start3A_126 = tpu.memref_squeeze %dma_start3A_125 : memref<1x128xi32, #tpu.memory_space<vmem>> -> memref<128xi32, #tpu.memory_space<vmem>>
          %dma_start3A_127 = arith.constant 0 : i32
          %dma_start3A_128 = arith.constant 0 : i32
          %dma_start3A_129 = tpu.memref_slice %arg13[%dma_start3A_127, %dma_start3A_128] : memref<10240x64xf32, #tpu.memory_space<vmem_shared>> -> memref<10240x64xf32, #tpu.memory_space<vmem_shared>>
          tpu.enqueue_indirect_dma source(%arg11 : memref<128x64xf32, #tpu.memory_space<vmem>>) target(%dma_start3A_129 : memref<10240x64xf32, #tpu.memory_space<vmem_shared>>) offsets(%dma_start3A_126 : memref<128xi32, #tpu.memory_space<vmem>>) semaphore(%run_scoped3A : memref<!tpu.dma_semaphore, #tpu.memory_space<semaphore_mem>>) {add = true}
          %dma_wait3A_130 = arith.constant 0 : i32
          %dma_wait3A_131 = tpu.memref_slice %arg8[%add3A_108, %dma_wait3A_130] : memref<80x128xi32, #tpu.memory_space<vmem>> -> memref<1x128xi32, #tpu.memory_space<vmem>>
          %dma_wait3A_132 = tpu.memref_squeeze %dma_wait3A_131 : memref<1x128xi32, #tpu.memory_space<vmem>> -> memref<128xi32, #tpu.memory_space<vmem>>
          %dma_wait3A_133 = arith.constant 0 : i32
          %dma_wait3A_134 = arith.constant 0 : i32
          %dma_wait3A_135 = tpu.memref_slice %arg13[%dma_wait3A_133, %dma_wait3A_134] : memref<10240x64xf32, #tpu.memory_space<vmem_shared>> -> memref<10240x64xf32, #tpu.memory_space<vmem_shared>>
          tpu.wait_indirect_dma semaphore(%run_scoped3A : memref<!tpu.dma_semaphore, #tpu.memory_space<semaphore_mem>>) src(%arg11 : memref<128x64xf32, #tpu.memory_space<vmem>>) dst(%dma_wait3A_135 : memref<10240x64xf32, #tpu.memory_space<vmem_shared>>)
          tpu.yield
        }) : () -> ()
        %add3A_118 = arith.constant 3 : i32
        %add3A_119 = arith.addi %add3A_108, %add3A_118 : i32
        %lt3A_120 = arith.cmpi slt, %add3A_119, %select_n3A_32 : i32
        %convert_element_type3A_121 = arith.extui %lt3A_120 : i1 to i32
        %cond3A_122 = arith.constant 0 : i32
        %cond3A_123 = arith.cmpi ne, %convert_element_type3A_121, %cond3A_122 : i32
        scf.if %cond3A_123 {
          %add3A_124 = arith.constant 3 : i32
          %add3A_125 = arith.addi %add3A_108, %add3A_124 : i32
          %dma_start3A_126 = arith.constant 0 : i32
          %dma_start3A_127 = tpu.memref_slice %arg7[%add3A_125, %dma_start3A_126] : memref<80x128xi32, #tpu.memory_space<vmem>> -> memref<1x128xi32, #tpu.memory_space<vmem>>
          %dma_start3A_128 = tpu.memref_squeeze %dma_start3A_127 : memref<1x128xi32, #tpu.memory_space<vmem>> -> memref<128xi32, #tpu.memory_space<vmem>>
          %dma_start3A_129 = arith.constant 0 : i32
          %dma_start3A_130 = arith.constant 0 : i32
          %dma_start3A_131 = tpu.memref_slice %arg12[%dma_start3A_129, %dma_start3A_130] : memref<10000x64xf32, #tpu.memory_space<vmem_shared>> -> memref<10000x64xf32, #tpu.memory_space<vmem_shared>>
          tpu.enqueue_indirect_dma source(%dma_start3A_131 : memref<10000x64xf32, #tpu.memory_space<vmem_shared>>) target(%arg11 : memref<128x64xf32, #tpu.memory_space<vmem>>) offsets(%dma_start3A_128 : memref<128xi32, #tpu.memory_space<vmem>>) semaphore(%arg16 : memref<!tpu.dma_semaphore, #tpu.memory_space<semaphore_mem>>)
        } else {
        }
      } else {
      }
    }
    %barrier3A_83 = arith.constant 0 : index
    tpu.barrier barrier_id(%barrier3A_83)
    %mul3A_84 = arith.constant 640 : i32
    %mul3A_85 = arith.muli %arg1, %mul3A_84 : i32
    %mul3A_86 = arith.constant 640 : i32
    %mul3A_87 = arith.muli %arg1, %mul3A_86 : i32
    "tpu.region"() ({
      %run_scoped3A = tpu.sem_alloc : memref<!tpu.dma_semaphore, #tpu.memory_space<semaphore_mem>>
      %dma_start3A_88 = arith.constant 0 : i32
      %dma_start3A_89 = tpu.memref_slice %arg6[%arg0, %mul3A_87, %dma_start3A_88] : memref<2x10240x64xf32, #tpu.memory_space<hbm>> -> memref<1x640x64xf32, #tpu.memory_space<hbm>>
      %dma_start3A_90 = tpu.memref_squeeze %dma_start3A_89 : memref<1x640x64xf32, #tpu.memory_space<hbm>> -> memref<640x64xf32, #tpu.memory_space<hbm>>
      %dma_start3A_91 = arith.constant 0 : i32
      %dma_start3A_92 = tpu.memref_slice %arg13[%mul3A_85, %dma_start3A_91] : memref<10240x64xf32, #tpu.memory_space<vmem_shared>> -> memref<640x64xf32, #tpu.memory_space<vmem_shared>>
      tpu.enqueue_dma source(%dma_start3A_92 : memref<640x64xf32, #tpu.memory_space<vmem_shared>>) target(%dma_start3A_90 : memref<640x64xf32, #tpu.memory_space<hbm>>) target_semaphore(%run_scoped3A : memref<!tpu.dma_semaphore, #tpu.memory_space<semaphore_mem>>)
      %dma_wait3A = arith.constant 0 : i32
      %dma_wait3A_93 = tpu.memref_slice %arg6[%arg0, %mul3A_87, %dma_wait3A] : memref<2x10240x64xf32, #tpu.memory_space<hbm>> -> memref<1x640x64xf32, #tpu.memory_space<hbm>>
      %dma_wait3A_94 = tpu.memref_squeeze %dma_wait3A_93 : memref<1x640x64xf32, #tpu.memory_space<hbm>> -> memref<640x64xf32, #tpu.memory_space<hbm>>
      %dma_wait3A_95 = arith.constant 0 : i32
      %dma_wait3A_96 = tpu.memref_slice %arg13[%mul3A_85, %dma_wait3A_95] : memref<10240x64xf32, #tpu.memory_space<vmem_shared>> -> memref<640x64xf32, #tpu.memory_space<vmem_shared>>
      tpu.wait_dma2 semaphore(%run_scoped3A : memref<!tpu.dma_semaphore, #tpu.memory_space<semaphore_mem>>) src(%dma_wait3A_96 : memref<640x64xf32, #tpu.memory_space<vmem_shared>>) dst(%dma_wait3A_94 : memref<640x64xf32, #tpu.memory_space<hbm>>)
      tpu.yield
    }) : () -> ()
    return
  }
}

module attributes {stable_mosaic.version = 14 : i64} {
  func.func @_k2_body(%arg0: memref<10000x128xf32, #tpu.memory_space<vmem>>, %arg1: memref<128x64xf32, #tpu.memory_space<vmem>>, %arg2: memref<2x10240x8xf32, #tpu.memory_space<vmem>>, %arg3: memref<10000x64xf32, #tpu.memory_space<vmem>>, %arg4: memref<10000x1xf32, #tpu.memory_space<vmem>>) attributes {dimension_semantics = [], scalar_prefetch = 0 : i64, scratch_operands = 0 : i64, tpu.core_type = #tpu.core_type<tc>} {
    %get3A = arith.constant 0 : index
    %get3A_0 = arith.constant 0 : index
    %get3A_1 = arith.constant 0 : index
    %get3A_2 = vector.load %arg2[%get3A, %get3A_0, %get3A_1] : memref<2x10240x8xf32, #tpu.memory_space<vmem>>, vector<1x10000x1xf32>
    %get3A_3 = vector.shape_cast %get3A_2 : vector<1x10000x1xf32> to vector<10000x1xf32>
    %get3A_4 = arith.constant 1 : index
    %get3A_5 = arith.constant 0 : index
    %get3A_6 = arith.constant 0 : index
    %get3A_7 = vector.load %arg2[%get3A_4, %get3A_5, %get3A_6] : memref<2x10240x8xf32, #tpu.memory_space<vmem>>, vector<1x10000x1xf32>
    %get3A_8 = vector.shape_cast %get3A_7 : vector<1x10000x1xf32> to vector<10000x1xf32>
    %add3A = arith.addf %get3A_3, %get3A_8 : vector<10000x1xf32>
    %add3A_9 = arith.constant 1.000000e+00 : f32
    %add3A_10 = vector.broadcast %add3A_9 : f32 to vector<10000x1xf32>
    %add3A_11 = arith.addf %add3A, %add3A_10 : vector<10000x1xf32>
    %rsqrt3A = math.rsqrt %add3A_11 : vector<10000x1xf32>
    %mul3A = arith.constant 5.000000e-01 : f32
    %mul3A_12 = vector.broadcast %mul3A : f32 to vector<10000x1xf32>
    %mul3A_13 = arith.mulf %mul3A_12, %add3A_11 : vector<10000x1xf32>
    %mul3A_14 = arith.mulf %mul3A_13, %rsqrt3A : vector<10000x1xf32>
    %mul3A_15 = arith.mulf %mul3A_14, %rsqrt3A : vector<10000x1xf32>
    %sub3A = arith.constant 1.500000e+00 : f32
    %sub3A_16 = vector.broadcast %sub3A : f32 to vector<10000x1xf32>
    %sub3A_17 = arith.subf %sub3A_16, %mul3A_15 : vector<10000x1xf32>
    %mul3A_18 = arith.mulf %rsqrt3A, %sub3A_17 : vector<10000x1xf32>
    %get3A_19 = arith.constant 0 : index
    %get3A_20 = arith.constant 0 : index
    %get3A_21 = vector.load %arg0[%get3A_19, %get3A_20] : memref<10000x128xf32, #tpu.memory_space<vmem>>, vector<10000x128xf32>
    %get3A_22 = arith.constant 0 : index
    %get3A_23 = arith.constant 0 : index
    %get3A_24 = vector.load %arg1[%get3A_22, %get3A_23] : memref<128x64xf32, #tpu.memory_space<vmem>>, vector<128x64xf32>
    %dot_general3A = arith.constant dense<0.000000e+00> : vector<10000x64xf32>
    %dot_general3A_25 = tpu.matmul %get3A_21, %get3A_24, %dot_general3A {dimension_numbers = #tpu.dot_dimension_numbers<[1], [0], [0], [1], [0, 0, 1, 1], [], []>, transpose_lhs_hint = false} : vector<10000x128xf32>, vector<128x64xf32>, vector<10000x64xf32> -> vector<10000x64xf32>
    %mul3A_26 = vector.broadcast %mul3A_18 : vector<10000x1xf32> to vector<10000x64xf32>
    %mul3A_27 = arith.mulf %dot_general3A_25, %mul3A_26 : vector<10000x64xf32>
    %swap3A = arith.constant 0 : index
    %swap3A_28 = arith.constant 0 : index
    %swap3A_29 = vector.load %arg3[%swap3A, %swap3A_28] : memref<10000x64xf32, #tpu.memory_space<vmem>>, vector<10000x64xf32>
    tpu.vector_store %arg3[%swap3A, %swap3A_28], %mul3A_27 {strides = array<i32>} : memref<10000x64xf32, #tpu.memory_space<vmem>>, vector<10000x64xf32>,
    %swap3A_30 = arith.constant 0 : index
    %swap3A_31 = arith.constant 0 : index
    %swap3A_32 = vector.load %arg4[%swap3A_30, %swap3A_31] : memref<10000x1xf32, #tpu.memory_space<vmem>>, vector<10000x1xf32>
    tpu.vector_store %arg4[%swap3A_30, %swap3A_31], %mul3A_18 {strides = array<i32>} : memref<10000x1xf32, #tpu.memory_space<vmem>>, vector<10000x1xf32>,
    return
  }
}

module attributes {stable_mosaic.version = 14 : i64} {
  func.func @_k4_body(%arg0: memref<2x10240x64xf32, #tpu.memory_space<vmem>>, %arg1: memref<10000x64xf32, #tpu.memory_space<vmem>>, %arg2: memref<10000x1xf32, #tpu.memory_space<vmem>>, %arg3: memref<1x64xf32, #tpu.memory_space<vmem>>, %arg4: memref<1x64xf32, #tpu.memory_space<vmem>>, %arg5: memref<1x64xf32, #tpu.memory_space<vmem>>, %arg6: memref<64x64xf32, #tpu.memory_space<vmem>>, %arg7: memref<10000x64xf32, #tpu.memory_space<vmem>>) attributes {dimension_semantics = [], scalar_prefetch = 0 : i64, scratch_operands = 0 : i64, tpu.core_type = #tpu.core_type<tc>} {
    %get3A = arith.constant 0 : index
    %get3A_0 = arith.constant 0 : index
    %get3A_1 = vector.load %arg2[%get3A, %get3A_0] : memref<10000x1xf32, #tpu.memory_space<vmem>>, vector<10000x1xf32>
    %get3A_2 = arith.constant 0 : index
    %get3A_3 = arith.constant 0 : index
    %get3A_4 = arith.constant 0 : index
    %get3A_5 = vector.load %arg0[%get3A_2, %get3A_3, %get3A_4] : memref<2x10240x64xf32, #tpu.memory_space<vmem>>, vector<1x10000x64xf32>
    %get3A_6 = vector.shape_cast %get3A_5 : vector<1x10000x64xf32> to vector<10000x64xf32>
    %get3A_7 = arith.constant 1 : index
    %get3A_8 = arith.constant 0 : index
    %get3A_9 = arith.constant 0 : index
    %get3A_10 = vector.load %arg0[%get3A_7, %get3A_8, %get3A_9] : memref<2x10240x64xf32, #tpu.memory_space<vmem>>, vector<1x10000x64xf32>
    %get3A_11 = vector.shape_cast %get3A_10 : vector<1x10000x64xf32> to vector<10000x64xf32>
    %add3A = arith.addf %get3A_6, %get3A_11 : vector<10000x64xf32>
    %get3A_12 = arith.constant 0 : index
    %get3A_13 = arith.constant 0 : index
    %get3A_14 = vector.load %arg1[%get3A_12, %get3A_13] : memref<10000x64xf32, #tpu.memory_space<vmem>>, vector<10000x64xf32>
    %add3A_15 = arith.addf %add3A, %get3A_14 : vector<10000x64xf32>
    %mul3A = vector.broadcast %get3A_1 : vector<10000x1xf32> to vector<10000x64xf32>
    %mul3A_16 = arith.mulf %add3A_15, %mul3A : vector<10000x64xf32>
    %get3A_17 = arith.constant 0 : index
    %get3A_18 = arith.constant 0 : index
    %get3A_19 = vector.load %arg3[%get3A_17, %get3A_18] : memref<1x64xf32, #tpu.memory_space<vmem>>, vector<1x64xf32>
    %add3A_20 = vector.broadcast %get3A_19 : vector<1x64xf32> to vector<10000x64xf32>
    %add3A_21 = arith.addf %mul3A_16, %add3A_20 : vector<10000x64xf32>
    %reduce_sum3A = arith.constant dense<0.000000e+00> : vector<64xf32>
    %reduce_sum3A_22 = vector.multi_reduction <add>, %add3A_21, %reduce_sum3A [0] : vector<10000x64xf32> to vector<64xf32>
    %broadcast_in_dim3A = vector.shape_cast %reduce_sum3A_22 : vector<64xf32> to vector<1x64xf32>
    %div3A = arith.constant 1.000000e+04 : f32
    %div3A_23 = vector.broadcast %div3A : f32 to vector<1x64xf32>
    %div3A_24 = arith.divf %broadcast_in_dim3A, %div3A_23 : vector<1x64xf32>
    %sub3A = vector.broadcast %div3A_24 : vector<1x64xf32> to vector<10000x64xf32>
    %sub3A_25 = arith.subf %add3A_21, %sub3A : vector<10000x64xf32>
    %mul3A_26 = arith.mulf %sub3A_25, %sub3A_25 : vector<10000x64xf32>
    %reduce_sum3A_27 = arith.constant dense<0.000000e+00> : vector<64xf32>
    %reduce_sum3A_28 = vector.multi_reduction <add>, %mul3A_26, %reduce_sum3A_27 [0] : vector<10000x64xf32> to vector<64xf32>
    %broadcast_in_dim3A_29 = vector.shape_cast %reduce_sum3A_28 : vector<64xf32> to vector<1x64xf32>
    %div3A_30 = arith.constant 1.000000e+04 : f32
    %div3A_31 = vector.broadcast %div3A_30 : f32 to vector<1x64xf32>
    %div3A_32 = arith.divf %broadcast_in_dim3A_29, %div3A_31 : vector<1x64xf32>
    %add3A_33 = arith.constant 9.99999974E-6 : f32
    %add3A_34 = vector.broadcast %add3A_33 : f32 to vector<1x64xf32>
    %add3A_35 = arith.addf %div3A_32, %add3A_34 : vector<1x64xf32>
    %rsqrt3A = math.rsqrt %add3A_35 : vector<1x64xf32>
    %mul3A_36 = arith.constant 5.000000e-01 : f32
    %mul3A_37 = vector.broadcast %mul3A_36 : f32 to vector<1x64xf32>
    %mul3A_38 = arith.mulf %mul3A_37, %add3A_35 : vector<1x64xf32>
    %mul3A_39 = arith.mulf %mul3A_38, %rsqrt3A : vector<1x64xf32>
    %mul3A_40 = arith.mulf %mul3A_39, %rsqrt3A : vector<1x64xf32>
    %sub3A_41 = arith.constant 1.500000e+00 : f32
    %sub3A_42 = vector.broadcast %sub3A_41 : f32 to vector<1x64xf32>
    %sub3A_43 = arith.subf %sub3A_42, %mul3A_40 : vector<1x64xf32>
    %mul3A_44 = arith.mulf %rsqrt3A, %sub3A_43 : vector<1x64xf32>
    %mul3A_45 = vector.broadcast %mul3A_44 : vector<1x64xf32> to vector<10000x64xf32>
    %mul3A_46 = arith.mulf %sub3A_25, %mul3A_45 : vector<10000x64xf32>
    %get3A_47 = arith.constant 0 : index
    %get3A_48 = arith.constant 0 : index
    %get3A_49 = vector.load %arg4[%get3A_47, %get3A_48] : memref<1x64xf32, #tpu.memory_space<vmem>>, vector<1x64xf32>
    %mul3A_50 = vector.broadcast %get3A_49 : vector<1x64xf32> to vector<10000x64xf32>
    %mul3A_51 = arith.mulf %mul3A_46, %mul3A_50 : vector<10000x64xf32>
    %get3A_52 = arith.constant 0 : index
    %get3A_53 = arith.constant 0 : index
    %get3A_54 = vector.load %arg5[%get3A_52, %get3A_53] : memref<1x64xf32, #tpu.memory_space<vmem>>, vector<1x64xf32>
    %add3A_55 = vector.broadcast %get3A_54 : vector<1x64xf32> to vector<10000x64xf32>
    %add3A_56 = arith.addf %mul3A_51, %add3A_55 : vector<10000x64xf32>
    %max3A = arith.constant 0.000000e+00 : f32
    %max3A_57 = vector.broadcast %max3A : f32 to vector<10000x64xf32>
    %max3A_58 = arith.maximumf %add3A_56, %max3A_57 : vector<10000x64xf32>
    %get3A_59 = arith.constant 0 : index
    %get3A_60 = arith.constant 0 : index
    %get3A_61 = vector.load %arg6[%get3A_59, %get3A_60] : memref<64x64xf32, #tpu.memory_space<vmem>>, vector<64x64xf32>
    %dot_general3A = arith.constant dense<0.000000e+00> : vector<10000x64xf32>
    %dot_general3A_62 = tpu.matmul %max3A_58, %get3A_61, %dot_general3A {dimension_numbers = #tpu.dot_dimension_numbers<[1], [0], [0], [1], [0, 0, 1, 1], [], []>, transpose_lhs_hint = false} : vector<10000x64xf32>, vector<64x64xf32>, vector<10000x64xf32> -> vector<10000x64xf32>
    %mul3A_63 = vector.broadcast %get3A_1 : vector<10000x1xf32> to vector<10000x64xf32>
    %mul3A_64 = arith.mulf %dot_general3A_62, %mul3A_63 : vector<10000x64xf32>
    %swap3A = arith.constant 0 : index
    %swap3A_65 = arith.constant 0 : index
    %swap3A_66 = vector.load %arg7[%swap3A, %swap3A_65] : memref<10000x64xf32, #tpu.memory_space<vmem>>, vector<10000x64xf32>
    tpu.vector_store %arg7[%swap3A, %swap3A_65], %mul3A_64 {strides = array<i32>} : memref<10000x64xf32, #tpu.memory_space<vmem>>, vector<10000x64xf32>,
    return
  }
}

module attributes {stable_mosaic.version = 14 : i64} {
  func.func @_k6_body(%arg0: memref<2x10240x64xf32, #tpu.memory_space<vmem>>, %arg1: memref<10000x64xf32, #tpu.memory_space<vmem>>, %arg2: memref<10000x1xf32, #tpu.memory_space<vmem>>, %arg3: memref<10000x1xi32, #tpu.memory_space<vmem>>, %arg4: memref<1x64xf32, #tpu.memory_space<vmem>>, %arg5: memref<1x64xf32, #tpu.memory_space<vmem>>, %arg6: memref<1x64xf32, #tpu.memory_space<vmem>>, %arg7: memref<64x32xf32, #tpu.memory_space<vmem>>, %arg8: memref<1x32xf32, #tpu.memory_space<vmem>>, %arg9: memref<32x2xf32, #tpu.memory_space<vmem>>, %arg10: memref<1x2xf32, #tpu.memory_space<vmem>>, %arg11: memref<16x2xf32, #tpu.memory_space<vmem>>) attributes {dimension_semantics = [], scalar_prefetch = 0 : i64, scratch_operands = 0 : i64, tpu.core_type = #tpu.core_type<tc>} {
    %get3A = arith.constant 0 : index
    %get3A_0 = arith.constant 0 : index
    %get3A_1 = vector.load %arg2[%get3A, %get3A_0] : memref<10000x1xf32, #tpu.memory_space<vmem>>, vector<10000x1xf32>
    %get3A_2 = arith.constant 0 : index
    %get3A_3 = arith.constant 0 : index
    %get3A_4 = arith.constant 0 : index
    %get3A_5 = vector.load %arg0[%get3A_2, %get3A_3, %get3A_4] : memref<2x10240x64xf32, #tpu.memory_space<vmem>>, vector<1x10000x64xf32>
    %get3A_6 = vector.shape_cast %get3A_5 : vector<1x10000x64xf32> to vector<10000x64xf32>
    %get3A_7 = arith.constant 1 : index
    %get3A_8 = arith.constant 0 : index
    %get3A_9 = arith.constant 0 : index
    %get3A_10 = vector.load %arg0[%get3A_7, %get3A_8, %get3A_9] : memref<2x10240x64xf32, #tpu.memory_space<vmem>>, vector<1x10000x64xf32>
    %get3A_11 = vector.shape_cast %get3A_10 : vector<1x10000x64xf32> to vector<10000x64xf32>
    %add3A = arith.addf %get3A_6, %get3A_11 : vector<10000x64xf32>
    %get3A_12 = arith.constant 0 : index
    %get3A_13 = arith.constant 0 : index
    %get3A_14 = vector.load %arg1[%get3A_12, %get3A_13] : memref<10000x64xf32, #tpu.memory_space<vmem>>, vector<10000x64xf32>
    %add3A_15 = arith.addf %add3A, %get3A_14 : vector<10000x64xf32>
    %mul3A = vector.broadcast %get3A_1 : vector<10000x1xf32> to vector<10000x64xf32>
    %mul3A_16 = arith.mulf %add3A_15, %mul3A : vector<10000x64xf32>
    %get3A_17 = arith.constant 0 : index
    %get3A_18 = arith.constant 0 : index
    %get3A_19 = vector.load %arg4[%get3A_17, %get3A_18] : memref<1x64xf32, #tpu.memory_space<vmem>>, vector<1x64xf32>
    %add3A_20 = vector.broadcast %get3A_19 : vector<1x64xf32> to vector<10000x64xf32>
    %add3A_21 = arith.addf %mul3A_16, %add3A_20 : vector<10000x64xf32>
    %reduce_sum3A = arith.constant dense<0.000000e+00> : vector<64xf32>
    %reduce_sum3A_22 = vector.multi_reduction <add>, %add3A_21, %reduce_sum3A [0] : vector<10000x64xf32> to vector<64xf32>
    %broadcast_in_dim3A = vector.shape_cast %reduce_sum3A_22 : vector<64xf32> to vector<1x64xf32>
    %div3A = arith.constant 1.000000e+04 : f32
    %div3A_23 = vector.broadcast %div3A : f32 to vector<1x64xf32>
    %div3A_24 = arith.divf %broadcast_in_dim3A, %div3A_23 : vector<1x64xf32>
    %sub3A = vector.broadcast %div3A_24 : vector<1x64xf32> to vector<10000x64xf32>
    %sub3A_25 = arith.subf %add3A_21, %sub3A : vector<10000x64xf32>
    %mul3A_26 = arith.mulf %sub3A_25, %sub3A_25 : vector<10000x64xf32>
    %reduce_sum3A_27 = arith.constant dense<0.000000e+00> : vector<64xf32>
    %reduce_sum3A_28 = vector.multi_reduction <add>, %mul3A_26, %reduce_sum3A_27 [0] : vector<10000x64xf32> to vector<64xf32>
    %broadcast_in_dim3A_29 = vector.shape_cast %reduce_sum3A_28 : vector<64xf32> to vector<1x64xf32>
    %div3A_30 = arith.constant 1.000000e+04 : f32
    %div3A_31 = vector.broadcast %div3A_30 : f32 to vector<1x64xf32>
    %div3A_32 = arith.divf %broadcast_in_dim3A_29, %div3A_31 : vector<1x64xf32>
    %add3A_33 = arith.constant 9.99999974E-6 : f32
    %add3A_34 = vector.broadcast %add3A_33 : f32 to vector<1x64xf32>
    %add3A_35 = arith.addf %div3A_32, %add3A_34 : vector<1x64xf32>
    %rsqrt3A = math.rsqrt %add3A_35 : vector<1x64xf32>
    %mul3A_36 = arith.constant 5.000000e-01 : f32
    %mul3A_37 = vector.broadcast %mul3A_36 : f32 to vector<1x64xf32>
    %mul3A_38 = arith.mulf %mul3A_37, %add3A_35 : vector<1x64xf32>
    %mul3A_39 = arith.mulf %mul3A_38, %rsqrt3A : vector<1x64xf32>
    %mul3A_40 = arith.mulf %mul3A_39, %rsqrt3A : vector<1x64xf32>
    %sub3A_41 = arith.constant 1.500000e+00 : f32
    %sub3A_42 = vector.broadcast %sub3A_41 : f32 to vector<1x64xf32>
    %sub3A_43 = arith.subf %sub3A_42, %mul3A_40 : vector<1x64xf32>
    %mul3A_44 = arith.mulf %rsqrt3A, %sub3A_43 : vector<1x64xf32>
    %mul3A_45 = vector.broadcast %mul3A_44 : vector<1x64xf32> to vector<10000x64xf32>
    %mul3A_46 = arith.mulf %sub3A_25, %mul3A_45 : vector<10000x64xf32>
    %get3A_47 = arith.constant 0 : index
    %get3A_48 = arith.constant 0 : index
    %get3A_49 = vector.load %arg5[%get3A_47, %get3A_48] : memref<1x64xf32, #tpu.memory_space<vmem>>, vector<1x64xf32>
    %mul3A_50 = vector.broadcast %get3A_49 : vector<1x64xf32> to vector<10000x64xf32>
    %mul3A_51 = arith.mulf %mul3A_46, %mul3A_50 : vector<10000x64xf32>
    %get3A_52 = arith.constant 0 : index
    %get3A_53 = arith.constant 0 : index
    %get3A_54 = vector.load %arg6[%get3A_52, %get3A_53] : memref<1x64xf32, #tpu.memory_space<vmem>>, vector<1x64xf32>
    %add3A_55 = vector.broadcast %get3A_54 : vector<1x64xf32> to vector<10000x64xf32>
    %add3A_56 = arith.addf %mul3A_51, %add3A_55 : vector<10000x64xf32>
    %max3A = arith.constant 0.000000e+00 : f32
    %max3A_57 = vector.broadcast %max3A : f32 to vector<10000x64xf32>
    %max3A_58 = arith.maximumf %add3A_56, %max3A_57 : vector<10000x64xf32>
    %iota3A = tpu.iota {dimensions = array<i32: 1>} : vector<1x16xi32>
    %get3A_59 = arith.constant 0 : index
    %get3A_60 = arith.constant 0 : index
    %get3A_61 = vector.load %arg3[%get3A_59, %get3A_60] : memref<10000x1xi32, #tpu.memory_space<vmem>>, vector<10000x1xi32>
    %eq3A = vector.broadcast %get3A_61 : vector<10000x1xi32> to vector<10000x16xi32>
    %eq3A_62 = vector.broadcast %iota3A : vector<1x16xi32> to vector<10000x16xi32>
    %eq3A_63 = arith.cmpi eq, %eq3A, %eq3A_62 : vector<10000x16xi32>
    %convert_element_type3A = arith.extui %eq3A_63 : vector<10000x16xi1> to vector<10000x16xi32>
    %convert_element_type3A_64 = arith.sitofp %convert_element_type3A : vector<10000x16xi32> to vector<10000x16xf32>
    %dot_general3A = arith.constant dense<0.000000e+00> : vector<16x64xf32>
    %dot_general3A_65 = tpu.matmul %convert_element_type3A_64, %max3A_58, %dot_general3A {dimension_numbers = #tpu.dot_dimension_numbers<[0], [0], [1], [1], [0, 1, 1, 1], [], []>, transpose_lhs_hint = false} : vector<10000x16xf32>, vector<10000x64xf32>, vector<16x64xf32> -> vector<16x64xf32>
    %reduce_sum3A_66 = arith.constant dense<0.000000e+00> : vector<16xf32>
    %reduce_sum3A_67 = vector.multi_reduction <add>, %convert_element_type3A_64, %reduce_sum3A_66 [0] : vector<10000x16xf32> to vector<16xf32>
    %broadcast_in_dim3A_68 = vector.shape_cast %reduce_sum3A_67 : vector<16xf32> to vector<1x16xf32>
    %transpose3A = tpu.transpose %broadcast_in_dim3A_68, [1, 0] : vector<1x16xf32> -> vector<16x1xf32>
    %max3A_69 = arith.constant 1.000000e+00 : f32
    %max3A_70 = vector.broadcast %max3A_69 : f32 to vector<16x1xf32>
    %max3A_71 = arith.maximumf %transpose3A, %max3A_70 : vector<16x1xf32>
    %div3A_72 = arith.constant 1.000000e+00 : f32
    %div3A_73 = vector.broadcast %div3A_72 : f32 to vector<16x1xf32>
    %div3A_74 = arith.divf %div3A_73, %max3A_71 : vector<16x1xf32>
    %mul3A_75 = vector.broadcast %div3A_74 : vector<16x1xf32> to vector<16x64xf32>
    %mul3A_76 = arith.mulf %dot_general3A_65, %mul3A_75 : vector<16x64xf32>
    %get3A_77 = arith.constant 0 : index
    %get3A_78 = arith.constant 0 : index
    %get3A_79 = vector.load %arg7[%get3A_77, %get3A_78] : memref<64x32xf32, #tpu.memory_space<vmem>>, vector<64x32xf32>
    %dot_general3A_80 = arith.constant dense<0.000000e+00> : vector<16x32xf32>
    %dot_general3A_81 = tpu.matmul %mul3A_76, %get3A_79, %dot_general3A_80 {dimension_numbers = #tpu.dot_dimension_numbers<[1], [0], [0], [1], [0, 0, 1, 1], [], []>, transpose_lhs_hint = false} : vector<16x64xf32>, vector<64x32xf32>, vector<16x32xf32> -> vector<16x32xf32>
    %get3A_82 = arith.constant 0 : index
    %get3A_83 = arith.constant 0 : index
    %get3A_84 = vector.load %arg8[%get3A_82, %get3A_83] : memref<1x32xf32, #tpu.memory_space<vmem>>, vector<1x32xf32>
    %add3A_85 = vector.broadcast %get3A_84 : vector<1x32xf32> to vector<16x32xf32>
    %add3A_86 = arith.addf %dot_general3A_81, %add3A_85 : vector<16x32xf32>
    %max3A_87 = arith.constant 0.000000e+00 : f32
    %max3A_88 = vector.broadcast %max3A_87 : f32 to vector<16x32xf32>
    %max3A_89 = arith.maximumf %add3A_86, %max3A_88 : vector<16x32xf32>
    %get3A_90 = arith.constant 0 : index
    %get3A_91 = arith.constant 0 : index
    %get3A_92 = vector.load %arg9[%get3A_90, %get3A_91] : memref<32x2xf32, #tpu.memory_space<vmem>>, vector<32x2xf32>
    %dot_general3A_93 = arith.constant dense<0.000000e+00> : vector<16x2xf32>
    %dot_general3A_94 = tpu.matmul %max3A_89, %get3A_92, %dot_general3A_93 {dimension_numbers = #tpu.dot_dimension_numbers<[1], [0], [0], [1], [0, 0, 1, 1], [], []>, transpose_lhs_hint = false} : vector<16x32xf32>, vector<32x2xf32>, vector<16x2xf32> -> vector<16x2xf32>
    %get3A_95 = arith.constant 0 : index
    %get3A_96 = arith.constant 0 : index
    %get3A_97 = vector.load %arg10[%get3A_95, %get3A_96] : memref<1x2xf32, #tpu.memory_space<vmem>>, vector<1x2xf32>
    %add3A_98 = vector.broadcast %get3A_97 : vector<1x2xf32> to vector<16x2xf32>
    %add3A_99 = arith.addf %dot_general3A_94, %add3A_98 : vector<16x2xf32>
    %swap3A = arith.constant 0 : index
    %swap3A_100 = arith.constant 0 : index
    %swap3A_101 = vector.load %arg11[%swap3A, %swap3A_100] : memref<16x2xf32, #tpu.memory_space<vmem>>, vector<16x2xf32>
    tpu.vector_store %arg11[%swap3A, %swap3A_100], %add3A_99 {strides = array<i32>} : memref<16x2xf32, #tpu.memory_space<vmem>>, vector<16x2xf32>,
    return
  }
}

</mosaic_0001>

<sc_bundles>
// kernel: kernel.11.cloned.1.call-start
scs
__scs_entry_jumppad:
0x0: {  	(pc) =	sbr.rel $0x88, $3  }
0x1: {  	(tag) =	ssettag $0x0;
	lr =	simm.s32 $0x1  }
0x2: {  	[smem:$0x3F92] =	sst lr;
	_ =	strace $0xD0000000  }
0x3: {  	_ = 	snop  }
0x4: {  	_ = 	snop  }
0x5: {  	_ = 	snop  }
0x6: {  	_ = 	snop  }
0x7: {  	_ = 	snop  }
__scs_overlays_trampoline_lowered:
0x8: {  	[smem:$0x3FA1] =	sst s0  }
0x9: {  	[smem:$0x3FA2] =	sst s1  }
0xa: {  	[smem:$0x3FA3] =	sst s2  }
0xb: {  	[smem:$0x3FA4] =	sst s3  }
0xc: {  	[smem:$0x3FA5] =	sst s4  }
0xd: {  	[smem:$0x3FA6] =	sst s5  }
0xe: {  	[smem:$0x3FA7] =	sst s6  }
0xf: {  	[smem:$0x3FA8] =	sst s7  }
0x10: {  	[smem:$0x3FA9] =	sst s8  }
0x11: {  	[smem:$0x3FAA] =	sst s9;
	s0 =	simm.s32 @!p0 $0x0  }
0x12: {  	s1 =	sld [smem:$0x3F90];
	s0 =	simm.s32 @p0 $0x1  }
0x13: {  	[smem:$0x3FAB] =	sst s0;
	s0 =	simm.s32 @!p1 $0x0  }
0x14: {  	s2 =	sld [smem:$0x3F8F];
	s0 =	simm.s32 @p1 $0x1  }
0x15: {  	[smem:$0x3FAC] =	sst s0;
	s0 =	simm.s32 @!p2 $0x0  }
0x16: {  	s3 =	sld [smem:$0x3FDB];
	s0 =	simm.s32 @p2 $0x1  }
0x17: {  	s4 =	simm.s32 $0x1BF5;
	[smem:$0x3FAE] =	sst s0  }
0x18: {  	s0 =	sld [smem:$0x3F91];
	_ =	swait.ge [sflag:s4], $0x0  }
0x19: {  	s7 =	sld [smem:$0x3F92]  }
0x1a: {  	s8 =	sadd.s32 $0xFFFFE003, lr  }
0x1b: {  	s9 =	sadd.s32 $0xFFFFFEF7, lr;
	s5 =	simm.s32 $0xFFFFFFFF;
	p2 =	slt.u32 s8, $0xFFFFF086  }
0x1c: {  	p1 =	slt.u32 s9, $0xF7A;
	s5 =	simm.s32 @!p2 $0x0  }
0x1d: {  	s5 =	simm.s32 @p1 $0x1;
	p0 =	seq.s32 s7, s2  }
0x1e: {  	s7 =	smul.u32 @!p0 $0xF7A, s2;
	p2 =	seq.s32 @!p0 s5, $0x0  }
0x1f: {  	s9 =	smul.u32 $0xF7A, s1;
	s8 =	simm.s32 @!p0 $0x1BF5;
	p2 =	por !p2, p0  }
0x20: {  	[sflag:s8] =	ssyncset.s32 @!p0 $0xFFFFF086;
	s6 =	sadd.s32 @!p0 s3, s7;
	s7 =	simm.s32 @!p0 $0x108  }
0x21: {  	s3 =	sadd.s32 s3, s9;
	s6 =	sadd.s32 @!p0 $0x88, s6;
	s7 =	simm.s32 @p2 $0x1082  }
0x22: {  	[simem:s7], [sflag:s8] =	dma.local @!p0 [hbm:s6], $0xF7A  }
0x23: {  	s9 =	sor.u32 $0xD0000000, s2;
	s6 =	simm.s32 $0x108;
	_ =	swait.ge @!p0 [sflag:s8], $0x0  }
0x24: {  	s3 =	sadd.s32 $0x88, s3;
	s6 =	simm.s32 @!p1 $0x1082;
	[sflag:s4] =	ssyncset.s32 $0xFFFFF086  }
0x25: {  	[simem:s6], [sflag:s4] =	dma.local [hbm:s3], $0xF7A  }
0x26: {  	[smem:$0x3F92] =	sst s1;
	(tag) =	ssettag s2;
	_ =	strace s9  }
0x27: {  	s1 =	sld [smem:$0x3FA2]  }
0x28: {  	s2 =	sld [smem:$0x3FA3]  }
0x29: {  	s4 =	sld [smem:$0x3FA5]  }
0x2a: {  	p0 =	seq.s32 s5, $0x0;
	s5 =	sld [smem:$0x3FA6]  }
0x2b: {  	s6 =	sld [smem:$0x3FA7]  }
0x2c: {  	s7 =	sld [smem:$0x3FA8]  }
0x2d: {  	s3 =	simm.s32 $0x108;
	s8 =	sld [smem:$0x3FA9]  }
0x2e: {  	s3 =	simm.s32 @!p0 $0x1082;
	s9 =	sld [smem:$0x3FAA]  }
0x2f: {  	lr =	sadd.s32 s0, s3;
	s0 =	sld [smem:$0x3FA1]  }
0x30: {  	s3 =	sld [smem:$0x3FA4]  }
0x31: {  	[smem:$0x3FAD] =	sst s10  }
0x32: {  	s10 =	sld [smem:$0x3FAB];
	_ =	sdelay $0x3  }
0x33: {  	p0 =	seq.s32 s10, $0x1;
	s10 =	sld [smem:$0x3FAD];
	_ =	sdelay $0x3  }
0x34: {  	[smem:$0x3FAD] =	sst s10  }
0x35: {  	s10 =	sld [smem:$0x3FAC];
	_ =	sdelay $0x3  }
0x36: {  	p1 =	seq.s32 s10, $0x1;
	s10 =	sld [smem:$0x3FAD];
	_ =	sdelay $0x3  }
0x37: {  	[smem:$0x3FAD] =	sst s10  }
0x38: {  	s10 =	sld [smem:$0x3FAE]  }
0x39: {  	_ = 	snop;
	(pc) =	sbr.ind lr, $3  }
0x3a: {  	_ = 	snop  }
0x3b: {  	_ = 	snop  }
0x3c: {  	p2 =	seq.s32 s10, $0x1;
	s10 =	sld [smem:$0x3FAD]  }
0x3d: {  	_ =	shalt  }
0x3e: {  	_ =	shalt  }
0x3f: {  	_ =	shalt  }
0x40: {  	_ =	shalt  }
0x41: {  	_ =	shalt  }
0x42: {  	_ =	shalt  }
0x43: {  	_ =	shalt  }
0x44: {  	_ =	shalt  }
0x45: {  	_ =	shalt  }
0x46: {  	_ =	shalt  }
0x47: {  	_ =	shalt  }
0x48: {  	_ =	shalt  }
0x49: {  	_ =	shalt  }
0x4a: {  	_ =	shalt  }
0x4b: {  	_ =	shalt  }
0x4c: {  	_ =	shalt  }
0x4d: {  	_ =	shalt  }
0x4e: {  	_ =	shalt  }
0x4f: {  	_ =	shalt  }
0x50: {  	_ =	shalt  }
0x51: {  	_ =	shalt  }
0x52: {  	_ =	shalt  }
0x53: {  	_ =	shalt  }
0x54: {  	_ =	shalt  }
0x55: {  	_ =	shalt  }
0x56: {  	_ =	shalt  }
0x57: {  	_ =	shalt  }
0x58: {  	_ =	shalt  }
0x59: {  	_ =	shalt  }
0x5a: {  	_ =	shalt  }
0x5b: {  	_ =	shalt  }
0x5c: {  	_ =	shalt  }
0x5d: {  	_ =	shalt  }
0x5e: {  	_ =	shalt  }
0x5f: {  	_ =	shalt  }
0x60: {  	_ =	shalt  }
0x61: {  	_ =	shalt  }
0x62: {  	_ =	shalt  }
0x63: {  	_ =	shalt  }
0x64: {  	_ =	shalt  }
0x65: {  	_ =	shalt  }
0x66: {  	_ =	shalt  }
0x67: {  	_ =	shalt  }
0x68: {  	_ =	shalt  }
0x69: {  	_ =	shalt  }
0x6a: {  	_ =	shalt  }
0x6b: {  	_ =	shalt  }
0x6c: {  	_ =	shalt  }
0x6d: {  	_ =	shalt  }
0x6e: {  	_ =	shalt  }
0x6f: {  	_ =	shalt  }
0x70: {  	_ =	shalt  }
0x71: {  	_ =	shalt  }
0x72: {  	_ =	shalt  }
0x73: {  	_ =	shalt  }
0x74: {  	_ =	shalt  }
0x75: {  	_ =	shalt  }
0x76: {  	_ =	shalt  }
0x77: {  	_ =	shalt  }
0x78: {  	_ =	shalt  }
0x79: {  	_ =	shalt  }
0x7a: {  	_ =	shalt  }
0x7b: {  	_ =	shalt  }
0x7c: {  	_ =	shalt  }
0x7d: {  	_ =	shalt  }
0x7e: {  	_ =	shalt  }
0x7f: {  	_ =	shalt  }
0x80: {  	_ =	shalt  }
0x81: {  	_ =	shalt  }
0x82: {  	_ =	shalt  }
0x83: {  	_ =	shalt  }
0x84: {  	_ =	shalt  }
0x85: {  	_ =	shalt  }
0x86: {  	_ =	shalt  }
0x87: {  	_ =	shalt  }
.Lfunc_end0:
.L_simem_size_0:
called_computation.1_lowered:
.L_overlay_start_0:
0x88: {  	s2 =	sld [smem:$0x3FD9]  }
0x89: {  	s3 =	sld [smem:$0x3FFE];
	_ =	sdelay $0x1  }
0x8a: {  	s1 =	srdreg.scid  }
0x8b: {  	s0 =	sand.u32 $0x1, s1  }
0x8c: {  	s16 =	sshll.u32 s0, $0xA;
	s2 =	sadd.s32 s3, s2  }
0x8d: {  	s2 =	sadd.s32 s2, s16  }
0x8e: {  	[smem:$0x3FB9] =	sst s2  }
0x8f: {  	_ = 	snop  }
0x90: {  	(tm) =	ssettm $0x1  }
0x91: {  	s17 =	sld [smem:$0x3FFB];
	_ =	sdelay $0x3  }
0x92: {  	_ =	strace s17  }
0x93: {  	s2 =	sld [smem:$0x3FFC];
	_ =	sdelay $0x3  }
0x94: {  	_ =	strace s2  }
0x95: {  	s2 =	sld [smem:$0x3FFD];
	_ =	sdelay $0x3  }
0x96: {  	_ =	strace s2  }
0x97: {  	_ =	strace $0x8FFFFFFF  }
0x98: {  	s18 =	sld [smem:$0x3FDB];
	_ =	sdelay $0x1  }
0x99: {  	s19 =	simm.s32 $_scs_section_size  }
0x9a: {  	s4 =	simm.s32 $_size__tile_overlayer_lowered;
	s5 =	simm.s32 $_tile_overlayer_lowered  }
0x9b: {  	s22 =	simm.s32 $0x1BFF;
	s21 =	sshll.u32 s5, $0x1;
	s2 =	sadd.s32 s19, s18  }
0x9c: {  	s6 =	simm.s32 $0x0;
	s20 =	sshll.u32 s4, $0x1;
	s4 =	sadd.s32 s21, s2  }
0x9d: {  	[timem:s6], [sflag:s22] =	dma.local [hbm:s4], s20  }
0x9e: {  	_ =	swait.ge [sflag:s22], s20  }
0x9f: {  	s3 =	ssub.s32 $0x0, s20;
	[sflag:s22] =	ssyncset.done $0x0  }
0xa0: {  	[sflag:s22] =	ssyncadd.s32 s3;
	_ =	sdelay $0x1  }
0xa1: {  	s23 =	simm.s32 $0x1B8B  }
0xa2: {  	_ =	swait.ge [sflag:s23], $0x1  }
0xa3: {  	[sflag:s23] =	ssyncset.done $0x0  }
0xa4: {  	s25 =	simm.s32 $0x1B8E;
	s24 =	sld [smem:$0x3FFE];
	[sflag:s23] =	ssyncadd.s32 $0xFFFFFFFF  }
0xa5: {  	s26 =	simm.s32 $execute0_lowered;
	[smem:$0x3FD2] =	sst s25  }
0xa6: {  	s4 =	sshll.u32 s26, $0x1;
	_ =	strace $0x80000049;
	[dreg:$0x1] =	wrdreg $0xFFFFFFFF  }
0xa7: {  	s28 =	simm.s32 $_size_execute0_lowered;
	s2 =	sadd.s32 s2, s4;
	[dreg:$0x0] =	wrdreg $0x0  }
0xa8: {  	s4 =	sshll.u32 s28, $0x1;
	[dreg:$0x2] =	wrdreg s2  }
0xa9: {  	[dreg:$0x3] =	wrdreg s4  }
0xaa: {  	[dreg:$0x4] =	wrdreg $0xC0  }
0xab: {  	_ =	task [dreg:s6], $0x5FFFF  }
0xac: {  	[dreg:$0x1] =	wrdreg $0xFFFFFFFF  }
0xad: {  	[dreg:$0x0] =	wrdreg $0x60  }
0xae: {  	[dreg:$0x2] =	wrdreg s24  }
0xaf: {  	[dreg:$0x3] =	wrdreg $0x14C400  }
0xb0: {  	[dreg:$0x4] =	wrdreg $0xB0000  }
0xb1: {  	[dreg:$0x5] =	wrdreg $0x9  }
0xb2: {  	_ =	task.clear_ibuf [dreg:s6], $0x6FFFF;
	_ =	strace $0x90000049  }
0xb3: {  	s29 =	simm.s32 $0x9;
	_ =	strace $0x8000004B  }
0xb4: {  	_ =	swait.ge [sflag:s29], $0x1  }
0xb5: {  	[sflag:s29] =	ssyncadd.s32 $0xFFFFFFFF  }
0xb6: {  	_ =	strace $0x9000004B  }
0xb7: {  	_ =	sfence  }
0xb8: {  	s30 =	sld [smem:$0x0];
	_ =	sdelay $0x2  }
0xb9: {  	s31 =	sshll.u32 s1, $0xD;
	s1 =	sshrl.u32 s1, $0x2  }
0xba: {  	s3 =	sand.u32 $0x4000, s31;
	s1 =	sadd.s32 s1, s30  }
0xbb: {  	s0 =	sor.u32 s3, s0;
	s1 =	sshll.u32 s1, $0x11  }
0xbc: {  	s0 =	sor.u32 s1, s0  }
0xbd: {  	s0 =	sadd.s32 $0x8F2B, s0  }
0xbe: {  	[sflag:s0] =	ssyncadd.remote.s32 $0x1  }
0xbf: {  	_ =	sfence.sel $0xFFFF  }
0xc0: {  	[dreg:$0x0] =	wrdreg $0xFFFFFFFF;
	(pc) =	sbr.abs _section_cstart, $3  }
0xc1: {  	[dreg:$0x1] =	wrdreg $0xFFFFFFFF  }
0xc2: {  	_ =	task.clear_ibuf [dreg:s6], $0x2FFFF;
	_ =	strace $0x9FFFFFFF  }
0xc3: {  	(tm) =	ssettm $0x7FFFFFFF  }
tec
execute0_lowered:
.L_overlay_start_1:
0x0: {  	(tag) =	ssettag $0x1  }
0x1: {  	s12 =	rddreg [dreg:$0x0];
	s0 =	stileid.u32  }
0x2: {  	s1 =	srdreg.scid;
	s2 =	rddreg [dreg:$0x1]  }
0x3: {  	s3 =	rddreg [dreg:$0x2];
	s4 =	simm.s32 $0x0;
	s16 =	simm.s32 $0x4  }
0x4: {  	s20 =	simm.s32 $0x5000;
	s21 =	simm.s32 $0x7000;
	s22 =	simm.s32 $0x100  }
0x5: {  	s23 =	simm.s32 $0x9000;
	s24 =	simm.s32 $0x0;
	s5 =	sand.u32 $0x1, s1  }
0x6: {  	s28 =	sshll.u32 s0, $0x1;
	s7 =	smul.u32 $0xA000, s0;
	[smem:$0x7FF] =	sst s4  }
0x7: {  	s31 =	sshll.u32 s0, $0x6;
	s17 =	sadd.s32 $0x96000, s3;
	p0 =	seq.s32 s0, $0xF  }
0x8: {  	s19 =	sor.u32 s5, s28;
	s9 =	smul.u32 $0xA0000, s5;
	_ =	strace $0x8000004A  }
0x9: {  	s30 =	ssub.s32 $0x2, s5;
	s5 =	sadd.s32 $0x29E00, s12;
	s17 =	sshrl.u32 @p0 s17, $0x3  }
0xa: {  	s6 =	smul.u32 $0x500, s19;
	s8 =	sshrl.u32 s7, $0x3;
	s11 =	sshrl.u32 s30, $0x1  }
0xb: {  	s15 =	sadd.s32 s7, s2;
	s18 =	sadd.s32 s7, s3;
	p1 =	seq.s32 s19, $0x1F  }
0xc: {  	s19 =	simm.s32 $0x80;
	s8 =	sadd.s32 s8, s12;
	s29 =	sadd.s32 s7, s9  }
0xd: {  	s14 =	ssub.s32 s30, s11;
	s11 =	sadd.s32 $0xC300, s12;
	s15 =	sshrl.u32 s15, $0x3  }
0xe: {  	s18 =	sshrl.u32 @!p0 s18, $0x3;
	s10 =	sadd.s32 s6, s12;
	s6 =	sshrl.u32 s29, $0x3  }
0xf: {  	s7 =	sadd.s32 $0x16400, s8;
	s8 =	sadd.s32 $0x29000, s12;
	s14 =	smax.u32 s14, $0x1  }
0x10: {  	s13 =	sadd.s32 s6, s12;
	s6 =	sor.u32 $0x1C04, s31;
	s9 =	sadd.s32 $0x2800, s10  }
0x11: {  	s10 =	sadd.s32 $0xC600, s10;
	s12 =	sadd.s32 $0x16100, s12;
	s13 =	sadd.s32 $0x2B200, s13  }
.LBB2_1:
0x12: {  	[spmem:s15], [sflag:s6] =	dma.local [hbm:s5], $0x1400  }
0x13: {  	_ =	swait.ge [sflag:s16], $0x1400  }
0x14: {  	[sflag:s16] =	ssyncset.done $0x0  }
0x15: {  	s25 =	simm.s32 @p0 $0x4;
	[sflag:s16] =	ssyncadd.s32 $0xFFFFEC00  }
0x16: {  	[spmem:s17], [sflag:s6] =	dma.local @p0 [hbm:s8], $0xC80  }
0x17: {  	_ =	swait.ge @p0 [sflag:s25], $0xC80  }
0x18: {  	[sflag:s25] =	ssyncset.done @p0 $0x0  }
0x19: {  	[sflag:s25] =	ssyncadd.s32 @p0 $0xFFFFF380;
	s25 =	simm.s32 @!p0 $0x4  }
0x1a: {  	[spmem:s18], [sflag:s6] =	dma.local @!p0 [hbm:s7], $0x1400  }
0x1b: {  	_ =	swait.ge @!p0 [sflag:s25], $0x1400  }
0x1c: {  	[sflag:s25] =	ssyncset.done @!p0 $0x0  }
0x1d: {  	[sflag:s25] =	ssyncadd.s32 @!p0 $0xFFFFEC00  }
0x1e: {  	s26 =	simm.s32 @p1 $0x4;
	s25 =	simm.s32 @p1 $0x0;
	[bflag:$0x0] =	sbarrier.arrive $0xFFFF  }
0x1f: {  	[tilespmem:s25], [sflag:$0x4] =	stream.linear.gather @p1 [hbm4b:s11+s25], $0xA00, $0x38;
	[tilespmem:$0x1EC40] =	vst v63  }
0x20: {  	_ =	swait.ge @p1 [sflag:s26], $0xA00  }
0x21: {  	[sflag:s26] =	ssyncset.done @p1 $0x0  }
0x22: {  	s28 =	simm.s32 @p1 $0x2800;
	[sflag:s26] =	ssyncadd.s32 @p1 $0xFFFFF600  }
0x23: {  	[tilespmem:s28], [sflag:$0x4] =	stream.linear.gather @p1 [hbm4b:s12+s25], $0xA00, $0x38;
	[tilespmem:$0x1EC40] =	vst v63  }
0x24: {  	_ =	swait.ge @p1 [sflag:s26], $0xA00  }
0x25: {  	[sflag:s26] =	ssyncset.done @p1 $0x0  }
0x26: {  	s25 =	simm.s32 @!p1 $0x0;
	[sflag:s26] =	ssyncadd.s32 @p1 $0xFFFFF600;
	s26 =	simm.s32 @!p1 $0x4  }
0x27: {  	[tilespmem:s25], [sflag:$0x4] =	stream.linear.gather @!p1 [hbm4b:s9+s25], $0x2800, $0x38;
	[tilespmem:$0x1EC40] =	vst v63  }
0x28: {  	_ =	swait.ge @!p1 [sflag:s26], $0x2800  }
0x29: {  	[sflag:s26] =	ssyncset.done @!p1 $0x0  }
0x2a: {  	s28 =	simm.s32 @!p1 $0x2800;
	[sflag:s26] =	ssyncadd.s32 @!p1 $0xFFFFD800  }
0x2b: {  	[tilespmem:s28], [sflag:$0x4] =	stream.linear.gather @!p1 [hbm4b:s10+s25], $0x2800, $0x38;
	[tilespmem:$0x1EC40] =	vst v63  }
0x2c: {  	s25 =	simm.s32 @!p1 $0x50  }
0x2d: {  	_ =	swait.ge @!p1 [sflag:s26], $0x2800;
	s25 =	simm.s32 @p1 $0x14  }
0x2e: {  	[sflag:s26] =	ssyncset.done @!p1 $0x0;
	s31 =	sadd.s32 $0x2, s25  }
0x2f: {  	[sflag:s26] =	ssyncadd.s32 @!p1 $0xFFFFD800;
	s26 =	smulhi.u32 $0x55555556, s31  }
0x30: {  	[tilespmem:s20], [sflag:$0x1] =	stream.indirect.gather [spmem:s3], $0x40, s4, s19, $0xb8;
	[tilespmem:$0x1EC40] =	vst v63  }
0x31: {  	s29 =	simm.s32 $0x0;
	s26 =	smul.u32 $0x3, s26  }
0x32: {  	[tilespmem:s21], [sflag:$0x2] =	stream.indirect.gather [spmem:s3], $0x40, s19, s19, $0xb8;
	[tilespmem:$0x1EC40] =	vst v63  }
0x33: {  	s28 =	simm.s32 $0x180;
	[dreg:$0x4] =	wrdreg s26;
	s26 =	simm.s32 $0x2800  }
0x34: {  	[tilespmem:s23], [sflag:$0x3] =	stream.indirect.gather [spmem:s3], $0x40, s22, s19, $0xb8;
	[tilespmem:$0x1EC40] =	vst v63  }
.LBB2_2:
0x35: {  	p2 =	sge.u32 s29, s25  }
0x36: {  	s30 =	simm.s32 @!p2 $0x1  }
0x37: {  	_ =	swait.ge @!p2 [sflag:s30], $0x2000  }
0x38: {  	[sflag:s30] =	ssyncset.done @!p2 $0x0  }
0x39: {  	s31 =	simm.s32 @!p2 $0x5000;
	[sflag:s30] =	ssyncadd.s32 @!p2 $0xFFFFE000;
	s30 =	simm.s32 @!p2 $0x80  }
0x3a: {  	[spmem:s2] =	stream.indirect.scatter.add.f32 @!p2 [tilespmem:s31], [sflag:$0x4], $0x40, s26, s30, $0xb8;
	[tilespmem:$0x1EC40] =	vst v63  }
0x3b: {  	s30 =	simm.s32 @!p2 $0x4  }
0x3c: {  	s31 =	sadd.s32 @!p2 $0x3, s29;
	_ =	swait.ge @!p2 [sflag:s30], $0x2000  }
0x3d: {  	p3 =	sge.u32 @!p2 s31, s25;
	[sflag:s30] =	ssyncset.done @!p2 $0x0  }
0x3e: {  	s1 =	sadd.s32 $0x1, s29;
	p3 =	por p3, p2;
	[sflag:s30] =	ssyncadd.s32 @!p2 $0xFFFFE000  }
0x3f: {  	s30 =	simm.s32 @!p3 $0x80;
	s31 =	simm.s32 @!p3 $0x5000;
	p2 =	sge.u32 s1, s25  }
0x40: {  	[tilespmem:s31], [sflag:$0x1] =	stream.indirect.gather @!p3 [spmem:s3], $0x40, s28, s30, $0xb8;
	[tilespmem:$0x1EC40] =	vst v63  }
0x41: {  	s30 =	simm.s32 @!p2 $0x2  }
0x42: {  	_ =	swait.ge @!p2 [sflag:s30], $0x2000  }
0x43: {  	s31 =	simm.s32 @!p2 $0x80;
	[sflag:s30] =	ssyncset.done @!p2 $0x0  }
0x44: {  	s1 =	simm.s32 @!p2 $0x7000;
	[sflag:s30] =	ssyncadd.s32 @!p2 $0xFFFFE000;
	s30 =	sadd.s32 @!p2 $0x80, s26  }
0x45: {  	[spmem:s2] =	stream.indirect.scatter.add.f32 @!p2 [tilespmem:s1], [sflag:$0x4], $0x40, s30, s31, $0xb8;
	[tilespmem:$0x1EC40] =	vst v63  }
0x46: {  	s1 =	simm.s32 @!p2 $0x4  }
0x47: {  	s30 =	sadd.s32 @!p2 $0x4, s29;
	_ =	swait.ge @!p2 [sflag:s1], $0x2000  }
0x48: {  	p3 =	sge.u32 @!p2 s30, s25;
	[sflag:s1] =	ssyncset.done @!p2 $0x0  }
0x49: {  	[sflag:s1] =	ssyncadd.s32 @!p2 $0xFFFFE000;
	p2 =	por p3, p2  }
0x4a: {  	s1 =	sadd.s32 @!p2 $0x80, s28;
	s30 =	simm.s32 @!p2 $0x80;
	s31 =	simm.s32 @!p2 $0x7000  }
0x4b: {  	[tilespmem:s31], [sflag:$0x2] =	stream.indirect.gather @!p2 [spmem:s3], $0x40, s1, s30, $0xb8;
	[tilespmem:$0x1EC40] =	vst v63  }
0x4c: {  	s31 =	sadd.s32 $0x2, s29  }
0x4d: {  	p2 =	sge.u32 s31, s25  }
0x4e: {  	s1 =	simm.s32 @!p2 $0x3  }
0x4f: {  	_ =	swait.ge @!p2 [sflag:s1], $0x2000  }
0x50: {  	s30 =	simm.s32 @!p2 $0x80;
	[sflag:s1] =	ssyncset.done @!p2 $0x0  }
0x51: {  	s31 =	simm.s32 @!p2 $0x9000;
	[sflag:s1] =	ssyncadd.s32 @!p2 $0xFFFFE000;
	s1 =	sadd.s32 @!p2 $0x100, s26  }
0x52: {  	[spmem:s2] =	stream.indirect.scatter.add.f32 @!p2 [tilespmem:s31], [sflag:$0x4], $0x40, s1, s30, $0xb8;
	[tilespmem:$0x1EC40] =	vst v63  }
0x53: {  	s1 =	simm.s32 @!p2 $0x4  }
0x54: {  	s30 =	sadd.s32 @!p2 $0x5, s29;
	s29 =	sadd.s32 $0x3, s29;
	_ =	swait.ge @!p2 [sflag:s1], $0x2000  }
0x55: {  	p3 =	sge.u32 @!p2 s30, s25;
	[sflag:s1] =	ssyncset.done @!p2 $0x0;
	s0 =	rddreg [dreg:$0x4]  }
0x56: {  	p3 =	por p3, p2;
	[sflag:s1] =	ssyncadd.s32 @!p2 $0xFFFFE000;
	p2 =	sne.s32 s0, s29  }
.Ltmp0:
0x57: {  	_ = 	snop;
	(pc) =	sbr.rel @p2 .LBB2_2-.Ltmp0, $4  }
0x58: {  	_ = 	snop  }
0x59: {  	s26 =	sadd.s32 $0x180, s26;
	s1 =	sadd.s32 @!p3 $0x100, s28  }
0x5a: {  	s30 =	simm.s32 @!p3 $0x80;
	s31 =	simm.s32 @!p3 $0x9000;
	s28 =	sadd.s32 $0x180, s28  }
0x5b: {  	[tilespmem:s31], [sflag:$0x3] =	stream.indirect.gather @!p3 [spmem:s3], $0x40, s1, s30, $0xb8;
	[tilespmem:$0x1EC40] =	vst v63  }
0x5c: {  	s24 =	sadd.s32 $0x1, s24  }
0x5d: {  	p2 =	sne.s32 s24, s14  }
.Ltmp1:
0x5e: {  	[bflag:$0x0] =	sbarrier.arrive $0xFFFF;
	(pc) =	sbr.rel @p2 .LBB2_1-.Ltmp1, $4  }
0x5f: {  	[hbm:s13], [sflag:s6] =	dma.local [spmem:s15], $0x1400  }
0x60: {  	_ =	swait.ge [sflag:s16], $0x1400  }
0x61: {  	[sflag:s16] =	ssyncset.done $0x0  }
0x62: {  	[sflag:s16] =	ssyncadd.s32 $0xFFFFEC00  }
0x63: {  	_ =	sfence.sel $0x180000  }
0x64: {  	[bflag:$0x0] =	sbarrier.arrive $0xFFFF  }
0x65: {  	_ =	strace $0x9000004A  }
0x66: {  	s0 =	stileid.u32;
	[bflag:$0x2] =	sbarrier.arrive $0xFFFF  }
0x67: {  	p0 =	sne.s32 s0, $0x0;
	s0 =	rddreg [dreg:$0x3]  }
0x68: {  	s0 =	sadd.s32 @!p0 $0x100000, s0  }
0x69: {  	[sflag:s0] =	ssyncadd.tile.s32 @!p0 $0x1;
	_ =	shalt  }
.Lfunc_end2:
_tile_overlayer_lowered:
.L_overlay_start_2:
0x6a: {  	(tag) =	ssettag $0x2  }
0x6b: {  	s0 =	rddreg [dreg:$0x0];
	s2 =	stileid.u32  }
0x6c: {  	s1 =	rddreg [dreg:$0x1];
	p0 =	sne.s32 s2, $0x0  }
0x6d: {  	s3 =	rddreg [dreg:$0x2];
	[bflag:$0x3] =	sbarrier.arrive $0xFFFF;
	s2 =	simm.s32 @!p0 $0x1C04  }
0x6e: {  	[timem:s3], [sflag:s2] =	dma.local @!p0 [hbm:s0], s1  }
0x6f: {  	s0 =	simm.s32 @!p0 $0x4  }
0x70: {  	_ =	swait.ge @!p0 [sflag:s0], s1  }
0x71: {  	s1 =	ssub.s32 @!p0 $0x0, s1;
	[sflag:s0] =	ssyncset.done @!p0 $0x0  }
0x72: {  	[sflag:s0] =	ssyncadd.s32 @!p0 s1  }
0x73: {  	[bflag:$0x3] =	sbarrier.arrive $0xFFFF  }
0x74: {  	_ =	shalt  }

// kernel: kernel.14.cloned.1.call-start
scs
__scs_entry_jumppad:
0x0: {  	(pc) =	sbr.rel $0x88, $3  }
0x1: {  	(tag) =	ssettag $0x0;
	lr =	simm.s32 $0x1  }
0x2: {  	[smem:$0x3F92] =	sst lr;
	_ =	strace $0xD0000000  }
0x3: {  	_ = 	snop  }
0x4: {  	_ = 	snop  }
0x5: {  	_ = 	snop  }
0x6: {  	_ = 	snop  }
0x7: {  	_ = 	snop  }
__scs_overlays_trampoline_lowered:
0x8: {  	[smem:$0x3FA1] =	sst s0  }
0x9: {  	[smem:$0x3FA2] =	sst s1  }
0xa: {  	[smem:$0x3FA3] =	sst s2  }
0xb: {  	[smem:$0x3FA4] =	sst s3  }
0xc: {  	[smem:$0x3FA5] =	sst s4  }
0xd: {  	[smem:$0x3FA6] =	sst s5  }
0xe: {  	[smem:$0x3FA7] =	sst s6  }
0xf: {  	[smem:$0x3FA8] =	sst s7  }
0x10: {  	[smem:$0x3FA9] =	sst s8  }
0x11: {  	[smem:$0x3FAA] =	sst s9;
	s0 =	simm.s32 @!p0 $0x0  }
0x12: {  	s1 =	sld [smem:$0x3F90];
	s0 =	simm.s32 @p0 $0x1  }
0x13: {  	[smem:$0x3FAB] =	sst s0;
	s0 =	simm.s32 @!p1 $0x0  }
0x14: {  	s2 =	sld [smem:$0x3F8F];
	s0 =	simm.s32 @p1 $0x1  }
0x15: {  	[smem:$0x3FAC] =	sst s0;
	s0 =	simm.s32 @!p2 $0x0  }
0x16: {  	s3 =	sld [smem:$0x3FDB];
	s0 =	simm.s32 @p2 $0x1  }
0x17: {  	s4 =	simm.s32 $0x1BF5;
	[smem:$0x3FAE] =	sst s0  }
0x18: {  	s0 =	sld [smem:$0x3F91];
	_ =	swait.ge [sflag:s4], $0x0  }
0x19: {  	s7 =	sld [smem:$0x3F92]  }
0x1a: {  	s8 =	sadd.s32 $0xFFFFE003, lr  }
0x1b: {  	s9 =	sadd.s32 $0xFFFFFEF7, lr;
	s5 =	simm.s32 $0xFFFFFFFF;
	p2 =	slt.u32 s8, $0xFFFFF086  }
0x1c: {  	p1 =	slt.u32 s9, $0xF7A;
	s5 =	simm.s32 @!p2 $0x0  }
0x1d: {  	s5 =	simm.s32 @p1 $0x1;
	p0 =	seq.s32 s7, s2  }
0x1e: {  	s7 =	smul.u32 @!p0 $0xF7A, s2;
	p2 =	seq.s32 @!p0 s5, $0x0  }
0x1f: {  	s9 =	smul.u32 $0xF7A, s1;
	s8 =	simm.s32 @!p0 $0x1BF5;
	p2 =	por !p2, p0  }
0x20: {  	[sflag:s8] =	ssyncset.s32 @!p0 $0xFFFFF086;
	s6 =	sadd.s32 @!p0 s3, s7;
	s7 =	simm.s32 @!p0 $0x108  }
0x21: {  	s3 =	sadd.s32 s3, s9;
	s6 =	sadd.s32 @!p0 $0x88, s6;
	s7 =	simm.s32 @p2 $0x1082  }
0x22: {  	[simem:s7], [sflag:s8] =	dma.local @!p0 [hbm:s6], $0xF7A  }
0x23: {  	s9 =	sor.u32 $0xD0000000, s2;
	s6 =	simm.s32 $0x108;
	_ =	swait.ge @!p0 [sflag:s8], $0x0  }
0x24: {  	s3 =	sadd.s32 $0x88, s3;
	s6 =	simm.s32 @!p1 $0x1082;
	[sflag:s4] =	ssyncset.s32 $0xFFFFF086  }
0x25: {  	[simem:s6], [sflag:s4] =	dma.local [hbm:s3], $0xF7A  }
0x26: {  	[smem:$0x3F92] =	sst s1;
	(tag) =	ssettag s2;
	_ =	strace s9  }
0x27: {  	s1 =	sld [smem:$0x3FA2]  }
0x28: {  	s2 =	sld [smem:$0x3FA3]  }
0x29: {  	s4 =	sld [smem:$0x3FA5]  }
0x2a: {  	p0 =	seq.s32 s5, $0x0;
	s5 =	sld [smem:$0x3FA6]  }
0x2b: {  	s6 =	sld [smem:$0x3FA7]  }
0x2c: {  	s7 =	sld [smem:$0x3FA8]  }
0x2d: {  	s3 =	simm.s32 $0x108;
	s8 =	sld [smem:$0x3FA9]  }
0x2e: {  	s3 =	simm.s32 @!p0 $0x1082;
	s9 =	sld [smem:$0x3FAA]  }
0x2f: {  	lr =	sadd.s32 s0, s3;
	s0 =	sld [smem:$0x3FA1]  }
0x30: {  	s3 =	sld [smem:$0x3FA4]  }
0x31: {  	[smem:$0x3FAD] =	sst s10  }
0x32: {  	s10 =	sld [smem:$0x3FAB];
	_ =	sdelay $0x3  }
0x33: {  	p0 =	seq.s32 s10, $0x1;
	s10 =	sld [smem:$0x3FAD];
	_ =	sdelay $0x3  }
0x34: {  	[smem:$0x3FAD] =	sst s10  }
0x35: {  	s10 =	sld [smem:$0x3FAC];
	_ =	sdelay $0x3  }
0x36: {  	p1 =	seq.s32 s10, $0x1;
	s10 =	sld [smem:$0x3FAD];
	_ =	sdelay $0x3  }
0x37: {  	[smem:$0x3FAD] =	sst s10  }
0x38: {  	s10 =	sld [smem:$0x3FAE]  }
0x39: {  	_ = 	snop;
	(pc) =	sbr.ind lr, $3  }
0x3a: {  	_ = 	snop  }
0x3b: {  	_ = 	snop  }
0x3c: {  	p2 =	seq.s32 s10, $0x1;
	s10 =	sld [smem:$0x3FAD]  }
0x3d: {  	_ =	shalt  }
0x3e: {  	_ =	shalt  }
0x3f: {  	_ =	shalt  }
0x40: {  	_ =	shalt  }
0x41: {  	_ =	shalt  }
0x42: {  	_ =	shalt  }
0x43: {  	_ =	shalt  }
0x44: {  	_ =	shalt  }
0x45: {  	_ =	shalt  }
0x46: {  	_ =	shalt  }
0x47: {  	_ =	shalt  }
0x48: {  	_ =	shalt  }
0x49: {  	_ =	shalt  }
0x4a: {  	_ =	shalt  }
0x4b: {  	_ =	shalt  }
0x4c: {  	_ =	shalt  }
0x4d: {  	_ =	shalt  }
0x4e: {  	_ =	shalt  }
0x4f: {  	_ =	shalt  }
0x50: {  	_ =	shalt  }
0x51: {  	_ =	shalt  }
0x52: {  	_ =	shalt  }
0x53: {  	_ =	shalt  }
0x54: {  	_ =	shalt  }
0x55: {  	_ =	shalt  }
0x56: {  	_ =	shalt  }
0x57: {  	_ =	shalt  }
0x58: {  	_ =	shalt  }
0x59: {  	_ =	shalt  }
0x5a: {  	_ =	shalt  }
0x5b: {  	_ =	shalt  }
0x5c: {  	_ =	shalt  }
0x5d: {  	_ =	shalt  }
0x5e: {  	_ =	shalt  }
0x5f: {  	_ =	shalt  }
0x60: {  	_ =	shalt  }
0x61: {  	_ =	shalt  }
0x62: {  	_ =	shalt  }
0x63: {  	_ =	shalt  }
0x64: {  	_ =	shalt  }
0x65: {  	_ =	shalt  }
0x66: {  	_ =	shalt  }
0x67: {  	_ =	shalt  }
0x68: {  	_ =	shalt  }
0x69: {  	_ =	shalt  }
0x6a: {  	_ =	shalt  }
0x6b: {  	_ =	shalt  }
0x6c: {  	_ =	shalt  }
0x6d: {  	_ =	shalt  }
0x6e: {  	_ =	shalt  }
0x6f: {  	_ =	shalt  }
0x70: {  	_ =	shalt  }
0x71: {  	_ =	shalt  }
0x72: {  	_ =	shalt  }
0x73: {  	_ =	shalt  }
0x74: {  	_ =	shalt  }
0x75: {  	_ =	shalt  }
0x76: {  	_ =	shalt  }
0x77: {  	_ =	shalt  }
0x78: {  	_ =	shalt  }
0x79: {  	_ =	shalt  }
0x7a: {  	_ =	shalt  }
0x7b: {  	_ =	shalt  }
0x7c: {  	_ =	shalt  }
0x7d: {  	_ =	shalt  }
0x7e: {  	_ =	shalt  }
0x7f: {  	_ =	shalt  }
0x80: {  	_ =	shalt  }
0x81: {  	_ =	shalt  }
0x82: {  	_ =	shalt  }
0x83: {  	_ =	shalt  }
0x84: {  	_ =	shalt  }
0x85: {  	_ =	shalt  }
0x86: {  	_ =	shalt  }
0x87: {  	_ =	shalt  }
.Lfunc_end0:
.L_simem_size_0:
called_computation.2_lowered:
.L_overlay_start_0:
0x88: {  	s2 =	sld [smem:$0x3FD9]  }
0x89: {  	s3 =	sld [smem:$0x3FFE];
	_ =	sdelay $0x1  }
0x8a: {  	s1 =	srdreg.scid  }
0x8b: {  	s0 =	sand.u32 $0x1, s1  }
0x8c: {  	s16 =	sshll.u32 s0, $0xA;
	s2 =	sadd.s32 s3, s2  }
0x8d: {  	s2 =	sadd.s32 s2, s16  }
0x8e: {  	[smem:$0x3FB9] =	sst s2  }
0x8f: {  	_ = 	snop  }
0x90: {  	(tm) =	ssettm $0x1  }
0x91: {  	s17 =	sld [smem:$0x3FFB];
	_ =	sdelay $0x3  }
0x92: {  	_ =	strace s17  }
0x93: {  	s2 =	sld [smem:$0x3FFC];
	_ =	sdelay $0x3  }
0x94: {  	_ =	strace s2  }
0x95: {  	s2 =	sld [smem:$0x3FFD];
	_ =	sdelay $0x3  }
0x96: {  	_ =	strace s2  }
0x97: {  	_ =	strace $0x8FFFFFFF  }
0x98: {  	s18 =	sld [smem:$0x3FDB];
	_ =	sdelay $0x1  }
0x99: {  	s19 =	simm.s32 $_scs_section_size  }
0x9a: {  	s4 =	simm.s32 $_size__tile_overlayer_lowered;
	s5 =	simm.s32 $_tile_overlayer_lowered  }
0x9b: {  	s22 =	simm.s32 $0x1BFF;
	s21 =	sshll.u32 s5, $0x1;
	s2 =	sadd.s32 s19, s18  }
0x9c: {  	s6 =	simm.s32 $0x0;
	s20 =	sshll.u32 s4, $0x1;
	s4 =	sadd.s32 s21, s2  }
0x9d: {  	[timem:s6], [sflag:s22] =	dma.local [hbm:s4], s20  }
0x9e: {  	_ =	swait.ge [sflag:s22], s20  }
0x9f: {  	s3 =	ssub.s32 $0x0, s20;
	[sflag:s22] =	ssyncset.done $0x0  }
0xa0: {  	[sflag:s22] =	ssyncadd.s32 s3;
	_ =	sdelay $0x1  }
0xa1: {  	s23 =	simm.s32 $0x1B8B  }
0xa2: {  	_ =	swait.ge [sflag:s23], $0x1  }
0xa3: {  	[sflag:s23] =	ssyncset.done $0x0  }
0xa4: {  	s25 =	simm.s32 $0x1B8E;
	s24 =	sld [smem:$0x3FFE];
	[sflag:s23] =	ssyncadd.s32 $0xFFFFFFFF  }
0xa5: {  	s26 =	simm.s32 $execute0_lowered;
	[smem:$0x3FD2] =	sst s25  }
0xa6: {  	s4 =	sshll.u32 s26, $0x1;
	_ =	strace $0x8000004C;
	[dreg:$0x1] =	wrdreg $0xFFFFFFFF  }
0xa7: {  	s28 =	simm.s32 $_size_execute0_lowered;
	s2 =	sadd.s32 s2, s4;
	[dreg:$0x0] =	wrdreg $0x0  }
0xa8: {  	s4 =	sshll.u32 s28, $0x1;
	[dreg:$0x2] =	wrdreg s2  }
0xa9: {  	[dreg:$0x3] =	wrdreg s4  }
0xaa: {  	[dreg:$0x4] =	wrdreg $0xC0  }
0xab: {  	_ =	task [dreg:s6], $0x5FFFF  }
0xac: {  	[dreg:$0x1] =	wrdreg $0xFFFFFFFF  }
0xad: {  	[dreg:$0x0] =	wrdreg $0x60  }
0xae: {  	[dreg:$0x2] =	wrdreg s24  }
0xaf: {  	[dreg:$0x3] =	wrdreg $0x14C400  }
0xb0: {  	[dreg:$0x4] =	wrdreg $0xB0000  }
0xb1: {  	[dreg:$0x5] =	wrdreg $0x9  }
0xb2: {  	_ =	task.clear_ibuf [dreg:s6], $0x6FFFF;
	_ =	strace $0x9000004C  }
0xb3: {  	s29 =	simm.s32 $0x9;
	_ =	strace $0x8000004E  }
0xb4: {  	_ =	swait.ge [sflag:s29], $0x1  }
0xb5: {  	[sflag:s29] =	ssyncadd.s32 $0xFFFFFFFF  }
0xb6: {  	_ =	strace $0x9000004E  }
0xb7: {  	_ =	sfence  }
0xb8: {  	s30 =	sld [smem:$0x0];
	_ =	sdelay $0x2  }
0xb9: {  	s31 =	sshll.u32 s1, $0xD;
	s1 =	sshrl.u32 s1, $0x2  }
0xba: {  	s3 =	sand.u32 $0x4000, s31;
	s1 =	sadd.s32 s1, s30  }
0xbb: {  	s0 =	sor.u32 s3, s0;
	s1 =	sshll.u32 s1, $0x11  }
0xbc: {  	s0 =	sor.u32 s1, s0  }
0xbd: {  	s0 =	sadd.s32 $0x8F2B, s0  }
0xbe: {  	[sflag:s0] =	ssyncadd.remote.s32 $0x1  }
0xbf: {  	_ =	sfence.sel $0xFFFF  }
0xc0: {  	[dreg:$0x0] =	wrdreg $0xFFFFFFFF;
	(pc) =	sbr.abs _section_cstart, $3  }
0xc1: {  	[dreg:$0x1] =	wrdreg $0xFFFFFFFF  }
0xc2: {  	_ =	task.clear_ibuf [dreg:s6], $0x2FFFF;
	_ =	strace $0x9FFFFFFF  }
0xc3: {  	(tm) =	ssettm $0x7FFFFFFF  }
tec
execute0_lowered:
.L_overlay_start_1:
0x0: {  	(tag) =	ssettag $0x1  }
0x1: {  	s12 =	rddreg [dreg:$0x0];
	s0 =	stileid.u32  }
0x2: {  	s1 =	srdreg.scid;
	s2 =	rddreg [dreg:$0x1]  }
0x3: {  	s3 =	rddreg [dreg:$0x2];
	s4 =	simm.s32 $0x0;
	s16 =	simm.s32 $0x4  }
0x4: {  	s20 =	simm.s32 $0x5000;
	s21 =	simm.s32 $0x7000;
	s22 =	simm.s32 $0x100  }
0x5: {  	s23 =	simm.s32 $0x9000;
	s24 =	simm.s32 $0x0;
	s5 =	sand.u32 $0x1, s1  }
0x6: {  	s28 =	sshll.u32 s0, $0x1;
	s7 =	smul.u32 $0xA000, s0;
	[smem:$0x7FF] =	sst s4  }
0x7: {  	s31 =	sshll.u32 s0, $0x6;
	s17 =	sadd.s32 $0x96000, s3;
	p0 =	seq.s32 s0, $0xF  }
0x8: {  	s19 =	sor.u32 s5, s28;
	s9 =	smul.u32 $0xA0000, s5;
	_ =	strace $0x8000004D  }
0x9: {  	s30 =	ssub.s32 $0x2, s5;
	s5 =	sadd.s32 $0x29E00, s12;
	s17 =	sshrl.u32 @p0 s17, $0x3  }
0xa: {  	s6 =	smul.u32 $0x500, s19;
	s8 =	sshrl.u32 s7, $0x3;
	s11 =	sshrl.u32 s30, $0x1  }
0xb: {  	s15 =	sadd.s32 s7, s2;
	s18 =	sadd.s32 s7, s3;
	p1 =	seq.s32 s19, $0x1F  }
0xc: {  	s19 =	simm.s32 $0x80;
	s8 =	sadd.s32 s8, s12;
	s29 =	sadd.s32 s7, s9  }
0xd: {  	s14 =	ssub.s32 s30, s11;
	s11 =	sadd.s32 $0xC300, s12;
	s15 =	sshrl.u32 s15, $0x3  }
0xe: {  	s18 =	sshrl.u32 @!p0 s18, $0x3;
	s10 =	sadd.s32 s6, s12;
	s6 =	sshrl.u32 s29, $0x3  }
0xf: {  	s7 =	sadd.s32 $0x16400, s8;
	s8 =	sadd.s32 $0x29000, s12;
	s14 =	smax.u32 s14, $0x1  }
0x10: {  	s13 =	sadd.s32 s6, s12;
	s6 =	sor.u32 $0x1C04, s31;
	s9 =	sadd.s32 $0x2800, s10  }
0x11: {  	s10 =	sadd.s32 $0xC600, s10;
	s12 =	sadd.s32 $0x16100, s12;
	s13 =	sadd.s32 $0x2B200, s13  }
.LBB2_1:
0x12: {  	[spmem:s15], [sflag:s6] =	dma.local [hbm:s5], $0x1400  }
0x13: {  	_ =	swait.ge [sflag:s16], $0x1400  }
0x14: {  	[sflag:s16] =	ssyncset.done $0x0  }
0x15: {  	s25 =	simm.s32 @p0 $0x4;
	[sflag:s16] =	ssyncadd.s32 $0xFFFFEC00  }
0x16: {  	[spmem:s17], [sflag:s6] =	dma.local @p0 [hbm:s8], $0xC80  }
0x17: {  	_ =	swait.ge @p0 [sflag:s25], $0xC80  }
0x18: {  	[sflag:s25] =	ssyncset.done @p0 $0x0  }
0x19: {  	[sflag:s25] =	ssyncadd.s32 @p0 $0xFFFFF380;
	s25 =	simm.s32 @!p0 $0x4  }
0x1a: {  	[spmem:s18], [sflag:s6] =	dma.local @!p0 [hbm:s7], $0x1400  }
0x1b: {  	_ =	swait.ge @!p0 [sflag:s25], $0x1400  }
0x1c: {  	[sflag:s25] =	ssyncset.done @!p0 $0x0  }
0x1d: {  	[sflag:s25] =	ssyncadd.s32 @!p0 $0xFFFFEC00  }
0x1e: {  	s26 =	simm.s32 @p1 $0x4;
	s25 =	simm.s32 @p1 $0x0;
	[bflag:$0x0] =	sbarrier.arrive $0xFFFF  }
0x1f: {  	[tilespmem:s25], [sflag:$0x4] =	stream.linear.gather @p1 [hbm4b:s11+s25], $0xA00, $0x38;
	[tilespmem:$0x1EC40] =	vst v63  }
0x20: {  	_ =	swait.ge @p1 [sflag:s26], $0xA00  }
0x21: {  	[sflag:s26] =	ssyncset.done @p1 $0x0  }
0x22: {  	s28 =	simm.s32 @p1 $0x2800;
	[sflag:s26] =	ssyncadd.s32 @p1 $0xFFFFF600  }
0x23: {  	[tilespmem:s28], [sflag:$0x4] =	stream.linear.gather @p1 [hbm4b:s12+s25], $0xA00, $0x38;
	[tilespmem:$0x1EC40] =	vst v63  }
0x24: {  	_ =	swait.ge @p1 [sflag:s26], $0xA00  }
0x25: {  	[sflag:s26] =	ssyncset.done @p1 $0x0  }
0x26: {  	s25 =	simm.s32 @!p1 $0x0;
	[sflag:s26] =	ssyncadd.s32 @p1 $0xFFFFF600;
	s26 =	simm.s32 @!p1 $0x4  }
0x27: {  	[tilespmem:s25], [sflag:$0x4] =	stream.linear.gather @!p1 [hbm4b:s9+s25], $0x2800, $0x38;
	[tilespmem:$0x1EC40] =	vst v63  }
0x28: {  	_ =	swait.ge @!p1 [sflag:s26], $0x2800  }
0x29: {  	[sflag:s26] =	ssyncset.done @!p1 $0x0  }
0x2a: {  	s28 =	simm.s32 @!p1 $0x2800;
	[sflag:s26] =	ssyncadd.s32 @!p1 $0xFFFFD800  }
0x2b: {  	[tilespmem:s28], [sflag:$0x4] =	stream.linear.gather @!p1 [hbm4b:s10+s25], $0x2800, $0x38;
	[tilespmem:$0x1EC40] =	vst v63  }
0x2c: {  	s25 =	simm.s32 @!p1 $0x50  }
0x2d: {  	_ =	swait.ge @!p1 [sflag:s26], $0x2800;
	s25 =	simm.s32 @p1 $0x14  }
0x2e: {  	[sflag:s26] =	ssyncset.done @!p1 $0x0;
	s31 =	sadd.s32 $0x2, s25  }
0x2f: {  	[sflag:s26] =	ssyncadd.s32 @!p1 $0xFFFFD800;
	s26 =	smulhi.u32 $0x55555556, s31  }
0x30: {  	[tilespmem:s20], [sflag:$0x1] =	stream.indirect.gather [spmem:s3], $0x40, s4, s19, $0xb8;
	[tilespmem:$0x1EC40] =	vst v63  }
0x31: {  	s29 =	simm.s32 $0x0;
	s26 =	smul.u32 $0x3, s26  }
0x32: {  	[tilespmem:s21], [sflag:$0x2] =	stream.indirect.gather [spmem:s3], $0x40, s19, s19, $0xb8;
	[tilespmem:$0x1EC40] =	vst v63  }
0x33: {  	s28 =	simm.s32 $0x180;
	[dreg:$0x4] =	wrdreg s26;
	s26 =	simm.s32 $0x2800  }
0x34: {  	[tilespmem:s23], [sflag:$0x3] =	stream.indirect.gather [spmem:s3], $0x40, s22, s19, $0xb8;
	[tilespmem:$0x1EC40] =	vst v63  }
.LBB2_2:
0x35: {  	p2 =	sge.u32 s29, s25  }
0x36: {  	s30 =	simm.s32 @!p2 $0x1  }
0x37: {  	_ =	swait.ge @!p2 [sflag:s30], $0x2000  }
0x38: {  	[sflag:s30] =	ssyncset.done @!p2 $0x0  }
0x39: {  	s31 =	simm.s32 @!p2 $0x5000;
	[sflag:s30] =	ssyncadd.s32 @!p2 $0xFFFFE000;
	s30 =	simm.s32 @!p2 $0x80  }
0x3a: {  	[spmem:s2] =	stream.indirect.scatter.add.f32 @!p2 [tilespmem:s31], [sflag:$0x4], $0x40, s26, s30, $0xb8;
	[tilespmem:$0x1EC40] =	vst v63  }
0x3b: {  	s30 =	simm.s32 @!p2 $0x4  }
0x3c: {  	s31 =	sadd.s32 @!p2 $0x3, s29;
	_ =	swait.ge @!p2 [sflag:s30], $0x2000  }
0x3d: {  	p3 =	sge.u32 @!p2 s31, s25;
	[sflag:s30] =	ssyncset.done @!p2 $0x0  }
0x3e: {  	s1 =	sadd.s32 $0x1, s29;
	p3 =	por p3, p2;
	[sflag:s30] =	ssyncadd.s32 @!p2 $0xFFFFE000  }
0x3f: {  	s30 =	simm.s32 @!p3 $0x80;
	s31 =	simm.s32 @!p3 $0x5000;
	p2 =	sge.u32 s1, s25  }
0x40: {  	[tilespmem:s31], [sflag:$0x1] =	stream.indirect.gather @!p3 [spmem:s3], $0x40, s28, s30, $0xb8;
	[tilespmem:$0x1EC40] =	vst v63  }
0x41: {  	s30 =	simm.s32 @!p2 $0x2  }
0x42: {  	_ =	swait.ge @!p2 [sflag:s30], $0x2000  }
0x43: {  	s31 =	simm.s32 @!p2 $0x80;
	[sflag:s30] =	ssyncset.done @!p2 $0x0  }
0x44: {  	s1 =	simm.s32 @!p2 $0x7000;
	[sflag:s30] =	ssyncadd.s32 @!p2 $0xFFFFE000;
	s30 =	sadd.s32 @!p2 $0x80, s26  }
0x45: {  	[spmem:s2] =	stream.indirect.scatter.add.f32 @!p2 [tilespmem:s1], [sflag:$0x4], $0x40, s30, s31, $0xb8;
	[tilespmem:$0x1EC40] =	vst v63  }
0x46: {  	s1 =	simm.s32 @!p2 $0x4  }
0x47: {  	s30 =	sadd.s32 @!p2 $0x4, s29;
	_ =	swait.ge @!p2 [sflag:s1], $0x2000  }
0x48: {  	p3 =	sge.u32 @!p2 s30, s25;
	[sflag:s1] =	ssyncset.done @!p2 $0x0  }
0x49: {  	[sflag:s1] =	ssyncadd.s32 @!p2 $0xFFFFE000;
	p2 =	por p3, p2  }
0x4a: {  	s1 =	sadd.s32 @!p2 $0x80, s28;
	s30 =	simm.s32 @!p2 $0x80;
	s31 =	simm.s32 @!p2 $0x7000  }
0x4b: {  	[tilespmem:s31], [sflag:$0x2] =	stream.indirect.gather @!p2 [spmem:s3], $0x40, s1, s30, $0xb8;
	[tilespmem:$0x1EC40] =	vst v63  }
0x4c: {  	s31 =	sadd.s32 $0x2, s29  }
0x4d: {  	p2 =	sge.u32 s31, s25  }
0x4e: {  	s1 =	simm.s32 @!p2 $0x3  }
0x4f: {  	_ =	swait.ge @!p2 [sflag:s1], $0x2000  }
0x50: {  	s30 =	simm.s32 @!p2 $0x80;
	[sflag:s1] =	ssyncset.done @!p2 $0x0  }
0x51: {  	s31 =	simm.s32 @!p2 $0x9000;
	[sflag:s1] =	ssyncadd.s32 @!p2 $0xFFFFE000;
	s1 =	sadd.s32 @!p2 $0x100, s26  }
0x52: {  	[spmem:s2] =	stream.indirect.scatter.add.f32 @!p2 [tilespmem:s31], [sflag:$0x4], $0x40, s1, s30, $0xb8;
	[tilespmem:$0x1EC40] =	vst v63  }
0x53: {  	s1 =	simm.s32 @!p2 $0x4  }
0x54: {  	s30 =	sadd.s32 @!p2 $0x5, s29;
	s29 =	sadd.s32 $0x3, s29;
	_ =	swait.ge @!p2 [sflag:s1], $0x2000  }
0x55: {  	p3 =	sge.u32 @!p2 s30, s25;
	[sflag:s1] =	ssyncset.done @!p2 $0x0;
	s0 =	rddreg [dreg:$0x4]  }
0x56: {  	p3 =	por p3, p2;
	[sflag:s1] =	ssyncadd.s32 @!p2 $0xFFFFE000;
	p2 =	sne.s32 s0, s29  }
.Ltmp0:
0x57: {  	_ = 	snop;
	(pc) =	sbr.rel @p2 .LBB2_2-.Ltmp0, $4  }
0x58: {  	_ = 	snop  }
0x59: {  	s26 =	sadd.s32 $0x180, s26;
	s1 =	sadd.s32 @!p3 $0x100, s28  }
0x5a: {  	s30 =	simm.s32 @!p3 $0x80;
	s31 =	simm.s32 @!p3 $0x9000;
	s28 =	sadd.s32 $0x180, s28  }
0x5b: {  	[tilespmem:s31], [sflag:$0x3] =	stream.indirect.gather @!p3 [spmem:s3], $0x40, s1, s30, $0xb8;
	[tilespmem:$0x1EC40] =	vst v63  }
0x5c: {  	s24 =	sadd.s32 $0x1, s24  }
0x5d: {  	p2 =	sne.s32 s24, s14  }
.Ltmp1:
0x5e: {  	[bflag:$0x0] =	sbarrier.arrive $0xFFFF;
	(pc) =	sbr.rel @p2 .LBB2_1-.Ltmp1, $4  }
0x5f: {  	[hbm:s13], [sflag:s6] =	dma.local [spmem:s15], $0x1400  }
0x60: {  	_ =	swait.ge [sflag:s16], $0x1400  }
0x61: {  	[sflag:s16] =	ssyncset.done $0x0  }
0x62: {  	[sflag:s16] =	ssyncadd.s32 $0xFFFFEC00  }
0x63: {  	_ =	sfence.sel $0x180000  }
0x64: {  	[bflag:$0x0] =	sbarrier.arrive $0xFFFF  }
0x65: {  	_ =	strace $0x9000004D  }
0x66: {  	s0 =	stileid.u32;
	[bflag:$0x2] =	sbarrier.arrive $0xFFFF  }
0x67: {  	p0 =	sne.s32 s0, $0x0;
	s0 =	rddreg [dreg:$0x3]  }
0x68: {  	s0 =	sadd.s32 @!p0 $0x100000, s0  }
0x69: {  	[sflag:s0] =	ssyncadd.tile.s32 @!p0 $0x1;
	_ =	shalt  }
.Lfunc_end2:
_tile_overlayer_lowered:
.L_overlay_start_2:
0x6a: {  	(tag) =	ssettag $0x2  }
0x6b: {  	s0 =	rddreg [dreg:$0x0];
	s2 =	stileid.u32  }
0x6c: {  	s1 =	rddreg [dreg:$0x1];
	p0 =	sne.s32 s2, $0x0  }
0x6d: {  	s3 =	rddreg [dreg:$0x2];
	[bflag:$0x3] =	sbarrier.arrive $0xFFFF;
	s2 =	simm.s32 @!p0 $0x1C04  }
0x6e: {  	[timem:s3], [sflag:s2] =	dma.local @!p0 [hbm:s0], s1  }
0x6f: {  	s0 =	simm.s32 @!p0 $0x4  }
0x70: {  	_ =	swait.ge @!p0 [sflag:s0], s1  }
0x71: {  	s1 =	ssub.s32 @!p0 $0x0, s1;
	[sflag:s0] =	ssyncset.done @!p0 $0x0  }
0x72: {  	[sflag:s0] =	ssyncadd.s32 @!p0 s1  }
0x73: {  	[bflag:$0x3] =	sbarrier.arrive $0xFFFF  }
0x74: {  	_ =	shalt  }

// kernel: kernel.8.cloned.1.call-start
scs
__scs_entry_jumppad:
0x0: {  	(pc) =	sbr.rel $0x88, $3  }
0x1: {  	(tag) =	ssettag $0x0;
	lr =	simm.s32 $0x1  }
0x2: {  	[smem:$0x3F92] =	sst lr;
	_ =	strace $0xD0000000  }
0x3: {  	_ = 	snop  }
0x4: {  	_ = 	snop  }
0x5: {  	_ = 	snop  }
0x6: {  	_ = 	snop  }
0x7: {  	_ = 	snop  }
__scs_overlays_trampoline_lowered:
0x8: {  	[smem:$0x3FA1] =	sst s0  }
0x9: {  	[smem:$0x3FA2] =	sst s1  }
0xa: {  	[smem:$0x3FA3] =	sst s2  }
0xb: {  	[smem:$0x3FA4] =	sst s3  }
0xc: {  	[smem:$0x3FA5] =	sst s4  }
0xd: {  	[smem:$0x3FA6] =	sst s5  }
0xe: {  	[smem:$0x3FA7] =	sst s6  }
0xf: {  	[smem:$0x3FA8] =	sst s7  }
0x10: {  	[smem:$0x3FA9] =	sst s8  }
0x11: {  	[smem:$0x3FAA] =	sst s9;
	s0 =	simm.s32 @!p0 $0x0  }
0x12: {  	s1 =	sld [smem:$0x3F90];
	s0 =	simm.s32 @p0 $0x1  }
0x13: {  	[smem:$0x3FAB] =	sst s0;
	s0 =	simm.s32 @!p1 $0x0  }
0x14: {  	s2 =	sld [smem:$0x3F8F];
	s0 =	simm.s32 @p1 $0x1  }
0x15: {  	[smem:$0x3FAC] =	sst s0;
	s0 =	simm.s32 @!p2 $0x0  }
0x16: {  	s3 =	sld [smem:$0x3FDB];
	s0 =	simm.s32 @p2 $0x1  }
0x17: {  	s4 =	simm.s32 $0x1BF5;
	[smem:$0x3FAE] =	sst s0  }
0x18: {  	s0 =	sld [smem:$0x3F91];
	_ =	swait.ge [sflag:s4], $0x0  }
0x19: {  	s7 =	sld [smem:$0x3F92]  }
0x1a: {  	s8 =	sadd.s32 $0xFFFFE003, lr  }
0x1b: {  	s9 =	sadd.s32 $0xFFFFFEF7, lr;
	s5 =	simm.s32 $0xFFFFFFFF;
	p2 =	slt.u32 s8, $0xFFFFF086  }
0x1c: {  	p1 =	slt.u32 s9, $0xF7A;
	s5 =	simm.s32 @!p2 $0x0  }
0x1d: {  	s5 =	simm.s32 @p1 $0x1;
	p0 =	seq.s32 s7, s2  }
0x1e: {  	s7 =	smul.u32 @!p0 $0xF7A, s2;
	p2 =	seq.s32 @!p0 s5, $0x0  }
0x1f: {  	s9 =	smul.u32 $0xF7A, s1;
	s8 =	simm.s32 @!p0 $0x1BF5;
	p2 =	por !p2, p0  }
0x20: {  	[sflag:s8] =	ssyncset.s32 @!p0 $0xFFFFF086;
	s6 =	sadd.s32 @!p0 s3, s7;
	s7 =	simm.s32 @!p0 $0x108  }
0x21: {  	s3 =	sadd.s32 s3, s9;
	s6 =	sadd.s32 @!p0 $0x88, s6;
	s7 =	simm.s32 @p2 $0x1082  }
0x22: {  	[simem:s7], [sflag:s8] =	dma.local @!p0 [hbm:s6], $0xF7A  }
0x23: {  	s9 =	sor.u32 $0xD0000000, s2;
	s6 =	simm.s32 $0x108;
	_ =	swait.ge @!p0 [sflag:s8], $0x0  }
0x24: {  	s3 =	sadd.s32 $0x88, s3;
	s6 =	simm.s32 @!p1 $0x1082;
	[sflag:s4] =	ssyncset.s32 $0xFFFFF086  }
0x25: {  	[simem:s6], [sflag:s4] =	dma.local [hbm:s3], $0xF7A  }
0x26: {  	[smem:$0x3F92] =	sst s1;
	(tag) =	ssettag s2;
	_ =	strace s9  }
0x27: {  	s1 =	sld [smem:$0x3FA2]  }
0x28: {  	s2 =	sld [smem:$0x3FA3]  }
0x29: {  	s4 =	sld [smem:$0x3FA5]  }
0x2a: {  	p0 =	seq.s32 s5, $0x0;
	s5 =	sld [smem:$0x3FA6]  }
0x2b: {  	s6 =	sld [smem:$0x3FA7]  }
0x2c: {  	s7 =	sld [smem:$0x3FA8]  }
0x2d: {  	s3 =	simm.s32 $0x108;
	s8 =	sld [smem:$0x3FA9]  }
0x2e: {  	s3 =	simm.s32 @!p0 $0x1082;
	s9 =	sld [smem:$0x3FAA]  }
0x2f: {  	lr =	sadd.s32 s0, s3;
	s0 =	sld [smem:$0x3FA1]  }
0x30: {  	s3 =	sld [smem:$0x3FA4]  }
0x31: {  	[smem:$0x3FAD] =	sst s10  }
0x32: {  	s10 =	sld [smem:$0x3FAB];
	_ =	sdelay $0x3  }
0x33: {  	p0 =	seq.s32 s10, $0x1;
	s10 =	sld [smem:$0x3FAD];
	_ =	sdelay $0x3  }
0x34: {  	[smem:$0x3FAD] =	sst s10  }
0x35: {  	s10 =	sld [smem:$0x3FAC];
	_ =	sdelay $0x3  }
0x36: {  	p1 =	seq.s32 s10, $0x1;
	s10 =	sld [smem:$0x3FAD];
	_ =	sdelay $0x3  }
0x37: {  	[smem:$0x3FAD] =	sst s10  }
0x38: {  	s10 =	sld [smem:$0x3FAE]  }
0x39: {  	_ = 	snop;
	(pc) =	sbr.ind lr, $3  }
0x3a: {  	_ = 	snop  }
0x3b: {  	_ = 	snop  }
0x3c: {  	p2 =	seq.s32 s10, $0x1;
	s10 =	sld [smem:$0x3FAD]  }
0x3d: {  	_ =	shalt  }
0x3e: {  	_ =	shalt  }
0x3f: {  	_ =	shalt  }
0x40: {  	_ =	shalt  }
0x41: {  	_ =	shalt  }
0x42: {  	_ =	shalt  }
0x43: {  	_ =	shalt  }
0x44: {  	_ =	shalt  }
0x45: {  	_ =	shalt  }
0x46: {  	_ =	shalt  }
0x47: {  	_ =	shalt  }
0x48: {  	_ =	shalt  }
0x49: {  	_ =	shalt  }
0x4a: {  	_ =	shalt  }
0x4b: {  	_ =	shalt  }
0x4c: {  	_ =	shalt  }
0x4d: {  	_ =	shalt  }
0x4e: {  	_ =	shalt  }
0x4f: {  	_ =	shalt  }
0x50: {  	_ =	shalt  }
0x51: {  	_ =	shalt  }
0x52: {  	_ =	shalt  }
0x53: {  	_ =	shalt  }
0x54: {  	_ =	shalt  }
0x55: {  	_ =	shalt  }
0x56: {  	_ =	shalt  }
0x57: {  	_ =	shalt  }
0x58: {  	_ =	shalt  }
0x59: {  	_ =	shalt  }
0x5a: {  	_ =	shalt  }
0x5b: {  	_ =	shalt  }
0x5c: {  	_ =	shalt  }
0x5d: {  	_ =	shalt  }
0x5e: {  	_ =	shalt  }
0x5f: {  	_ =	shalt  }
0x60: {  	_ =	shalt  }
0x61: {  	_ =	shalt  }
0x62: {  	_ =	shalt  }
0x63: {  	_ =	shalt  }
0x64: {  	_ =	shalt  }
0x65: {  	_ =	shalt  }
0x66: {  	_ =	shalt  }
0x67: {  	_ =	shalt  }
0x68: {  	_ =	shalt  }
0x69: {  	_ =	shalt  }
0x6a: {  	_ =	shalt  }
0x6b: {  	_ =	shalt  }
0x6c: {  	_ =	shalt  }
0x6d: {  	_ =	shalt  }
0x6e: {  	_ =	shalt  }
0x6f: {  	_ =	shalt  }
0x70: {  	_ =	shalt  }
0x71: {  	_ =	shalt  }
0x72: {  	_ =	shalt  }
0x73: {  	_ =	shalt  }
0x74: {  	_ =	shalt  }
0x75: {  	_ =	shalt  }
0x76: {  	_ =	shalt  }
0x77: {  	_ =	shalt  }
0x78: {  	_ =	shalt  }
0x79: {  	_ =	shalt  }
0x7a: {  	_ =	shalt  }
0x7b: {  	_ =	shalt  }
0x7c: {  	_ =	shalt  }
0x7d: {  	_ =	shalt  }
0x7e: {  	_ =	shalt  }
0x7f: {  	_ =	shalt  }
0x80: {  	_ =	shalt  }
0x81: {  	_ =	shalt  }
0x82: {  	_ =	shalt  }
0x83: {  	_ =	shalt  }
0x84: {  	_ =	shalt  }
0x85: {  	_ =	shalt  }
0x86: {  	_ =	shalt  }
0x87: {  	_ =	shalt  }
.Lfunc_end0:
.L_simem_size_0:
called_computation_lowered:
.L_overlay_start_0:
0x88: {  	s2 =	sld [smem:$0x3FD9]  }
0x89: {  	s3 =	sld [smem:$0x3FFE];
	_ =	sdelay $0x1  }
0x8a: {  	s1 =	srdreg.scid  }
0x8b: {  	s0 =	sand.u32 $0x1, s1  }
0x8c: {  	s16 =	sshll.u32 s0, $0xA;
	s2 =	sadd.s32 s3, s2  }
0x8d: {  	s2 =	sadd.s32 s2, s16  }
0x8e: {  	[smem:$0x3FB9] =	sst s2  }
0x8f: {  	_ = 	snop  }
0x90: {  	(tm) =	ssettm $0x1  }
0x91: {  	s17 =	sld [smem:$0x3FFB];
	_ =	sdelay $0x3  }
0x92: {  	_ =	strace s17  }
0x93: {  	s2 =	sld [smem:$0x3FFC];
	_ =	sdelay $0x3  }
0x94: {  	_ =	strace s2  }
0x95: {  	s2 =	sld [smem:$0x3FFD];
	_ =	sdelay $0x3  }
0x96: {  	_ =	strace s2  }
0x97: {  	_ =	strace $0x8FFFFFFF  }
0x98: {  	s18 =	sld [smem:$0x3FDB];
	_ =	sdelay $0x1  }
0x99: {  	s19 =	simm.s32 $_scs_section_size  }
0x9a: {  	s4 =	simm.s32 $_size__tile_overlayer_lowered;
	s5 =	simm.s32 $_tile_overlayer_lowered  }
0x9b: {  	s22 =	simm.s32 $0x1BFF;
	s21 =	sshll.u32 s5, $0x1;
	s2 =	sadd.s32 s19, s18  }
0x9c: {  	s6 =	simm.s32 $0x0;
	s20 =	sshll.u32 s4, $0x1;
	s4 =	sadd.s32 s21, s2  }
0x9d: {  	[timem:s6], [sflag:s22] =	dma.local [hbm:s4], s20  }
0x9e: {  	_ =	swait.ge [sflag:s22], s20  }
0x9f: {  	s3 =	ssub.s32 $0x0, s20;
	[sflag:s22] =	ssyncset.done $0x0  }
0xa0: {  	[sflag:s22] =	ssyncadd.s32 s3;
	_ =	sdelay $0x1  }
0xa1: {  	s23 =	simm.s32 $0x1B8B  }
0xa2: {  	_ =	swait.ge [sflag:s23], $0x1  }
0xa3: {  	[sflag:s23] =	ssyncset.done $0x0  }
0xa4: {  	s25 =	simm.s32 $0x1B8E;
	s24 =	sld [smem:$0x3FFE];
	[sflag:s23] =	ssyncadd.s32 $0xFFFFFFFF  }
0xa5: {  	s26 =	simm.s32 $execute0_lowered;
	[smem:$0x3FD2] =	sst s25  }
0xa6: {  	s4 =	sshll.u32 s26, $0x1;
	_ =	strace $0x80000046;
	[dreg:$0x1] =	wrdreg $0xFFFFFFFF  }
0xa7: {  	s28 =	simm.s32 $_size_execute0_lowered;
	s2 =	sadd.s32 s2, s4;
	[dreg:$0x0] =	wrdreg $0x0  }
0xa8: {  	s4 =	sshll.u32 s28, $0x1;
	[dreg:$0x2] =	wrdreg s2  }
0xa9: {  	[dreg:$0x3] =	wrdreg s4  }
0xaa: {  	[dreg:$0x4] =	wrdreg $0xC0  }
0xab: {  	_ =	task [dreg:s6], $0x5FFFF  }
0xac: {  	[dreg:$0x1] =	wrdreg $0xFFFFFFFF  }
0xad: {  	[dreg:$0x0] =	wrdreg $0x60  }
0xae: {  	[dreg:$0x2] =	wrdreg s24  }
0xaf: {  	[dreg:$0x3] =	wrdreg $0x2C000  }
0xb0: {  	[dreg:$0x4] =	wrdreg $0x9  }
0xb1: {  	_ =	task.clear_ibuf [dreg:s6], $0x5FFFF;
	_ =	strace $0x90000046  }
0xb2: {  	s29 =	simm.s32 $0x9;
	_ =	strace $0x80000048  }
0xb3: {  	_ =	swait.ge [sflag:s29], $0x1  }
0xb4: {  	[sflag:s29] =	ssyncadd.s32 $0xFFFFFFFF  }
0xb5: {  	_ =	strace $0x90000048  }
0xb6: {  	_ =	sfence  }
0xb7: {  	s30 =	sld [smem:$0x0];
	_ =	sdelay $0x2  }
0xb8: {  	s31 =	sshll.u32 s1, $0xD;
	s1 =	sshrl.u32 s1, $0x2  }
0xb9: {  	s3 =	sand.u32 $0x4000, s31;
	s1 =	sadd.s32 s1, s30  }
0xba: {  	s0 =	sor.u32 s3, s0;
	s1 =	sshll.u32 s1, $0x11  }
0xbb: {  	s0 =	sor.u32 s1, s0  }
0xbc: {  	s0 =	sadd.s32 $0x8F2B, s0  }
0xbd: {  	[sflag:s0] =	ssyncadd.remote.s32 $0x1  }
0xbe: {  	_ =	sfence.sel $0xFFFF  }
0xbf: {  	[dreg:$0x0] =	wrdreg $0xFFFFFFFF;
	(pc) =	sbr.abs _section_cstart, $3  }
0xc0: {  	[dreg:$0x1] =	wrdreg $0xFFFFFFFF  }
0xc1: {  	_ =	task.clear_ibuf [dreg:s6], $0x2FFFF;
	_ =	strace $0x9FFFFFFF  }
0xc2: {  	(tm) =	ssettm $0x7FFFFFFF  }
0xc3: {  	_ =	shalt  }
tec
execute0_lowered:
.L_overlay_start_1:
0x0: {  	(tag) =	ssettag $0x1  }
0x1: {  	s1 =	srdreg.scid  }
0x2: {  	s0 =	stileid.u32;
	s7 =	rddreg [dreg:$0x0]  }
0x3: {  	s2 =	rddreg [dreg:$0x1];
	s3 =	simm.s32 $0x0;
	s14 =	simm.s32 $0x80  }
0x4: {  	s15 =	simm.s32 $0x0;
	s5 =	sand.u32 $0x1, s1;
	s1 =	rddreg [dreg:$0x2]  }
0x5: {  	s30 =	sshll.u32 s0, $0x1;
	s6 =	smul.u32 $0x1400, s0;
	[smem:$0x7FF] =	sst s3  }
0x6: {  	s31 =	sshll.u32 s0, $0x6;
	s10 =	sor.u32 s5, s30;
	s8 =	smul.u32 $0x14000, s5  }
0x7: {  	_ =	strace $0x80000047;
	s11 =	ssub.s32 $0x2, s5;
	s5 =	sadd.s32 $0x16400, s7  }
0x8: {  	s4 =	smul.u32 $0x500, s10;
	s12 =	sshrl.u32 s11, $0x1;
	s13 =	sadd.s32 s6, s2  }
0x9: {  	p0 =	seq.s32 s10, $0x1F;
	s10 =	simm.s32 $0x2800;
	s8 =	sadd.s32 s6, s8  }
0xa: {  	s11 =	ssub.s32 s11, s12;
	s12 =	sor.u32 $0x1C01, s31;
	s13 =	sshrl.u32 s13, $0x3  }
0xb: {  	s9 =	sadd.s32 s4, s7;
	s4 =	sadd.s32 $0x16800, s7;
	s8 =	sshrl.u32 s8, $0x3  }
0xc: {  	s8 =	sadd.s32 s8, s7;
	s6 =	sadd.s32 $0xC600, s9;
	s7 =	sadd.s32 $0x16100, s7  }
0xd: {  	s9 =	smax.u32 s11, $0x1;
	s11 =	simm.s32 $0x1;
	s8 =	sadd.s32 $0x16A00, s8  }
.LBB2_1:
0xe: {  	[tilespmem:s10], [sflag:$0x1] =	stream.linear.gather [hbm4b:s4+s3], $0x400, $0x38;
	[tilespmem:$0x4000] =	vst v63  }
0xf: {  	_ =	swait.ge [sflag:s11], $0x400  }
0x10: {  	[sflag:s11] =	ssyncset.done $0x0  }
0x11: {  	[sflag:s11] =	ssyncadd.s32 $0xFFFFFC00  }
0x12: {  	[spmem:s13], [sflag:s12] =	dma.local [hbm:s5], $0x280  }
0x13: {  	_ =	swait.ge [sflag:s11], $0x280  }
0x14: {  	[sflag:s11] =	ssyncset.done $0x0  }
0x15: {  	[sflag:s11] =	ssyncadd.s32 $0xFFFFFD80  }
0x16: {  	s16 =	simm.s32 @p0 $0x0;
	[bflag:$0x0] =	sbarrier.arrive $0xFFFF  }
0x17: {  	[tilespmem:s16], [sflag:$0x1] =	stream.linear.gather @p0 [hbm4b:s7+s16], $0xA00, $0x38;
	[tilespmem:$0x4000] =	vst v63  }
0x18: {  	s16 =	simm.s32 @p0 $0x1  }
0x19: {  	_ =	swait.ge @p0 [sflag:s16], $0xA00  }
0x1a: {  	[sflag:s16] =	ssyncset.done @p0 $0x0  }
0x1b: {  	s17 =	simm.s32 @!p0 $0x50;
	[sflag:s16] =	ssyncadd.s32 @p0 $0xFFFFF600;
	s16 =	simm.s32 @!p0 $0x0  }
0x1c: {  	[tilespmem:s16], [sflag:$0x1] =	stream.linear.gather @!p0 [hbm4b:s6+s16], $0x2800, $0x38;
	[tilespmem:$0x4000] =	vst v63  }
0x1d: {  	s17 =	simm.s32 @p0 $0x14;
	s16 =	simm.s32 @!p0 $0x1  }
0x1e: {  	p1 =	sne.s32 s17, $0x1;
	_ =	swait.ge @!p0 [sflag:s16], $0x2800  }
.Ltmp0:
0x1f: {  	[sflag:s16] =	ssyncset.done @!p0 $0x0;
	(pc) =	sbr.rel @!p1 .LBB2_3-.Ltmp0, $4  }
0x20: {  	[sflag:s16] =	ssyncadd.s32 @!p0 $0xFFFFD800  }
0x21: {  	[spmem:s2] =	stream.indirect.scatter.add.f32 [tilespmem:s10], [sflag:$0x1], $0x8, s3, s14, $0xb8;
	[tilespmem:$0x4000] =	vst v63  }
0x22: {  	_ =	swait.ge [sflag:s11], $0x400  }
0x23: {  	s16 =	sadd.s32 $0xFFFFFFFF, s17;
	s17 =	simm.s32 $0x0;
	[sflag:s11] =	ssyncset.done $0x0  }
.LBB2_2:
0x24: {  	p1 =	sne.s32 s16, $0x1;
	[sflag:s11] =	ssyncadd.s32 $0xFFFFFC00;
	s17 =	sadd.s32 $0x80, s17  }
.Ltmp1:
0x25: {  	s16 =	sadd.s32 $0xFFFFFFFF, s16;
	(pc) =	sbr.rel @p1 .LBB2_2-.Ltmp1, $4  }
0x26: {  	_ = 	snop  }
0x27: {  	[spmem:s2] =	stream.indirect.scatter.add.f32 [tilespmem:s10], [sflag:$0x1], $0x8, s17, s14, $0xb8;
	[tilespmem:$0x4000] =	vst v63  }
0x28: {  	_ =	swait.ge [sflag:s11], $0x400  }
0x29: {  	[sflag:s11] =	ssyncset.done $0x0  }
.LBB2_3:
0x2a: {  	s15 =	sadd.s32 $0x1, s15  }
0x2b: {  	[sflag:s11] =	ssyncadd.s32 $0xFFFFFC00;
	p1 =	sne.s32 s15, s9  }
.Ltmp2:
0x2c: {  	[bflag:$0x0] =	sbarrier.arrive $0xFFFF;
	(pc) =	sbr.rel @p1 .LBB2_1-.Ltmp2, $4  }
0x2d: {  	[hbm:s8], [sflag:s12] =	dma.local [spmem:s13], $0x280  }
0x2e: {  	_ =	swait.ge [sflag:s11], $0x280  }
0x2f: {  	[sflag:s11] =	ssyncset.done $0x0  }
0x30: {  	[sflag:s11] =	ssyncadd.s32 $0xFFFFFD80  }
0x31: {  	_ =	sfence.sel $0x180000  }
0x32: {  	[bflag:$0x0] =	sbarrier.arrive $0xFFFF  }
0x33: {  	p0 =	sne.s32 s0, $0x0;
	_ =	strace $0x90000047  }
0x34: {  	s0 =	sadd.s32 @!p0 $0x100000, s1;
	[bflag:$0x2] =	sbarrier.arrive $0xFFFF  }
0x35: {  	[sflag:s0] =	ssyncadd.tile.s32 @!p0 $0x1;
	_ =	shalt  }
.Lfunc_end2:
_tile_overlayer_lowered:
.L_overlay_start_2:
0x36: {  	(tag) =	ssettag $0x2  }
0x37: {  	s0 =	rddreg [dreg:$0x0];
	s2 =	stileid.u32  }
0x38: {  	s1 =	rddreg [dreg:$0x1];
	p0 =	sne.s32 s2, $0x0  }
0x39: {  	s3 =	rddreg [dreg:$0x2];
	[bflag:$0x3] =	sbarrier.arrive $0xFFFF;
	s2 =	simm.s32 @!p0 $0x1C01  }
0x3a: {  	[timem:s3], [sflag:s2] =	dma.local @!p0 [hbm:s0], s1  }
0x3b: {  	s0 =	simm.s32 @!p0 $0x1  }
0x3c: {  	_ =	swait.ge @!p0 [sflag:s0], s1  }
0x3d: {  	s1 =	ssub.s32 @!p0 $0x0, s1;
	[sflag:s0] =	ssyncset.done @!p0 $0x0  }
0x3e: {  	[sflag:s0] =	ssyncadd.s32 @!p0 s1  }
0x3f: {  	[bflag:$0x3] =	sbarrier.arrive $0xFFFF  }
0x40: {  	_ =	shalt  }

</sc_bundles>
